<compile_context>
chip_gen: v7x
topology: tpu7x:2x2x1
jax: 0.10.2.dev20260603
libtpu: 0.0.44.dev20260713+nightly
codegen_flags: <defaults>
</compile_context>

<pallas_src>
import functools

import jax
import jax.numpy as jnp
from jax import lax
from jax.experimental import pallas as pl
from jax.experimental.pallas import tpu as pltpu
from jax.experimental.pallas import tpu_sc as plsc

NUM_CORES = 2
NUM_SUBCORES = 16
NUM_WORKERS = NUM_CORES * NUM_SUBCORES
LANES = 16

D = 32
L = 50
BLK = 128
NBUF = 8
AHEAD = 6
TBUF = 4
PADW = BLK + 1


def _sc_body(blocks_per_worker, cat_hbm, table_hbm, out_hbm,
             idx_all, idx_list, rows_v, tile_v, gsems, osems):
    wid = lax.axis_index("s") * NUM_CORES + lax.axis_index("c")
    n_units = blocks_per_worker * L
    rows_per_worker = blocks_per_worker * BLK
    total_blocks = NUM_WORKERS * blocks_per_worker

    pltpu.sync_copy(cat_hbm.at[pl.ds(wid * rows_per_worker * L,
                                     rows_per_worker * L)], idx_all)

    iota = lax.iota(jnp.int32, LANES)
    iota_l = iota * L
    d8_vec = lax.rem(iota, 8)
    r_vec = [iota // 8, iota // 8 + 2]

    def build_and_gather(u, buf):
        blk = u // L
        l = lax.rem(u, L)
        base = blk * (BLK * L) + l
        for c16 in range(BLK // LANES):
            src = iota_l + (base + c16 * (LANES * L))
            vals = plsc.load_gather(idx_all, [src])
            idx_list[buf, pl.ds(c16 * LANES, LANES)] = vals
        pltpu.async_copy(
            table_hbm.at[idx_list.at[buf]],
            rows_v.at[buf],
            gsems.at[buf],
        )

    def wait_gather(buf):
        pltpu.make_async_copy(
            table_hbm.at[idx_list.at[buf]],
            rows_v.at[buf],
            gsems.at[buf],
        ).wait()

    def wait_out(t):
        for r in range(4):
            pltpu.make_async_copy(
                tile_v.at[t, r, :, pl.ds(0, BLK)],
                out_hbm.at[pl.ds(0, 8)],
                osems.at[t],
            ).wait()

    for p in range(AHEAD):
        build_and_gather(p, p)

    def unit_body(u, _):
        cur = lax.rem(u, NBUF)
        t = lax.rem(u, TBUF)

        @pl.when(u + AHEAD < n_units)
        def _():
            build_and_gather(u + AHEAD, lax.rem(u + AHEAD, NBUF))

        wait_gather(cur)

        @pl.when(u >= TBUF)
        def _():
            wait_out(t)

        tiles = tile_v.at[t]

        @pl.loop(0, BLK, unroll=16)
        def _(k):
            k_b = jnp.broadcast_to(k, (LANES,))
            for half in range(2):
                v = rows_v[cur, k, pl.ds(half * LANES, LANES)]
                plsc.store_scatter(
                    tiles,
                    [r_vec[half], d8_vec, k_b],
                    jnp.maximum(v, 0.0),
                )

        blk = u // L
        l = lax.rem(u, L)
        col = wid * blocks_per_worker + blk
        for r in range(4):
            row0 = ((l * 4 + r) * total_blocks + col) * 8
            pltpu.async_copy(
                tile_v.at[t, r, :, pl.ds(0, BLK)],
                out_hbm.at[pl.ds(row0, 8)],
                osems.at[t],
            )

    lax.fori_loop(0, n_units, unit_body, None)

    for p in range(TBUF):
        wait_out(lax.rem(n_units + p, TBUF))


@jax.jit
def kernel(categories, table):
    batch, hist = categories.shape
    V = table.shape[0]
    blocks_per_worker = batch // (NUM_WORKERS * BLK)
    flat_idx = categories.reshape(batch * hist).astype(jnp.int32)

    mesh = plsc.VectorSubcoreMesh(
        core_axis_name="c", subcore_axis_name="s",
        num_cores=NUM_CORES, num_subcores=NUM_SUBCORES,
    )


    out = pl.kernel(
        functools.partial(_sc_body, blocks_per_worker),
        out_type=jax.ShapeDtypeStruct((batch * hist * D // BLK, BLK), jnp.float32),
        mesh=mesh,
        compiler_params=pltpu.CompilerParams(
            use_tc_tiling_on_sc=False, needs_layout_passes=False),
        scratch_types=[
            pltpu.VMEM((batch // NUM_WORKERS * hist,), jnp.int32),
            pltpu.VMEM((NBUF, BLK), jnp.int32),
            pltpu.VMEM((NBUF, BLK, D), jnp.float32),
            pltpu.VMEM((TBUF, 4, 8, PADW), jnp.float32),
            pltpu.SemaphoreType.DMA((NBUF,)),
            pltpu.SemaphoreType.DMA((TBUF,)),
        ],
    )(flat_idx, table)
    out5 = out.reshape(hist, D // 8, batch // BLK, 8, BLK)
    return out5.transpose(2, 4, 0, 1, 3).reshape(batch, hist, D)

# --- scband reference (transcript-rebuilt; emitter-appended) ---
"""Pipeline reference for scband-category-encoder-70205535421285 (READ-ONLY COPY).

The authoritative reference and input builder live on the scoring server;
editing this copy changes nothing except your own understanding.
"""

import jax, jax.numpy as jnp
import numpy as np

CATEGORY_NUM = 1000000
EMBED_DIM = 32
BATCH = 16384
HIST_LEN = 50


def setup_inputs(seed: int = 0) -> dict:
    key = jax.random.key(seed)
    k_idx, k_tab = jax.random.split(key)
    categories = jax.random.randint(k_idx, (BATCH, HIST_LEN), 0, CATEGORY_NUM)
    table = jax.random.normal(k_tab, (CATEGORY_NUM, EMBED_DIM), dtype=jnp.float32)
    # padding_idx=0: embedding row 0 is zeros
    table = table.at[0].set(0.0)
    return {"categories": categories, "table": table}


def reference(categories, table):
    # nn.Embedding lookup (gather rows)
    emb = jnp.take(table, categories, axis=0)  # [B, L, D]
    # F.relu
    out = jax.nn.relu(emb)
    # F.dropout with training=False (module in eval mode) is identity
    return out

if __name__ == "__main__":
    import jax
    _d = setup_inputs()
    print(jax.jit(kernel)(*tuple(_d.values())))

</pallas_src>

<mosaic_0001>
#map = affine_map<(d0, d1) -> (0)>
#map1 = affine_map<(d0, d1) -> (0, 0)>
module attributes {stable_mosaic.version = 14 : i64} {
  func.func @_sc_body(%arg0: i32, %arg1: i32, %arg2: memref<819200xi32, #tpu.memory_space<hbm>>, %arg3: memref<1000000x32xf32, #tpu.memory_space<hbm>>, %arg4: memref<204800x128xf32, #tpu.memory_space<hbm>>, %arg5: memref<25600xi32, #tpu.memory_space<vmem>>, %arg6: memref<8x128xi32, #tpu.memory_space<vmem>>, %arg7: memref<8x128x32xf32, #tpu.memory_space<vmem>>, %arg8: memref<4x4x8x129xf32, #tpu.memory_space<vmem>>, %arg9: memref<8x!tpu.dma_semaphore, #tpu.memory_space<semaphore_mem>>, %arg10: memref<4x!tpu.dma_semaphore, #tpu.memory_space<semaphore_mem>>) attributes {dimension_semantics = [#tpu.dimension_semantics<core_parallel>, #tpu.dimension_semantics<subcore_parallel>], iteration_bounds = array<i64: 2, 16>, scalar_prefetch = 0 : i64, scratch_operands = 6 : i64, tpu.core_type = #tpu.core_type<sc_vector_subcore>, window_params = [{transform_indices = #map}, {transform_indices = #map1}, {transform_indices = #map1}]} {
    %mul3A = arith.constant 2 : i32
    %mul3A_0 = arith.muli %arg1, %mul3A : i32
    %add3A = arith.addi %mul3A_0, %arg0 : i32
    %mul3A_1 = arith.constant 512 : i32
    %mul3A_2 = arith.muli %add3A, %mul3A_1 : i32
    %mul3A_3 = arith.constant 50 : i32
    %mul3A_4 = arith.muli %mul3A_2, %mul3A_3 : i32
    "tpu.region"() ({
      %run_scoped3A = tpu.sem_alloc : memref<!tpu.dma_semaphore, #tpu.memory_space<semaphore_mem>>
      %dma_start3A_904 = tpu.memref_slice %arg2[%mul3A_4] : memref<819200xi32, #tpu.memory_space<hbm>> -> memref<25600xi32, #tpu.memory_space<hbm>>
      %dma_start3A_905 = tpu.memref_slice %arg2[%mul3A_4] : memref<819200xi32, #tpu.memory_space<hbm>> -> memref<25600xi32, #tpu.memory_space<hbm>>
      tpu.enqueue_dma source(%dma_start3A_905 : memref<25600xi32, #tpu.memory_space<hbm>>) target(%arg5 : memref<25600xi32, #tpu.memory_space<vmem>>) target_semaphore(%run_scoped3A : memref<!tpu.dma_semaphore, #tpu.memory_space<semaphore_mem>>)
      %dma_wait3A_906 = tpu.memref_slice %arg2[%mul3A_4] : memref<819200xi32, #tpu.memory_space<hbm>> -> memref<25600xi32, #tpu.memory_space<hbm>>
      %dma_wait3A_907 = tpu.memref_slice %arg2[%mul3A_4] : memref<819200xi32, #tpu.memory_space<hbm>> -> memref<25600xi32, #tpu.memory_space<hbm>>
      tpu.wait_dma2 semaphore(%run_scoped3A : memref<!tpu.dma_semaphore, #tpu.memory_space<semaphore_mem>>) src(%dma_wait3A_907 : memref<25600xi32, #tpu.memory_space<hbm>>) dst(%arg5 : memref<25600xi32, #tpu.memory_space<vmem>>)
      tpu.yield
    }) : () -> ()
    %iota3A = tpu.iota {dimensions = array<i32: 0>} : vector<16xi32>
    %mul3A_5 = arith.constant 50 : i32
    %mul3A_6 = vector.broadcast %mul3A_5 : i32 to vector<16xi32>
    %mul3A_7 = arith.muli %iota3A, %mul3A_6 : vector<16xi32>
    %rem3A = arith.constant 8 : i32
    %rem3A_8 = vector.broadcast %rem3A : i32 to vector<16xi32>
    %rem3A_9 = arith.remsi %iota3A, %rem3A_8 : vector<16xi32>
    %jit3A = arith.constant 8 : i32
    %div3A = vector.broadcast %jit3A : i32 to vector<16xi32>
    %div3A_10 = arith.divsi %iota3A, %div3A : vector<16xi32>
    %sign3A = arith.constant 0 : i32
    %sign3A_11 = vector.broadcast %sign3A : i32 to vector<16xi32>
    %sign3A_12 = arith.cmpi sgt, %iota3A, %sign3A_11 : vector<16xi32>
    %sign3A_13 = arith.extui %sign3A_12 : vector<16xi1> to vector<16xi32>
    %sign3A_14 = arith.constant 0 : i32
    %sign3A_15 = vector.broadcast %sign3A_14 : i32 to vector<16xi32>
    %sign3A_16 = arith.cmpi slt, %iota3A, %sign3A_15 : vector<16xi32>
    %sign3A_17 = arith.extui %sign3A_16 : vector<16xi1> to vector<16xi32>
    %sign3A_18 = arith.subi %sign3A_13, %sign3A_17 : vector<16xi32>
    %sign3A_19 = arith.constant 0 : i32
    %sign3A_20 = arith.cmpi sgt, %jit3A, %sign3A_19 : i32
    %sign3A_21 = arith.extui %sign3A_20 : i1 to i32
    %sign3A_22 = arith.constant 0 : i32
    %sign3A_23 = arith.cmpi slt, %jit3A, %sign3A_22 : i32
    %sign3A_24 = arith.extui %sign3A_23 : i1 to i32
    %sign3A_25 = arith.subi %sign3A_21, %sign3A_24 : i32
    %ne3A = vector.broadcast %sign3A_25 : i32 to vector<16xi32>
    %ne3A_26 = arith.cmpi ne, %sign3A_18, %ne3A : vector<16xi32>
    %rem3A_27 = vector.broadcast %jit3A : i32 to vector<16xi32>
    %rem3A_28 = arith.remsi %iota3A, %rem3A_27 : vector<16xi32>
    %ne3A_29 = arith.constant 0 : i32
    %ne3A_30 = vector.broadcast %ne3A_29 : i32 to vector<16xi32>
    %ne3A_31 = arith.cmpi ne, %rem3A_28, %ne3A_30 : vector<16xi32>
    %and3A = arith.andi %ne3A_26, %ne3A_31 : vector<16xi1>
    %sub3A = arith.constant 1 : i32
    %sub3A_32 = vector.broadcast %sub3A : i32 to vector<16xi32>
    %sub3A_33 = arith.subi %div3A_10, %sub3A_32 : vector<16xi32>
    %select_n3A = arith.select %and3A, %sub3A_33, %div3A_10 : vector<16xi1>, vector<16xi32>
    %jit3A_34 = arith.constant 8 : i32
    %div3A_35 = vector.broadcast %jit3A_34 : i32 to vector<16xi32>
    %div3A_36 = arith.divsi %iota3A, %div3A_35 : vector<16xi32>
    %sign3A_37 = arith.constant 0 : i32
    %sign3A_38 = vector.broadcast %sign3A_37 : i32 to vector<16xi32>
    %sign3A_39 = arith.cmpi sgt, %iota3A, %sign3A_38 : vector<16xi32>
    %sign3A_40 = arith.extui %sign3A_39 : vector<16xi1> to vector<16xi32>
    %sign3A_41 = arith.constant 0 : i32
    %sign3A_42 = vector.broadcast %sign3A_41 : i32 to vector<16xi32>
    %sign3A_43 = arith.cmpi slt, %iota3A, %sign3A_42 : vector<16xi32>
    %sign3A_44 = arith.extui %sign3A_43 : vector<16xi1> to vector<16xi32>
    %sign3A_45 = arith.subi %sign3A_40, %sign3A_44 : vector<16xi32>
    %sign3A_46 = arith.constant 0 : i32
    %sign3A_47 = arith.cmpi sgt, %jit3A_34, %sign3A_46 : i32
    %sign3A_48 = arith.extui %sign3A_47 : i1 to i32
    %sign3A_49 = arith.constant 0 : i32
    %sign3A_50 = arith.cmpi slt, %jit3A_34, %sign3A_49 : i32
    %sign3A_51 = arith.extui %sign3A_50 : i1 to i32
    %sign3A_52 = arith.subi %sign3A_48, %sign3A_51 : i32
    %ne3A_53 = vector.broadcast %sign3A_52 : i32 to vector<16xi32>
    %ne3A_54 = arith.cmpi ne, %sign3A_45, %ne3A_53 : vector<16xi32>
    %rem3A_55 = vector.broadcast %jit3A_34 : i32 to vector<16xi32>
    %rem3A_56 = arith.remsi %iota3A, %rem3A_55 : vector<16xi32>
    %ne3A_57 = arith.constant 0 : i32
    %ne3A_58 = vector.broadcast %ne3A_57 : i32 to vector<16xi32>
    %ne3A_59 = arith.cmpi ne, %rem3A_56, %ne3A_58 : vector<16xi32>
    %and3A_60 = arith.andi %ne3A_54, %ne3A_59 : vector<16xi1>
    %sub3A_61 = arith.constant 1 : i32
    %sub3A_62 = vector.broadcast %sub3A_61 : i32 to vector<16xi32>
    %sub3A_63 = arith.subi %div3A_36, %sub3A_62 : vector<16xi32>
    %select_n3A_64 = arith.select %and3A_60, %sub3A_63, %div3A_36 : vector<16xi1>, vector<16xi32>
    %add3A_65 = arith.constant 2 : i32
    %add3A_66 = vector.broadcast %add3A_65 : i32 to vector<16xi32>
    %add3A_67 = arith.addi %select_n3A_64, %add3A_66 : vector<16xi32>
    %rem3A_68 = arith.constant 0 : i32
    %rem3A_69 = arith.constant 50 : i32
    %rem3A_70 = arith.remsi %rem3A_68, %rem3A_69 : i32
    %add3A_71 = arith.constant 0 : i32
    %add3A_72 = arith.addi %add3A_71, %rem3A_70 : i32
    %add3A_73 = arith.constant 0 : i32
    %add3A_74 = arith.addi %add3A_72, %add3A_73 : i32
    %add3A_75 = vector.broadcast %add3A_74 : i32 to vector<16xi32>
    %add3A_76 = arith.addi %mul3A_7, %add3A_75 : vector<16xi32>
    %gather3A = tpu.vector_load_idx %arg5[%add3A_76] : memref<25600xi32, #tpu.memory_space<vmem>>[vector<16xi32>], vector<16xi32>,
    %swap3A = arith.constant 0 : i32
    %swap3A_77 = arith.index_cast %swap3A : i32 to index
    %swap3A_78 = arith.constant 0 : index
    %swap3A_79 = tpu.vector_load %arg6[%swap3A_77, %swap3A_78] {strides = array<i32>} : memref<8x128xi32, #tpu.memory_space<vmem>>, vector<16xi32>,
    tpu.vector_store %arg6[%swap3A_77, %swap3A_78], %gather3A {strides = array<i32>} : memref<8x128xi32, #tpu.memory_space<vmem>>, vector<16xi32>,
    %add3A_80 = arith.constant 800 : i32
    %add3A_81 = arith.addi %add3A_72, %add3A_80 : i32
    %add3A_82 = vector.broadcast %add3A_81 : i32 to vector<16xi32>
    %add3A_83 = arith.addi %mul3A_7, %add3A_82 : vector<16xi32>
    %gather3A_84 = tpu.vector_load_idx %arg5[%add3A_83] : memref<25600xi32, #tpu.memory_space<vmem>>[vector<16xi32>], vector<16xi32>,
    %swap3A_85 = arith.constant 0 : i32
    %swap3A_86 = arith.index_cast %swap3A_85 : i32 to index
    %swap3A_87 = arith.constant 16 : index
    %swap3A_88 = tpu.vector_load %arg6[%swap3A_86, %swap3A_87] {strides = array<i32>} : memref<8x128xi32, #tpu.memory_space<vmem>>, vector<16xi32>,
    tpu.vector_store %arg6[%swap3A_86, %swap3A_87], %gather3A_84 {strides = array<i32>} : memref<8x128xi32, #tpu.memory_space<vmem>>, vector<16xi32>,
    %add3A_89 = arith.constant 1600 : i32
    %add3A_90 = arith.addi %add3A_72, %add3A_89 : i32
    %add3A_91 = vector.broadcast %add3A_90 : i32 to vector<16xi32>
    %add3A_92 = arith.addi %mul3A_7, %add3A_91 : vector<16xi32>
    %gather3A_93 = tpu.vector_load_idx %arg5[%add3A_92] : memref<25600xi32, #tpu.memory_space<vmem>>[vector<16xi32>], vector<16xi32>,
    %swap3A_94 = arith.constant 0 : i32
    %swap3A_95 = arith.index_cast %swap3A_94 : i32 to index
    %swap3A_96 = arith.constant 32 : index
    %swap3A_97 = tpu.vector_load %arg6[%swap3A_95, %swap3A_96] {strides = array<i32>} : memref<8x128xi32, #tpu.memory_space<vmem>>, vector<16xi32>,
    tpu.vector_store %arg6[%swap3A_95, %swap3A_96], %gather3A_93 {strides = array<i32>} : memref<8x128xi32, #tpu.memory_space<vmem>>, vector<16xi32>,
    %add3A_98 = arith.constant 2400 : i32
    %add3A_99 = arith.addi %add3A_72, %add3A_98 : i32
    %add3A_100 = vector.broadcast %add3A_99 : i32 to vector<16xi32>
    %add3A_101 = arith.addi %mul3A_7, %add3A_100 : vector<16xi32>
    %gather3A_102 = tpu.vector_load_idx %arg5[%add3A_101] : memref<25600xi32, #tpu.memory_space<vmem>>[vector<16xi32>], vector<16xi32>,
    %swap3A_103 = arith.constant 0 : i32
    %swap3A_104 = arith.index_cast %swap3A_103 : i32 to index
    %swap3A_105 = arith.constant 48 : index
    %swap3A_106 = tpu.vector_load %arg6[%swap3A_104, %swap3A_105] {strides = array<i32>} : memref<8x128xi32, #tpu.memory_space<vmem>>, vector<16xi32>,
    tpu.vector_store %arg6[%swap3A_104, %swap3A_105], %gather3A_102 {strides = array<i32>} : memref<8x128xi32, #tpu.memory_space<vmem>>, vector<16xi32>,
    %add3A_107 = arith.constant 3200 : i32
    %add3A_108 = arith.addi %add3A_72, %add3A_107 : i32
    %add3A_109 = vector.broadcast %add3A_108 : i32 to vector<16xi32>
    %add3A_110 = arith.addi %mul3A_7, %add3A_109 : vector<16xi32>
    %gather3A_111 = tpu.vector_load_idx %arg5[%add3A_110] : memref<25600xi32, #tpu.memory_space<vmem>>[vector<16xi32>], vector<16xi32>,
    %swap3A_112 = arith.constant 0 : i32
    %swap3A_113 = arith.index_cast %swap3A_112 : i32 to index
    %swap3A_114 = arith.constant 64 : index
    %swap3A_115 = tpu.vector_load %arg6[%swap3A_113, %swap3A_114] {strides = array<i32>} : memref<8x128xi32, #tpu.memory_space<vmem>>, vector<16xi32>,
    tpu.vector_store %arg6[%swap3A_113, %swap3A_114], %gather3A_111 {strides = array<i32>} : memref<8x128xi32, #tpu.memory_space<vmem>>, vector<16xi32>,
    %add3A_116 = arith.constant 4000 : i32
    %add3A_117 = arith.addi %add3A_72, %add3A_116 : i32
    %add3A_118 = vector.broadcast %add3A_117 : i32 to vector<16xi32>
    %add3A_119 = arith.addi %mul3A_7, %add3A_118 : vector<16xi32>
    %gather3A_120 = tpu.vector_load_idx %arg5[%add3A_119] : memref<25600xi32, #tpu.memory_space<vmem>>[vector<16xi32>], vector<16xi32>,
    %swap3A_121 = arith.constant 0 : i32
    %swap3A_122 = arith.index_cast %swap3A_121 : i32 to index
    %swap3A_123 = arith.constant 80 : index
    %swap3A_124 = tpu.vector_load %arg6[%swap3A_122, %swap3A_123] {strides = array<i32>} : memref<8x128xi32, #tpu.memory_space<vmem>>, vector<16xi32>,
    tpu.vector_store %arg6[%swap3A_122, %swap3A_123], %gather3A_120 {strides = array<i32>} : memref<8x128xi32, #tpu.memory_space<vmem>>, vector<16xi32>,
    %add3A_125 = arith.constant 4800 : i32
    %add3A_126 = arith.addi %add3A_72, %add3A_125 : i32
    %add3A_127 = vector.broadcast %add3A_126 : i32 to vector<16xi32>
    %add3A_128 = arith.addi %mul3A_7, %add3A_127 : vector<16xi32>
    %gather3A_129 = tpu.vector_load_idx %arg5[%add3A_128] : memref<25600xi32, #tpu.memory_space<vmem>>[vector<16xi32>], vector<16xi32>,
    %swap3A_130 = arith.constant 0 : i32
    %swap3A_131 = arith.index_cast %swap3A_130 : i32 to index
    %swap3A_132 = arith.constant 96 : index
    %swap3A_133 = tpu.vector_load %arg6[%swap3A_131, %swap3A_132] {strides = array<i32>} : memref<8x128xi32, #tpu.memory_space<vmem>>, vector<16xi32>,
    tpu.vector_store %arg6[%swap3A_131, %swap3A_132], %gather3A_129 {strides = array<i32>} : memref<8x128xi32, #tpu.memory_space<vmem>>, vector<16xi32>,
    %add3A_134 = arith.constant 5600 : i32
    %add3A_135 = arith.addi %add3A_72, %add3A_134 : i32
    %add3A_136 = vector.broadcast %add3A_135 : i32 to vector<16xi32>
    %add3A_137 = arith.addi %mul3A_7, %add3A_136 : vector<16xi32>
    %gather3A_138 = tpu.vector_load_idx %arg5[%add3A_137] : memref<25600xi32, #tpu.memory_space<vmem>>[vector<16xi32>], vector<16xi32>,
    %swap3A_139 = arith.constant 0 : i32
    %swap3A_140 = arith.index_cast %swap3A_139 : i32 to index
    %swap3A_141 = arith.constant 112 : index
    %swap3A_142 = tpu.vector_load %arg6[%swap3A_140, %swap3A_141] {strides = array<i32>} : memref<8x128xi32, #tpu.memory_space<vmem>>, vector<16xi32>,
    tpu.vector_store %arg6[%swap3A_140, %swap3A_141], %gather3A_138 {strides = array<i32>} : memref<8x128xi32, #tpu.memory_space<vmem>>, vector<16xi32>,
    %dma_start3A = arith.constant 0 : i32
    %dma_start3A_143 = arith.constant 0 : i32
    %dma_start3A_144 = arith.constant 0 : i32
    %dma_start3A_145 = arith.constant 0 : i32
    %dma_start3A_146 = arith.constant 0 : i32
    %dma_start3A_147 = tpu.memref_slice %arg7[%dma_start3A_143, %dma_start3A_145, %dma_start3A_146] : memref<8x128x32xf32, #tpu.memory_space<vmem>> -> memref<1x128x32xf32, #tpu.memory_space<vmem>>
    %dma_start3A_148 = tpu.memref_squeeze %dma_start3A_147 : memref<1x128x32xf32, #tpu.memory_space<vmem>> -> memref<128x32xf32, #tpu.memory_space<vmem>>
    %dma_start3A_149 = arith.constant 0 : i32
    %dma_start3A_150 = tpu.memref_slice %arg6[%dma_start3A, %dma_start3A_149] : memref<8x128xi32, #tpu.memory_space<vmem>> -> memref<1x128xi32, #tpu.memory_space<vmem>>
    %dma_start3A_151 = tpu.memref_squeeze %dma_start3A_150 : memref<1x128xi32, #tpu.memory_space<vmem>> -> memref<128xi32, #tpu.memory_space<vmem>>
    %dma_start3A_152 = arith.constant 0 : i32
    %dma_start3A_153 = arith.constant 0 : i32
    %dma_start3A_154 = tpu.memref_slice %arg3[%dma_start3A_152, %dma_start3A_153] : memref<1000000x32xf32, #tpu.memory_space<hbm>> -> memref<1000000x32xf32, #tpu.memory_space<hbm>>
    %dma_start3A_155 = tpu.memref_slice %arg9[%dma_start3A_144] : memref<8x!tpu.dma_semaphore, #tpu.memory_space<semaphore_mem>> -> memref<1x!tpu.dma_semaphore, #tpu.memory_space<semaphore_mem>>
    %dma_start3A_156 = tpu.memref_squeeze %dma_start3A_155 : memref<1x!tpu.dma_semaphore, #tpu.memory_space<semaphore_mem>> -> memref<!tpu.dma_semaphore, #tpu.memory_space<semaphore_mem>>
    tpu.enqueue_indirect_dma source(%dma_start3A_154 : memref<1000000x32xf32, #tpu.memory_space<hbm>>) target(%dma_start3A_148 : memref<128x32xf32, #tpu.memory_space<vmem>>) offsets(%dma_start3A_151 : memref<128xi32, #tpu.memory_space<vmem>>) semaphore(%dma_start3A_156 : memref<!tpu.dma_semaphore, #tpu.memory_space<semaphore_mem>>)
    %rem3A_157 = arith.constant 1 : i32
    %rem3A_158 = arith.constant 50 : i32
    %rem3A_159 = arith.remsi %rem3A_157, %rem3A_158 : i32
    %add3A_160 = arith.constant 0 : i32
    %add3A_161 = arith.addi %add3A_160, %rem3A_159 : i32
    %add3A_162 = arith.constant 0 : i32
    %add3A_163 = arith.addi %add3A_161, %add3A_162 : i32
    %add3A_164 = vector.broadcast %add3A_163 : i32 to vector<16xi32>
    %add3A_165 = arith.addi %mul3A_7, %add3A_164 : vector<16xi32>
    %gather3A_166 = tpu.vector_load_idx %arg5[%add3A_165] : memref<25600xi32, #tpu.memory_space<vmem>>[vector<16xi32>], vector<16xi32>,
    %swap3A_167 = arith.constant 1 : i32
    %swap3A_168 = arith.index_cast %swap3A_167 : i32 to index
    %swap3A_169 = arith.constant 0 : index
    %swap3A_170 = tpu.vector_load %arg6[%swap3A_168, %swap3A_169] {strides = array<i32>} : memref<8x128xi32, #tpu.memory_space<vmem>>, vector<16xi32>,
    tpu.vector_store %arg6[%swap3A_168, %swap3A_169], %gather3A_166 {strides = array<i32>} : memref<8x128xi32, #tpu.memory_space<vmem>>, vector<16xi32>,
    %add3A_171 = arith.constant 800 : i32
    %add3A_172 = arith.addi %add3A_161, %add3A_171 : i32
    %add3A_173 = vector.broadcast %add3A_172 : i32 to vector<16xi32>
    %add3A_174 = arith.addi %mul3A_7, %add3A_173 : vector<16xi32>
    %gather3A_175 = tpu.vector_load_idx %arg5[%add3A_174] : memref<25600xi32, #tpu.memory_space<vmem>>[vector<16xi32>], vector<16xi32>,
    %swap3A_176 = arith.constant 1 : i32
    %swap3A_177 = arith.index_cast %swap3A_176 : i32 to index
    %swap3A_178 = arith.constant 16 : index
    %swap3A_179 = tpu.vector_load %arg6[%swap3A_177, %swap3A_178] {strides = array<i32>} : memref<8x128xi32, #tpu.memory_space<vmem>>, vector<16xi32>,
    tpu.vector_store %arg6[%swap3A_177, %swap3A_178], %gather3A_175 {strides = array<i32>} : memref<8x128xi32, #tpu.memory_space<vmem>>, vector<16xi32>,
    %add3A_180 = arith.constant 1600 : i32
    %add3A_181 = arith.addi %add3A_161, %add3A_180 : i32
    %add3A_182 = vector.broadcast %add3A_181 : i32 to vector<16xi32>
    %add3A_183 = arith.addi %mul3A_7, %add3A_182 : vector<16xi32>
    %gather3A_184 = tpu.vector_load_idx %arg5[%add3A_183] : memref<25600xi32, #tpu.memory_space<vmem>>[vector<16xi32>], vector<16xi32>,
    %swap3A_185 = arith.constant 1 : i32
    %swap3A_186 = arith.index_cast %swap3A_185 : i32 to index
    %swap3A_187 = arith.constant 32 : index
    %swap3A_188 = tpu.vector_load %arg6[%swap3A_186, %swap3A_187] {strides = array<i32>} : memref<8x128xi32, #tpu.memory_space<vmem>>, vector<16xi32>,
    tpu.vector_store %arg6[%swap3A_186, %swap3A_187], %gather3A_184 {strides = array<i32>} : memref<8x128xi32, #tpu.memory_space<vmem>>, vector<16xi32>,
    %add3A_189 = arith.constant 2400 : i32
    %add3A_190 = arith.addi %add3A_161, %add3A_189 : i32
    %add3A_191 = vector.broadcast %add3A_190 : i32 to vector<16xi32>
    %add3A_192 = arith.addi %mul3A_7, %add3A_191 : vector<16xi32>
    %gather3A_193 = tpu.vector_load_idx %arg5[%add3A_192] : memref<25600xi32, #tpu.memory_space<vmem>>[vector<16xi32>], vector<16xi32>,
    %swap3A_194 = arith.constant 1 : i32
    %swap3A_195 = arith.index_cast %swap3A_194 : i32 to index
    %swap3A_196 = arith.constant 48 : index
    %swap3A_197 = tpu.vector_load %arg6[%swap3A_195, %swap3A_196] {strides = array<i32>} : memref<8x128xi32, #tpu.memory_space<vmem>>, vector<16xi32>,
    tpu.vector_store %arg6[%swap3A_195, %swap3A_196], %gather3A_193 {strides = array<i32>} : memref<8x128xi32, #tpu.memory_space<vmem>>, vector<16xi32>,
    %add3A_198 = arith.constant 3200 : i32
    %add3A_199 = arith.addi %add3A_161, %add3A_198 : i32
    %add3A_200 = vector.broadcast %add3A_199 : i32 to vector<16xi32>
    %add3A_201 = arith.addi %mul3A_7, %add3A_200 : vector<16xi32>
    %gather3A_202 = tpu.vector_load_idx %arg5[%add3A_201] : memref<25600xi32, #tpu.memory_space<vmem>>[vector<16xi32>], vector<16xi32>,
    %swap3A_203 = arith.constant 1 : i32
    %swap3A_204 = arith.index_cast %swap3A_203 : i32 to index
    %swap3A_205 = arith.constant 64 : index
    %swap3A_206 = tpu.vector_load %arg6[%swap3A_204, %swap3A_205] {strides = array<i32>} : memref<8x128xi32, #tpu.memory_space<vmem>>, vector<16xi32>,
    tpu.vector_store %arg6[%swap3A_204, %swap3A_205], %gather3A_202 {strides = array<i32>} : memref<8x128xi32, #tpu.memory_space<vmem>>, vector<16xi32>,
    %add3A_207 = arith.constant 4000 : i32
    %add3A_208 = arith.addi %add3A_161, %add3A_207 : i32
    %add3A_209 = vector.broadcast %add3A_208 : i32 to vector<16xi32>
    %add3A_210 = arith.addi %mul3A_7, %add3A_209 : vector<16xi32>
    %gather3A_211 = tpu.vector_load_idx %arg5[%add3A_210] : memref<25600xi32, #tpu.memory_space<vmem>>[vector<16xi32>], vector<16xi32>,
    %swap3A_212 = arith.constant 1 : i32
    %swap3A_213 = arith.index_cast %swap3A_212 : i32 to index
    %swap3A_214 = arith.constant 80 : index
    %swap3A_215 = tpu.vector_load %arg6[%swap3A_213, %swap3A_214] {strides = array<i32>} : memref<8x128xi32, #tpu.memory_space<vmem>>, vector<16xi32>,
    tpu.vector_store %arg6[%swap3A_213, %swap3A_214], %gather3A_211 {strides = array<i32>} : memref<8x128xi32, #tpu.memory_space<vmem>>, vector<16xi32>,
    %add3A_216 = arith.constant 4800 : i32
    %add3A_217 = arith.addi %add3A_161, %add3A_216 : i32
    %add3A_218 = vector.broadcast %add3A_217 : i32 to vector<16xi32>
    %add3A_219 = arith.addi %mul3A_7, %add3A_218 : vector<16xi32>
    %gather3A_220 = tpu.vector_load_idx %arg5[%add3A_219] : memref<25600xi32, #tpu.memory_space<vmem>>[vector<16xi32>], vector<16xi32>,
    %swap3A_221 = arith.constant 1 : i32
    %swap3A_222 = arith.index_cast %swap3A_221 : i32 to index
    %swap3A_223 = arith.constant 96 : index
    %swap3A_224 = tpu.vector_load %arg6[%swap3A_222, %swap3A_223] {strides = array<i32>} : memref<8x128xi32, #tpu.memory_space<vmem>>, vector<16xi32>,
    tpu.vector_store %arg6[%swap3A_222, %swap3A_223], %gather3A_220 {strides = array<i32>} : memref<8x128xi32, #tpu.memory_space<vmem>>, vector<16xi32>,
    %add3A_225 = arith.constant 5600 : i32
    %add3A_226 = arith.addi %add3A_161, %add3A_225 : i32
    %add3A_227 = vector.broadcast %add3A_226 : i32 to vector<16xi32>
    %add3A_228 = arith.addi %mul3A_7, %add3A_227 : vector<16xi32>
    %gather3A_229 = tpu.vector_load_idx %arg5[%add3A_228] : memref<25600xi32, #tpu.memory_space<vmem>>[vector<16xi32>], vector<16xi32>,
    %swap3A_230 = arith.constant 1 : i32
    %swap3A_231 = arith.index_cast %swap3A_230 : i32 to index
    %swap3A_232 = arith.constant 112 : index
    %swap3A_233 = tpu.vector_load %arg6[%swap3A_231, %swap3A_232] {strides = array<i32>} : memref<8x128xi32, #tpu.memory_space<vmem>>, vector<16xi32>,
    tpu.vector_store %arg6[%swap3A_231, %swap3A_232], %gather3A_229 {strides = array<i32>} : memref<8x128xi32, #tpu.memory_space<vmem>>, vector<16xi32>,
    %dma_start3A_234 = arith.constant 1 : i32
    %dma_start3A_235 = arith.constant 1 : i32
    %dma_start3A_236 = arith.constant 1 : i32
    %dma_start3A_237 = arith.constant 0 : i32
    %dma_start3A_238 = arith.constant 0 : i32
    %dma_start3A_239 = tpu.memref_slice %arg7[%dma_start3A_235, %dma_start3A_237, %dma_start3A_238] : memref<8x128x32xf32, #tpu.memory_space<vmem>> -> memref<1x128x32xf32, #tpu.memory_space<vmem>>
    %dma_start3A_240 = tpu.memref_squeeze %dma_start3A_239 : memref<1x128x32xf32, #tpu.memory_space<vmem>> -> memref<128x32xf32, #tpu.memory_space<vmem>>
    %dma_start3A_241 = arith.constant 0 : i32
    %dma_start3A_242 = tpu.memref_slice %arg6[%dma_start3A_234, %dma_start3A_241] : memref<8x128xi32, #tpu.memory_space<vmem>> -> memref<1x128xi32, #tpu.memory_space<vmem>>
    %dma_start3A_243 = tpu.memref_squeeze %dma_start3A_242 : memref<1x128xi32, #tpu.memory_space<vmem>> -> memref<128xi32, #tpu.memory_space<vmem>>
    %dma_start3A_244 = arith.constant 0 : i32
    %dma_start3A_245 = arith.constant 0 : i32
    %dma_start3A_246 = tpu.memref_slice %arg3[%dma_start3A_244, %dma_start3A_245] : memref<1000000x32xf32, #tpu.memory_space<hbm>> -> memref<1000000x32xf32, #tpu.memory_space<hbm>>
    %dma_start3A_247 = tpu.memref_slice %arg9[%dma_start3A_236] : memref<8x!tpu.dma_semaphore, #tpu.memory_space<semaphore_mem>> -> memref<1x!tpu.dma_semaphore, #tpu.memory_space<semaphore_mem>>
    %dma_start3A_248 = tpu.memref_squeeze %dma_start3A_247 : memref<1x!tpu.dma_semaphore, #tpu.memory_space<semaphore_mem>> -> memref<!tpu.dma_semaphore, #tpu.memory_space<semaphore_mem>>
    tpu.enqueue_indirect_dma source(%dma_start3A_246 : memref<1000000x32xf32, #tpu.memory_space<hbm>>) target(%dma_start3A_240 : memref<128x32xf32, #tpu.memory_space<vmem>>) offsets(%dma_start3A_243 : memref<128xi32, #tpu.memory_space<vmem>>) semaphore(%dma_start3A_248 : memref<!tpu.dma_semaphore, #tpu.memory_space<semaphore_mem>>)
    %rem3A_249 = arith.constant 2 : i32
    %rem3A_250 = arith.constant 50 : i32
    %rem3A_251 = arith.remsi %rem3A_249, %rem3A_250 : i32
    %add3A_252 = arith.constant 0 : i32
    %add3A_253 = arith.addi %add3A_252, %rem3A_251 : i32
    %add3A_254 = arith.constant 0 : i32
    %add3A_255 = arith.addi %add3A_253, %add3A_254 : i32
    %add3A_256 = vector.broadcast %add3A_255 : i32 to vector<16xi32>
    %add3A_257 = arith.addi %mul3A_7, %add3A_256 : vector<16xi32>
    %gather3A_258 = tpu.vector_load_idx %arg5[%add3A_257] : memref<25600xi32, #tpu.memory_space<vmem>>[vector<16xi32>], vector<16xi32>,
    %swap3A_259 = arith.constant 2 : i32
    %swap3A_260 = arith.index_cast %swap3A_259 : i32 to index
    %swap3A_261 = arith.constant 0 : index
    %swap3A_262 = tpu.vector_load %arg6[%swap3A_260, %swap3A_261] {strides = array<i32>} : memref<8x128xi32, #tpu.memory_space<vmem>>, vector<16xi32>,
    tpu.vector_store %arg6[%swap3A_260, %swap3A_261], %gather3A_258 {strides = array<i32>} : memref<8x128xi32, #tpu.memory_space<vmem>>, vector<16xi32>,
    %add3A_263 = arith.constant 800 : i32
    %add3A_264 = arith.addi %add3A_253, %add3A_263 : i32
    %add3A_265 = vector.broadcast %add3A_264 : i32 to vector<16xi32>
    %add3A_266 = arith.addi %mul3A_7, %add3A_265 : vector<16xi32>
    %gather3A_267 = tpu.vector_load_idx %arg5[%add3A_266] : memref<25600xi32, #tpu.memory_space<vmem>>[vector<16xi32>], vector<16xi32>,
    %swap3A_268 = arith.constant 2 : i32
    %swap3A_269 = arith.index_cast %swap3A_268 : i32 to index
    %swap3A_270 = arith.constant 16 : index
    %swap3A_271 = tpu.vector_load %arg6[%swap3A_269, %swap3A_270] {strides = array<i32>} : memref<8x128xi32, #tpu.memory_space<vmem>>, vector<16xi32>,
    tpu.vector_store %arg6[%swap3A_269, %swap3A_270], %gather3A_267 {strides = array<i32>} : memref<8x128xi32, #tpu.memory_space<vmem>>, vector<16xi32>,
    %add3A_272 = arith.constant 1600 : i32
    %add3A_273 = arith.addi %add3A_253, %add3A_272 : i32
    %add3A_274 = vector.broadcast %add3A_273 : i32 to vector<16xi32>
    %add3A_275 = arith.addi %mul3A_7, %add3A_274 : vector<16xi32>
    %gather3A_276 = tpu.vector_load_idx %arg5[%add3A_275] : memref<25600xi32, #tpu.memory_space<vmem>>[vector<16xi32>], vector<16xi32>,
    %swap3A_277 = arith.constant 2 : i32
    %swap3A_278 = arith.index_cast %swap3A_277 : i32 to index
    %swap3A_279 = arith.constant 32 : index
    %swap3A_280 = tpu.vector_load %arg6[%swap3A_278, %swap3A_279] {strides = array<i32>} : memref<8x128xi32, #tpu.memory_space<vmem>>, vector<16xi32>,
    tpu.vector_store %arg6[%swap3A_278, %swap3A_279], %gather3A_276 {strides = array<i32>} : memref<8x128xi32, #tpu.memory_space<vmem>>, vector<16xi32>,
    %add3A_281 = arith.constant 2400 : i32
    %add3A_282 = arith.addi %add3A_253, %add3A_281 : i32
    %add3A_283 = vector.broadcast %add3A_282 : i32 to vector<16xi32>
    %add3A_284 = arith.addi %mul3A_7, %add3A_283 : vector<16xi32>
    %gather3A_285 = tpu.vector_load_idx %arg5[%add3A_284] : memref<25600xi32, #tpu.memory_space<vmem>>[vector<16xi32>], vector<16xi32>,
    %swap3A_286 = arith.constant 2 : i32
    %swap3A_287 = arith.index_cast %swap3A_286 : i32 to index
    %swap3A_288 = arith.constant 48 : index
    %swap3A_289 = tpu.vector_load %arg6[%swap3A_287, %swap3A_288] {strides = array<i32>} : memref<8x128xi32, #tpu.memory_space<vmem>>, vector<16xi32>,
    tpu.vector_store %arg6[%swap3A_287, %swap3A_288], %gather3A_285 {strides = array<i32>} : memref<8x128xi32, #tpu.memory_space<vmem>>, vector<16xi32>,
    %add3A_290 = arith.constant 3200 : i32
    %add3A_291 = arith.addi %add3A_253, %add3A_290 : i32
    %add3A_292 = vector.broadcast %add3A_291 : i32 to vector<16xi32>
    %add3A_293 = arith.addi %mul3A_7, %add3A_292 : vector<16xi32>
    %gather3A_294 = tpu.vector_load_idx %arg5[%add3A_293] : memref<25600xi32, #tpu.memory_space<vmem>>[vector<16xi32>], vector<16xi32>,
    %swap3A_295 = arith.constant 2 : i32
    %swap3A_296 = arith.index_cast %swap3A_295 : i32 to index
    %swap3A_297 = arith.constant 64 : index
    %swap3A_298 = tpu.vector_load %arg6[%swap3A_296, %swap3A_297] {strides = array<i32>} : memref<8x128xi32, #tpu.memory_space<vmem>>, vector<16xi32>,
    tpu.vector_store %arg6[%swap3A_296, %swap3A_297], %gather3A_294 {strides = array<i32>} : memref<8x128xi32, #tpu.memory_space<vmem>>, vector<16xi32>,
    %add3A_299 = arith.constant 4000 : i32
    %add3A_300 = arith.addi %add3A_253, %add3A_299 : i32
    %add3A_301 = vector.broadcast %add3A_300 : i32 to vector<16xi32>
    %add3A_302 = arith.addi %mul3A_7, %add3A_301 : vector<16xi32>
    %gather3A_303 = tpu.vector_load_idx %arg5[%add3A_302] : memref<25600xi32, #tpu.memory_space<vmem>>[vector<16xi32>], vector<16xi32>,
    %swap3A_304 = arith.constant 2 : i32
    %swap3A_305 = arith.index_cast %swap3A_304 : i32 to index
    %swap3A_306 = arith.constant 80 : index
    %swap3A_307 = tpu.vector_load %arg6[%swap3A_305, %swap3A_306] {strides = array<i32>} : memref<8x128xi32, #tpu.memory_space<vmem>>, vector<16xi32>,
    tpu.vector_store %arg6[%swap3A_305, %swap3A_306], %gather3A_303 {strides = array<i32>} : memref<8x128xi32, #tpu.memory_space<vmem>>, vector<16xi32>,
    %add3A_308 = arith.constant 4800 : i32
    %add3A_309 = arith.addi %add3A_253, %add3A_308 : i32
    %add3A_310 = vector.broadcast %add3A_309 : i32 to vector<16xi32>
    %add3A_311 = arith.addi %mul3A_7, %add3A_310 : vector<16xi32>
    %gather3A_312 = tpu.vector_load_idx %arg5[%add3A_311] : memref<25600xi32, #tpu.memory_space<vmem>>[vector<16xi32>], vector<16xi32>,
    %swap3A_313 = arith.constant 2 : i32
    %swap3A_314 = arith.index_cast %swap3A_313 : i32 to index
    %swap3A_315 = arith.constant 96 : index
    %swap3A_316 = tpu.vector_load %arg6[%swap3A_314, %swap3A_315] {strides = array<i32>} : memref<8x128xi32, #tpu.memory_space<vmem>>, vector<16xi32>,
    tpu.vector_store %arg6[%swap3A_314, %swap3A_315], %gather3A_312 {strides = array<i32>} : memref<8x128xi32, #tpu.memory_space<vmem>>, vector<16xi32>,
    %add3A_317 = arith.constant 5600 : i32
    %add3A_318 = arith.addi %add3A_253, %add3A_317 : i32
    %add3A_319 = vector.broadcast %add3A_318 : i32 to vector<16xi32>
    %add3A_320 = arith.addi %mul3A_7, %add3A_319 : vector<16xi32>
    %gather3A_321 = tpu.vector_load_idx %arg5[%add3A_320] : memref<25600xi32, #tpu.memory_space<vmem>>[vector<16xi32>], vector<16xi32>,
    %swap3A_322 = arith.constant 2 : i32
    %swap3A_323 = arith.index_cast %swap3A_322 : i32 to index
    %swap3A_324 = arith.constant 112 : index
    %swap3A_325 = tpu.vector_load %arg6[%swap3A_323, %swap3A_324] {strides = array<i32>} : memref<8x128xi32, #tpu.memory_space<vmem>>, vector<16xi32>,
    tpu.vector_store %arg6[%swap3A_323, %swap3A_324], %gather3A_321 {strides = array<i32>} : memref<8x128xi32, #tpu.memory_space<vmem>>, vector<16xi32>,
    %dma_start3A_326 = arith.constant 2 : i32
    %dma_start3A_327 = arith.constant 2 : i32
    %dma_start3A_328 = arith.constant 2 : i32
    %dma_start3A_329 = arith.constant 0 : i32
    %dma_start3A_330 = arith.constant 0 : i32
    %dma_start3A_331 = tpu.memref_slice %arg7[%dma_start3A_327, %dma_start3A_329, %dma_start3A_330] : memref<8x128x32xf32, #tpu.memory_space<vmem>> -> memref<1x128x32xf32, #tpu.memory_space<vmem>>
    %dma_start3A_332 = tpu.memref_squeeze %dma_start3A_331 : memref<1x128x32xf32, #tpu.memory_space<vmem>> -> memref<128x32xf32, #tpu.memory_space<vmem>>
    %dma_start3A_333 = arith.constant 0 : i32
    %dma_start3A_334 = tpu.memref_slice %arg6[%dma_start3A_326, %dma_start3A_333] : memref<8x128xi32, #tpu.memory_space<vmem>> -> memref<1x128xi32, #tpu.memory_space<vmem>>
    %dma_start3A_335 = tpu.memref_squeeze %dma_start3A_334 : memref<1x128xi32, #tpu.memory_space<vmem>> -> memref<128xi32, #tpu.memory_space<vmem>>
    %dma_start3A_336 = arith.constant 0 : i32
    %dma_start3A_337 = arith.constant 0 : i32
    %dma_start3A_338 = tpu.memref_slice %arg3[%dma_start3A_336, %dma_start3A_337] : memref<1000000x32xf32, #tpu.memory_space<hbm>> -> memref<1000000x32xf32, #tpu.memory_space<hbm>>
    %dma_start3A_339 = tpu.memref_slice %arg9[%dma_start3A_328] : memref<8x!tpu.dma_semaphore, #tpu.memory_space<semaphore_mem>> -> memref<1x!tpu.dma_semaphore, #tpu.memory_space<semaphore_mem>>
    %dma_start3A_340 = tpu.memref_squeeze %dma_start3A_339 : memref<1x!tpu.dma_semaphore, #tpu.memory_space<semaphore_mem>> -> memref<!tpu.dma_semaphore, #tpu.memory_space<semaphore_mem>>
    tpu.enqueue_indirect_dma source(%dma_start3A_338 : memref<1000000x32xf32, #tpu.memory_space<hbm>>) target(%dma_start3A_332 : memref<128x32xf32, #tpu.memory_space<vmem>>) offsets(%dma_start3A_335 : memref<128xi32, #tpu.memory_space<vmem>>) semaphore(%dma_start3A_340 : memref<!tpu.dma_semaphore, #tpu.memory_space<semaphore_mem>>)
    %rem3A_341 = arith.constant 3 : i32
    %rem3A_342 = arith.constant 50 : i32
    %rem3A_343 = arith.remsi %rem3A_341, %rem3A_342 : i32
    %add3A_344 = arith.constant 0 : i32
    %add3A_345 = arith.addi %add3A_344, %rem3A_343 : i32
    %add3A_346 = arith.constant 0 : i32
    %add3A_347 = arith.addi %add3A_345, %add3A_346 : i32
    %add3A_348 = vector.broadcast %add3A_347 : i32 to vector<16xi32>
    %add3A_349 = arith.addi %mul3A_7, %add3A_348 : vector<16xi32>
    %gather3A_350 = tpu.vector_load_idx %arg5[%add3A_349] : memref<25600xi32, #tpu.memory_space<vmem>>[vector<16xi32>], vector<16xi32>,
    %swap3A_351 = arith.constant 3 : i32
    %swap3A_352 = arith.index_cast %swap3A_351 : i32 to index
    %swap3A_353 = arith.constant 0 : index
    %swap3A_354 = tpu.vector_load %arg6[%swap3A_352, %swap3A_353] {strides = array<i32>} : memref<8x128xi32, #tpu.memory_space<vmem>>, vector<16xi32>,
    tpu.vector_store %arg6[%swap3A_352, %swap3A_353], %gather3A_350 {strides = array<i32>} : memref<8x128xi32, #tpu.memory_space<vmem>>, vector<16xi32>,
    %add3A_355 = arith.constant 800 : i32
    %add3A_356 = arith.addi %add3A_345, %add3A_355 : i32
    %add3A_357 = vector.broadcast %add3A_356 : i32 to vector<16xi32>
    %add3A_358 = arith.addi %mul3A_7, %add3A_357 : vector<16xi32>
    %gather3A_359 = tpu.vector_load_idx %arg5[%add3A_358] : memref<25600xi32, #tpu.memory_space<vmem>>[vector<16xi32>], vector<16xi32>,
    %swap3A_360 = arith.constant 3 : i32
    %swap3A_361 = arith.index_cast %swap3A_360 : i32 to index
    %swap3A_362 = arith.constant 16 : index
    %swap3A_363 = tpu.vector_load %arg6[%swap3A_361, %swap3A_362] {strides = array<i32>} : memref<8x128xi32, #tpu.memory_space<vmem>>, vector<16xi32>,
    tpu.vector_store %arg6[%swap3A_361, %swap3A_362], %gather3A_359 {strides = array<i32>} : memref<8x128xi32, #tpu.memory_space<vmem>>, vector<16xi32>,
    %add3A_364 = arith.constant 1600 : i32
    %add3A_365 = arith.addi %add3A_345, %add3A_364 : i32
    %add3A_366 = vector.broadcast %add3A_365 : i32 to vector<16xi32>
    %add3A_367 = arith.addi %mul3A_7, %add3A_366 : vector<16xi32>
    %gather3A_368 = tpu.vector_load_idx %arg5[%add3A_367] : memref<25600xi32, #tpu.memory_space<vmem>>[vector<16xi32>], vector<16xi32>,
    %swap3A_369 = arith.constant 3 : i32
    %swap3A_370 = arith.index_cast %swap3A_369 : i32 to index
    %swap3A_371 = arith.constant 32 : index
    %swap3A_372 = tpu.vector_load %arg6[%swap3A_370, %swap3A_371] {strides = array<i32>} : memref<8x128xi32, #tpu.memory_space<vmem>>, vector<16xi32>,
    tpu.vector_store %arg6[%swap3A_370, %swap3A_371], %gather3A_368 {strides = array<i32>} : memref<8x128xi32, #tpu.memory_space<vmem>>, vector<16xi32>,
    %add3A_373 = arith.constant 2400 : i32
    %add3A_374 = arith.addi %add3A_345, %add3A_373 : i32
    %add3A_375 = vector.broadcast %add3A_374 : i32 to vector<16xi32>
    %add3A_376 = arith.addi %mul3A_7, %add3A_375 : vector<16xi32>
    %gather3A_377 = tpu.vector_load_idx %arg5[%add3A_376] : memref<25600xi32, #tpu.memory_space<vmem>>[vector<16xi32>], vector<16xi32>,
    %swap3A_378 = arith.constant 3 : i32
    %swap3A_379 = arith.index_cast %swap3A_378 : i32 to index
    %swap3A_380 = arith.constant 48 : index
    %swap3A_381 = tpu.vector_load %arg6[%swap3A_379, %swap3A_380] {strides = array<i32>} : memref<8x128xi32, #tpu.memory_space<vmem>>, vector<16xi32>,
    tpu.vector_store %arg6[%swap3A_379, %swap3A_380], %gather3A_377 {strides = array<i32>} : memref<8x128xi32, #tpu.memory_space<vmem>>, vector<16xi32>,
    %add3A_382 = arith.constant 3200 : i32
    %add3A_383 = arith.addi %add3A_345, %add3A_382 : i32
    %add3A_384 = vector.broadcast %add3A_383 : i32 to vector<16xi32>
    %add3A_385 = arith.addi %mul3A_7, %add3A_384 : vector<16xi32>
    %gather3A_386 = tpu.vector_load_idx %arg5[%add3A_385] : memref<25600xi32, #tpu.memory_space<vmem>>[vector<16xi32>], vector<16xi32>,
    %swap3A_387 = arith.constant 3 : i32
    %swap3A_388 = arith.index_cast %swap3A_387 : i32 to index
    %swap3A_389 = arith.constant 64 : index
    %swap3A_390 = tpu.vector_load %arg6[%swap3A_388, %swap3A_389] {strides = array<i32>} : memref<8x128xi32, #tpu.memory_space<vmem>>, vector<16xi32>,
    tpu.vector_store %arg6[%swap3A_388, %swap3A_389], %gather3A_386 {strides = array<i32>} : memref<8x128xi32, #tpu.memory_space<vmem>>, vector<16xi32>,
    %add3A_391 = arith.constant 4000 : i32
    %add3A_392 = arith.addi %add3A_345, %add3A_391 : i32
    %add3A_393 = vector.broadcast %add3A_392 : i32 to vector<16xi32>
    %add3A_394 = arith.addi %mul3A_7, %add3A_393 : vector<16xi32>
    %gather3A_395 = tpu.vector_load_idx %arg5[%add3A_394] : memref<25600xi32, #tpu.memory_space<vmem>>[vector<16xi32>], vector<16xi32>,
    %swap3A_396 = arith.constant 3 : i32
    %swap3A_397 = arith.index_cast %swap3A_396 : i32 to index
    %swap3A_398 = arith.constant 80 : index
    %swap3A_399 = tpu.vector_load %arg6[%swap3A_397, %swap3A_398] {strides = array<i32>} : memref<8x128xi32, #tpu.memory_space<vmem>>, vector<16xi32>,
    tpu.vector_store %arg6[%swap3A_397, %swap3A_398], %gather3A_395 {strides = array<i32>} : memref<8x128xi32, #tpu.memory_space<vmem>>, vector<16xi32>,
    %add3A_400 = arith.constant 4800 : i32
    %add3A_401 = arith.addi %add3A_345, %add3A_400 : i32
    %add3A_402 = vector.broadcast %add3A_401 : i32 to vector<16xi32>
    %add3A_403 = arith.addi %mul3A_7, %add3A_402 : vector<16xi32>
    %gather3A_404 = tpu.vector_load_idx %arg5[%add3A_403] : memref<25600xi32, #tpu.memory_space<vmem>>[vector<16xi32>], vector<16xi32>,
    %swap3A_405 = arith.constant 3 : i32
    %swap3A_406 = arith.index_cast %swap3A_405 : i32 to index
    %swap3A_407 = arith.constant 96 : index
    %swap3A_408 = tpu.vector_load %arg6[%swap3A_406, %swap3A_407] {strides = array<i32>} : memref<8x128xi32, #tpu.memory_space<vmem>>, vector<16xi32>,
    tpu.vector_store %arg6[%swap3A_406, %swap3A_407], %gather3A_404 {strides = array<i32>} : memref<8x128xi32, #tpu.memory_space<vmem>>, vector<16xi32>,
    %add3A_409 = arith.constant 5600 : i32
    %add3A_410 = arith.addi %add3A_345, %add3A_409 : i32
    %add3A_411 = vector.broadcast %add3A_410 : i32 to vector<16xi32>
    %add3A_412 = arith.addi %mul3A_7, %add3A_411 : vector<16xi32>
    %gather3A_413 = tpu.vector_load_idx %arg5[%add3A_412] : memref<25600xi32, #tpu.memory_space<vmem>>[vector<16xi32>], vector<16xi32>,
    %swap3A_414 = arith.constant 3 : i32
    %swap3A_415 = arith.index_cast %swap3A_414 : i32 to index
    %swap3A_416 = arith.constant 112 : index
    %swap3A_417 = tpu.vector_load %arg6[%swap3A_415, %swap3A_416] {strides = array<i32>} : memref<8x128xi32, #tpu.memory_space<vmem>>, vector<16xi32>,
    tpu.vector_store %arg6[%swap3A_415, %swap3A_416], %gather3A_413 {strides = array<i32>} : memref<8x128xi32, #tpu.memory_space<vmem>>, vector<16xi32>,
    %dma_start3A_418 = arith.constant 3 : i32
    %dma_start3A_419 = arith.constant 3 : i32
    %dma_start3A_420 = arith.constant 3 : i32
    %dma_start3A_421 = arith.constant 0 : i32
    %dma_start3A_422 = arith.constant 0 : i32
    %dma_start3A_423 = tpu.memref_slice %arg7[%dma_start3A_419, %dma_start3A_421, %dma_start3A_422] : memref<8x128x32xf32, #tpu.memory_space<vmem>> -> memref<1x128x32xf32, #tpu.memory_space<vmem>>
    %dma_start3A_424 = tpu.memref_squeeze %dma_start3A_423 : memref<1x128x32xf32, #tpu.memory_space<vmem>> -> memref<128x32xf32, #tpu.memory_space<vmem>>
    %dma_start3A_425 = arith.constant 0 : i32
    %dma_start3A_426 = tpu.memref_slice %arg6[%dma_start3A_418, %dma_start3A_425] : memref<8x128xi32, #tpu.memory_space<vmem>> -> memref<1x128xi32, #tpu.memory_space<vmem>>
    %dma_start3A_427 = tpu.memref_squeeze %dma_start3A_426 : memref<1x128xi32, #tpu.memory_space<vmem>> -> memref<128xi32, #tpu.memory_space<vmem>>
    %dma_start3A_428 = arith.constant 0 : i32
    %dma_start3A_429 = arith.constant 0 : i32
    %dma_start3A_430 = tpu.memref_slice %arg3[%dma_start3A_428, %dma_start3A_429] : memref<1000000x32xf32, #tpu.memory_space<hbm>> -> memref<1000000x32xf32, #tpu.memory_space<hbm>>
    %dma_start3A_431 = tpu.memref_slice %arg9[%dma_start3A_420] : memref<8x!tpu.dma_semaphore, #tpu.memory_space<semaphore_mem>> -> memref<1x!tpu.dma_semaphore, #tpu.memory_space<semaphore_mem>>
    %dma_start3A_432 = tpu.memref_squeeze %dma_start3A_431 : memref<1x!tpu.dma_semaphore, #tpu.memory_space<semaphore_mem>> -> memref<!tpu.dma_semaphore, #tpu.memory_space<semaphore_mem>>
    tpu.enqueue_indirect_dma source(%dma_start3A_430 : memref<1000000x32xf32, #tpu.memory_space<hbm>>) target(%dma_start3A_424 : memref<128x32xf32, #tpu.memory_space<vmem>>) offsets(%dma_start3A_427 : memref<128xi32, #tpu.memory_space<vmem>>) semaphore(%dma_start3A_432 : memref<!tpu.dma_semaphore, #tpu.memory_space<semaphore_mem>>)
    %rem3A_433 = arith.constant 4 : i32
    %rem3A_434 = arith.constant 50 : i32
    %rem3A_435 = arith.remsi %rem3A_433, %rem3A_434 : i32
    %add3A_436 = arith.constant 0 : i32
    %add3A_437 = arith.addi %add3A_436, %rem3A_435 : i32
    %add3A_438 = arith.constant 0 : i32
    %add3A_439 = arith.addi %add3A_437, %add3A_438 : i32
    %add3A_440 = vector.broadcast %add3A_439 : i32 to vector<16xi32>
    %add3A_441 = arith.addi %mul3A_7, %add3A_440 : vector<16xi32>
    %gather3A_442 = tpu.vector_load_idx %arg5[%add3A_441] : memref<25600xi32, #tpu.memory_space<vmem>>[vector<16xi32>], vector<16xi32>,
    %swap3A_443 = arith.constant 4 : i32
    %swap3A_444 = arith.index_cast %swap3A_443 : i32 to index
    %swap3A_445 = arith.constant 0 : index
    %swap3A_446 = tpu.vector_load %arg6[%swap3A_444, %swap3A_445] {strides = array<i32>} : memref<8x128xi32, #tpu.memory_space<vmem>>, vector<16xi32>,
    tpu.vector_store %arg6[%swap3A_444, %swap3A_445], %gather3A_442 {strides = array<i32>} : memref<8x128xi32, #tpu.memory_space<vmem>>, vector<16xi32>,
    %add3A_447 = arith.constant 800 : i32
    %add3A_448 = arith.addi %add3A_437, %add3A_447 : i32
    %add3A_449 = vector.broadcast %add3A_448 : i32 to vector<16xi32>
    %add3A_450 = arith.addi %mul3A_7, %add3A_449 : vector<16xi32>
    %gather3A_451 = tpu.vector_load_idx %arg5[%add3A_450] : memref<25600xi32, #tpu.memory_space<vmem>>[vector<16xi32>], vector<16xi32>,
    %swap3A_452 = arith.constant 4 : i32
    %swap3A_453 = arith.index_cast %swap3A_452 : i32 to index
    %swap3A_454 = arith.constant 16 : index
    %swap3A_455 = tpu.vector_load %arg6[%swap3A_453, %swap3A_454] {strides = array<i32>} : memref<8x128xi32, #tpu.memory_space<vmem>>, vector<16xi32>,
    tpu.vector_store %arg6[%swap3A_453, %swap3A_454], %gather3A_451 {strides = array<i32>} : memref<8x128xi32, #tpu.memory_space<vmem>>, vector<16xi32>,
    %add3A_456 = arith.constant 1600 : i32
    %add3A_457 = arith.addi %add3A_437, %add3A_456 : i32
    %add3A_458 = vector.broadcast %add3A_457 : i32 to vector<16xi32>
    %add3A_459 = arith.addi %mul3A_7, %add3A_458 : vector<16xi32>
    %gather3A_460 = tpu.vector_load_idx %arg5[%add3A_459] : memref<25600xi32, #tpu.memory_space<vmem>>[vector<16xi32>], vector<16xi32>,
    %swap3A_461 = arith.constant 4 : i32
    %swap3A_462 = arith.index_cast %swap3A_461 : i32 to index
    %swap3A_463 = arith.constant 32 : index
    %swap3A_464 = tpu.vector_load %arg6[%swap3A_462, %swap3A_463] {strides = array<i32>} : memref<8x128xi32, #tpu.memory_space<vmem>>, vector<16xi32>,
    tpu.vector_store %arg6[%swap3A_462, %swap3A_463], %gather3A_460 {strides = array<i32>} : memref<8x128xi32, #tpu.memory_space<vmem>>, vector<16xi32>,
    %add3A_465 = arith.constant 2400 : i32
    %add3A_466 = arith.addi %add3A_437, %add3A_465 : i32
    %add3A_467 = vector.broadcast %add3A_466 : i32 to vector<16xi32>
    %add3A_468 = arith.addi %mul3A_7, %add3A_467 : vector<16xi32>
    %gather3A_469 = tpu.vector_load_idx %arg5[%add3A_468] : memref<25600xi32, #tpu.memory_space<vmem>>[vector<16xi32>], vector<16xi32>,
    %swap3A_470 = arith.constant 4 : i32
    %swap3A_471 = arith.index_cast %swap3A_470 : i32 to index
    %swap3A_472 = arith.constant 48 : index
    %swap3A_473 = tpu.vector_load %arg6[%swap3A_471, %swap3A_472] {strides = array<i32>} : memref<8x128xi32, #tpu.memory_space<vmem>>, vector<16xi32>,
    tpu.vector_store %arg6[%swap3A_471, %swap3A_472], %gather3A_469 {strides = array<i32>} : memref<8x128xi32, #tpu.memory_space<vmem>>, vector<16xi32>,
    %add3A_474 = arith.constant 3200 : i32
    %add3A_475 = arith.addi %add3A_437, %add3A_474 : i32
    %add3A_476 = vector.broadcast %add3A_475 : i32 to vector<16xi32>
    %add3A_477 = arith.addi %mul3A_7, %add3A_476 : vector<16xi32>
    %gather3A_478 = tpu.vector_load_idx %arg5[%add3A_477] : memref<25600xi32, #tpu.memory_space<vmem>>[vector<16xi32>], vector<16xi32>,
    %swap3A_479 = arith.constant 4 : i32
    %swap3A_480 = arith.index_cast %swap3A_479 : i32 to index
    %swap3A_481 = arith.constant 64 : index
    %swap3A_482 = tpu.vector_load %arg6[%swap3A_480, %swap3A_481] {strides = array<i32>} : memref<8x128xi32, #tpu.memory_space<vmem>>, vector<16xi32>,
    tpu.vector_store %arg6[%swap3A_480, %swap3A_481], %gather3A_478 {strides = array<i32>} : memref<8x128xi32, #tpu.memory_space<vmem>>, vector<16xi32>,
    %add3A_483 = arith.constant 4000 : i32
    %add3A_484 = arith.addi %add3A_437, %add3A_483 : i32
    %add3A_485 = vector.broadcast %add3A_484 : i32 to vector<16xi32>
    %add3A_486 = arith.addi %mul3A_7, %add3A_485 : vector<16xi32>
    %gather3A_487 = tpu.vector_load_idx %arg5[%add3A_486] : memref<25600xi32, #tpu.memory_space<vmem>>[vector<16xi32>], vector<16xi32>,
    %swap3A_488 = arith.constant 4 : i32
    %swap3A_489 = arith.index_cast %swap3A_488 : i32 to index
    %swap3A_490 = arith.constant 80 : index
    %swap3A_491 = tpu.vector_load %arg6[%swap3A_489, %swap3A_490] {strides = array<i32>} : memref<8x128xi32, #tpu.memory_space<vmem>>, vector<16xi32>,
    tpu.vector_store %arg6[%swap3A_489, %swap3A_490], %gather3A_487 {strides = array<i32>} : memref<8x128xi32, #tpu.memory_space<vmem>>, vector<16xi32>,
    %add3A_492 = arith.constant 4800 : i32
    %add3A_493 = arith.addi %add3A_437, %add3A_492 : i32
    %add3A_494 = vector.broadcast %add3A_493 : i32 to vector<16xi32>
    %add3A_495 = arith.addi %mul3A_7, %add3A_494 : vector<16xi32>
    %gather3A_496 = tpu.vector_load_idx %arg5[%add3A_495] : memref<25600xi32, #tpu.memory_space<vmem>>[vector<16xi32>], vector<16xi32>,
    %swap3A_497 = arith.constant 4 : i32
    %swap3A_498 = arith.index_cast %swap3A_497 : i32 to index
    %swap3A_499 = arith.constant 96 : index
    %swap3A_500 = tpu.vector_load %arg6[%swap3A_498, %swap3A_499] {strides = array<i32>} : memref<8x128xi32, #tpu.memory_space<vmem>>, vector<16xi32>,
    tpu.vector_store %arg6[%swap3A_498, %swap3A_499], %gather3A_496 {strides = array<i32>} : memref<8x128xi32, #tpu.memory_space<vmem>>, vector<16xi32>,
    %add3A_501 = arith.constant 5600 : i32
    %add3A_502 = arith.addi %add3A_437, %add3A_501 : i32
    %add3A_503 = vector.broadcast %add3A_502 : i32 to vector<16xi32>
    %add3A_504 = arith.addi %mul3A_7, %add3A_503 : vector<16xi32>
    %gather3A_505 = tpu.vector_load_idx %arg5[%add3A_504] : memref<25600xi32, #tpu.memory_space<vmem>>[vector<16xi32>], vector<16xi32>,
    %swap3A_506 = arith.constant 4 : i32
    %swap3A_507 = arith.index_cast %swap3A_506 : i32 to index
    %swap3A_508 = arith.constant 112 : index
    %swap3A_509 = tpu.vector_load %arg6[%swap3A_507, %swap3A_508] {strides = array<i32>} : memref<8x128xi32, #tpu.memory_space<vmem>>, vector<16xi32>,
    tpu.vector_store %arg6[%swap3A_507, %swap3A_508], %gather3A_505 {strides = array<i32>} : memref<8x128xi32, #tpu.memory_space<vmem>>, vector<16xi32>,
    %dma_start3A_510 = arith.constant 4 : i32
    %dma_start3A_511 = arith.constant 4 : i32
    %dma_start3A_512 = arith.constant 4 : i32
    %dma_start3A_513 = arith.constant 0 : i32
    %dma_start3A_514 = arith.constant 0 : i32
    %dma_start3A_515 = tpu.memref_slice %arg7[%dma_start3A_511, %dma_start3A_513, %dma_start3A_514] : memref<8x128x32xf32, #tpu.memory_space<vmem>> -> memref<1x128x32xf32, #tpu.memory_space<vmem>>
    %dma_start3A_516 = tpu.memref_squeeze %dma_start3A_515 : memref<1x128x32xf32, #tpu.memory_space<vmem>> -> memref<128x32xf32, #tpu.memory_space<vmem>>
    %dma_start3A_517 = arith.constant 0 : i32
    %dma_start3A_518 = tpu.memref_slice %arg6[%dma_start3A_510, %dma_start3A_517] : memref<8x128xi32, #tpu.memory_space<vmem>> -> memref<1x128xi32, #tpu.memory_space<vmem>>
    %dma_start3A_519 = tpu.memref_squeeze %dma_start3A_518 : memref<1x128xi32, #tpu.memory_space<vmem>> -> memref<128xi32, #tpu.memory_space<vmem>>
    %dma_start3A_520 = arith.constant 0 : i32
    %dma_start3A_521 = arith.constant 0 : i32
    %dma_start3A_522 = tpu.memref_slice %arg3[%dma_start3A_520, %dma_start3A_521] : memref<1000000x32xf32, #tpu.memory_space<hbm>> -> memref<1000000x32xf32, #tpu.memory_space<hbm>>
    %dma_start3A_523 = tpu.memref_slice %arg9[%dma_start3A_512] : memref<8x!tpu.dma_semaphore, #tpu.memory_space<semaphore_mem>> -> memref<1x!tpu.dma_semaphore, #tpu.memory_space<semaphore_mem>>
    %dma_start3A_524 = tpu.memref_squeeze %dma_start3A_523 : memref<1x!tpu.dma_semaphore, #tpu.memory_space<semaphore_mem>> -> memref<!tpu.dma_semaphore, #tpu.memory_space<semaphore_mem>>
    tpu.enqueue_indirect_dma source(%dma_start3A_522 : memref<1000000x32xf32, #tpu.memory_space<hbm>>) target(%dma_start3A_516 : memref<128x32xf32, #tpu.memory_space<vmem>>) offsets(%dma_start3A_519 : memref<128xi32, #tpu.memory_space<vmem>>) semaphore(%dma_start3A_524 : memref<!tpu.dma_semaphore, #tpu.memory_space<semaphore_mem>>)
    %rem3A_525 = arith.constant 5 : i32
    %rem3A_526 = arith.constant 50 : i32
    %rem3A_527 = arith.remsi %rem3A_525, %rem3A_526 : i32
    %add3A_528 = arith.constant 0 : i32
    %add3A_529 = arith.addi %add3A_528, %rem3A_527 : i32
    %add3A_530 = arith.constant 0 : i32
    %add3A_531 = arith.addi %add3A_529, %add3A_530 : i32
    %add3A_532 = vector.broadcast %add3A_531 : i32 to vector<16xi32>
    %add3A_533 = arith.addi %mul3A_7, %add3A_532 : vector<16xi32>
    %gather3A_534 = tpu.vector_load_idx %arg5[%add3A_533] : memref<25600xi32, #tpu.memory_space<vmem>>[vector<16xi32>], vector<16xi32>,
    %swap3A_535 = arith.constant 5 : i32
    %swap3A_536 = arith.index_cast %swap3A_535 : i32 to index
    %swap3A_537 = arith.constant 0 : index
    %swap3A_538 = tpu.vector_load %arg6[%swap3A_536, %swap3A_537] {strides = array<i32>} : memref<8x128xi32, #tpu.memory_space<vmem>>, vector<16xi32>,
    tpu.vector_store %arg6[%swap3A_536, %swap3A_537], %gather3A_534 {strides = array<i32>} : memref<8x128xi32, #tpu.memory_space<vmem>>, vector<16xi32>,
    %add3A_539 = arith.constant 800 : i32
    %add3A_540 = arith.addi %add3A_529, %add3A_539 : i32
    %add3A_541 = vector.broadcast %add3A_540 : i32 to vector<16xi32>
    %add3A_542 = arith.addi %mul3A_7, %add3A_541 : vector<16xi32>
    %gather3A_543 = tpu.vector_load_idx %arg5[%add3A_542] : memref<25600xi32, #tpu.memory_space<vmem>>[vector<16xi32>], vector<16xi32>,
    %swap3A_544 = arith.constant 5 : i32
    %swap3A_545 = arith.index_cast %swap3A_544 : i32 to index
    %swap3A_546 = arith.constant 16 : index
    %swap3A_547 = tpu.vector_load %arg6[%swap3A_545, %swap3A_546] {strides = array<i32>} : memref<8x128xi32, #tpu.memory_space<vmem>>, vector<16xi32>,
    tpu.vector_store %arg6[%swap3A_545, %swap3A_546], %gather3A_543 {strides = array<i32>} : memref<8x128xi32, #tpu.memory_space<vmem>>, vector<16xi32>,
    %add3A_548 = arith.constant 1600 : i32
    %add3A_549 = arith.addi %add3A_529, %add3A_548 : i32
    %add3A_550 = vector.broadcast %add3A_549 : i32 to vector<16xi32>
    %add3A_551 = arith.addi %mul3A_7, %add3A_550 : vector<16xi32>
    %gather3A_552 = tpu.vector_load_idx %arg5[%add3A_551] : memref<25600xi32, #tpu.memory_space<vmem>>[vector<16xi32>], vector<16xi32>,
    %swap3A_553 = arith.constant 5 : i32
    %swap3A_554 = arith.index_cast %swap3A_553 : i32 to index
    %swap3A_555 = arith.constant 32 : index
    %swap3A_556 = tpu.vector_load %arg6[%swap3A_554, %swap3A_555] {strides = array<i32>} : memref<8x128xi32, #tpu.memory_space<vmem>>, vector<16xi32>,
    tpu.vector_store %arg6[%swap3A_554, %swap3A_555], %gather3A_552 {strides = array<i32>} : memref<8x128xi32, #tpu.memory_space<vmem>>, vector<16xi32>,
    %add3A_557 = arith.constant 2400 : i32
    %add3A_558 = arith.addi %add3A_529, %add3A_557 : i32
    %add3A_559 = vector.broadcast %add3A_558 : i32 to vector<16xi32>
    %add3A_560 = arith.addi %mul3A_7, %add3A_559 : vector<16xi32>
    %gather3A_561 = tpu.vector_load_idx %arg5[%add3A_560] : memref<25600xi32, #tpu.memory_space<vmem>>[vector<16xi32>], vector<16xi32>,
    %swap3A_562 = arith.constant 5 : i32
    %swap3A_563 = arith.index_cast %swap3A_562 : i32 to index
    %swap3A_564 = arith.constant 48 : index
    %swap3A_565 = tpu.vector_load %arg6[%swap3A_563, %swap3A_564] {strides = array<i32>} : memref<8x128xi32, #tpu.memory_space<vmem>>, vector<16xi32>,
    tpu.vector_store %arg6[%swap3A_563, %swap3A_564], %gather3A_561 {strides = array<i32>} : memref<8x128xi32, #tpu.memory_space<vmem>>, vector<16xi32>,
    %add3A_566 = arith.constant 3200 : i32
    %add3A_567 = arith.addi %add3A_529, %add3A_566 : i32
    %add3A_568 = vector.broadcast %add3A_567 : i32 to vector<16xi32>
    %add3A_569 = arith.addi %mul3A_7, %add3A_568 : vector<16xi32>
    %gather3A_570 = tpu.vector_load_idx %arg5[%add3A_569] : memref<25600xi32, #tpu.memory_space<vmem>>[vector<16xi32>], vector<16xi32>,
    %swap3A_571 = arith.constant 5 : i32
    %swap3A_572 = arith.index_cast %swap3A_571 : i32 to index
    %swap3A_573 = arith.constant 64 : index
    %swap3A_574 = tpu.vector_load %arg6[%swap3A_572, %swap3A_573] {strides = array<i32>} : memref<8x128xi32, #tpu.memory_space<vmem>>, vector<16xi32>,
    tpu.vector_store %arg6[%swap3A_572, %swap3A_573], %gather3A_570 {strides = array<i32>} : memref<8x128xi32, #tpu.memory_space<vmem>>, vector<16xi32>,
    %add3A_575 = arith.constant 4000 : i32
    %add3A_576 = arith.addi %add3A_529, %add3A_575 : i32
    %add3A_577 = vector.broadcast %add3A_576 : i32 to vector<16xi32>
    %add3A_578 = arith.addi %mul3A_7, %add3A_577 : vector<16xi32>
    %gather3A_579 = tpu.vector_load_idx %arg5[%add3A_578] : memref<25600xi32, #tpu.memory_space<vmem>>[vector<16xi32>], vector<16xi32>,
    %swap3A_580 = arith.constant 5 : i32
    %swap3A_581 = arith.index_cast %swap3A_580 : i32 to index
    %swap3A_582 = arith.constant 80 : index
    %swap3A_583 = tpu.vector_load %arg6[%swap3A_581, %swap3A_582] {strides = array<i32>} : memref<8x128xi32, #tpu.memory_space<vmem>>, vector<16xi32>,
    tpu.vector_store %arg6[%swap3A_581, %swap3A_582], %gather3A_579 {strides = array<i32>} : memref<8x128xi32, #tpu.memory_space<vmem>>, vector<16xi32>,
    %add3A_584 = arith.constant 4800 : i32
    %add3A_585 = arith.addi %add3A_529, %add3A_584 : i32
    %add3A_586 = vector.broadcast %add3A_585 : i32 to vector<16xi32>
    %add3A_587 = arith.addi %mul3A_7, %add3A_586 : vector<16xi32>
    %gather3A_588 = tpu.vector_load_idx %arg5[%add3A_587] : memref<25600xi32, #tpu.memory_space<vmem>>[vector<16xi32>], vector<16xi32>,
    %swap3A_589 = arith.constant 5 : i32
    %swap3A_590 = arith.index_cast %swap3A_589 : i32 to index
    %swap3A_591 = arith.constant 96 : index
    %swap3A_592 = tpu.vector_load %arg6[%swap3A_590, %swap3A_591] {strides = array<i32>} : memref<8x128xi32, #tpu.memory_space<vmem>>, vector<16xi32>,
    tpu.vector_store %arg6[%swap3A_590, %swap3A_591], %gather3A_588 {strides = array<i32>} : memref<8x128xi32, #tpu.memory_space<vmem>>, vector<16xi32>,
    %add3A_593 = arith.constant 5600 : i32
    %add3A_594 = arith.addi %add3A_529, %add3A_593 : i32
    %add3A_595 = vector.broadcast %add3A_594 : i32 to vector<16xi32>
    %add3A_596 = arith.addi %mul3A_7, %add3A_595 : vector<16xi32>
    %gather3A_597 = tpu.vector_load_idx %arg5[%add3A_596] : memref<25600xi32, #tpu.memory_space<vmem>>[vector<16xi32>], vector<16xi32>,
    %swap3A_598 = arith.constant 5 : i32
    %swap3A_599 = arith.index_cast %swap3A_598 : i32 to index
    %swap3A_600 = arith.constant 112 : index
    %swap3A_601 = tpu.vector_load %arg6[%swap3A_599, %swap3A_600] {strides = array<i32>} : memref<8x128xi32, #tpu.memory_space<vmem>>, vector<16xi32>,
    tpu.vector_store %arg6[%swap3A_599, %swap3A_600], %gather3A_597 {strides = array<i32>} : memref<8x128xi32, #tpu.memory_space<vmem>>, vector<16xi32>,
    %dma_start3A_602 = arith.constant 5 : i32
    %dma_start3A_603 = arith.constant 5 : i32
    %dma_start3A_604 = arith.constant 5 : i32
    %dma_start3A_605 = arith.constant 0 : i32
    %dma_start3A_606 = arith.constant 0 : i32
    %dma_start3A_607 = tpu.memref_slice %arg7[%dma_start3A_603, %dma_start3A_605, %dma_start3A_606] : memref<8x128x32xf32, #tpu.memory_space<vmem>> -> memref<1x128x32xf32, #tpu.memory_space<vmem>>
    %dma_start3A_608 = tpu.memref_squeeze %dma_start3A_607 : memref<1x128x32xf32, #tpu.memory_space<vmem>> -> memref<128x32xf32, #tpu.memory_space<vmem>>
    %dma_start3A_609 = arith.constant 0 : i32
    %dma_start3A_610 = tpu.memref_slice %arg6[%dma_start3A_602, %dma_start3A_609] : memref<8x128xi32, #tpu.memory_space<vmem>> -> memref<1x128xi32, #tpu.memory_space<vmem>>
    %dma_start3A_611 = tpu.memref_squeeze %dma_start3A_610 : memref<1x128xi32, #tpu.memory_space<vmem>> -> memref<128xi32, #tpu.memory_space<vmem>>
    %dma_start3A_612 = arith.constant 0 : i32
    %dma_start3A_613 = arith.constant 0 : i32
    %dma_start3A_614 = tpu.memref_slice %arg3[%dma_start3A_612, %dma_start3A_613] : memref<1000000x32xf32, #tpu.memory_space<hbm>> -> memref<1000000x32xf32, #tpu.memory_space<hbm>>
    %dma_start3A_615 = tpu.memref_slice %arg9[%dma_start3A_604] : memref<8x!tpu.dma_semaphore, #tpu.memory_space<semaphore_mem>> -> memref<1x!tpu.dma_semaphore, #tpu.memory_space<semaphore_mem>>
    %dma_start3A_616 = tpu.memref_squeeze %dma_start3A_615 : memref<1x!tpu.dma_semaphore, #tpu.memory_space<semaphore_mem>> -> memref<!tpu.dma_semaphore, #tpu.memory_space<semaphore_mem>>
    tpu.enqueue_indirect_dma source(%dma_start3A_614 : memref<1000000x32xf32, #tpu.memory_space<hbm>>) target(%dma_start3A_608 : memref<128x32xf32, #tpu.memory_space<vmem>>) offsets(%dma_start3A_611 : memref<128xi32, #tpu.memory_space<vmem>>) semaphore(%dma_start3A_616 : memref<!tpu.dma_semaphore, #tpu.memory_space<semaphore_mem>>)
    %scan3A = arith.constant 0 : i32
    %scan3A_617 = arith.constant 200 : i32
    %scan3A_618 = arith.addi %scan3A, %scan3A_617 : i32
    %scan3A_619 = arith.constant 1 : i32
    scf.for %scan3A_904 = %scan3A to %scan3A_618 step %scan3A_619  : i32 {
      %rem3A_905 = arith.constant 8 : i32
      %rem3A_906 = arith.remsi %scan3A_904, %rem3A_905 : i32
      %rem3A_907 = arith.constant 4 : i32
      %rem3A_908 = arith.remsi %scan3A_904, %rem3A_907 : i32
      %add3A_909 = arith.constant 6 : i32
      %add3A_910 = arith.addi %scan3A_904, %add3A_909 : i32
      %lt3A = arith.constant 200 : i32
      %lt3A_911 = arith.cmpi slt, %add3A_910, %lt3A : i32
      %convert_element_type3A = arith.extui %lt3A_911 : i1 to i32
      %cond3A = arith.constant 0 : i32
      %cond3A_912 = arith.cmpi ne, %convert_element_type3A, %cond3A : i32
      scf.if %cond3A_912 {
        %add3A_1059 = arith.constant 6 : i32
        %add3A_1060 = arith.addi %scan3A_904, %add3A_1059 : i32
        %add3A_1061 = arith.constant 6 : i32
        %add3A_1062 = arith.addi %scan3A_904, %add3A_1061 : i32
        %rem3A_1063 = arith.constant 8 : i32
        %rem3A_1064 = arith.remsi %add3A_1062, %rem3A_1063 : i32
        %jit3A_1065 = arith.constant 50 : i32
        %div3A_1066 = arith.divsi %add3A_1060, %jit3A_1065 : i32
        %sign3A_1067 = arith.constant 0 : i32
        %sign3A_1068 = arith.cmpi sgt, %add3A_1060, %sign3A_1067 : i32
        %sign3A_1069 = arith.extui %sign3A_1068 : i1 to i32
        %sign3A_1070 = arith.constant 0 : i32
        %sign3A_1071 = arith.cmpi slt, %add3A_1060, %sign3A_1070 : i32
        %sign3A_1072 = arith.extui %sign3A_1071 : i1 to i32
        %sign3A_1073 = arith.subi %sign3A_1069, %sign3A_1072 : i32
        %sign3A_1074 = arith.constant 0 : i32
        %sign3A_1075 = arith.cmpi sgt, %jit3A_1065, %sign3A_1074 : i32
        %sign3A_1076 = arith.extui %sign3A_1075 : i1 to i32
        %sign3A_1077 = arith.constant 0 : i32
        %sign3A_1078 = arith.cmpi slt, %jit3A_1065, %sign3A_1077 : i32
        %sign3A_1079 = arith.extui %sign3A_1078 : i1 to i32
        %sign3A_1080 = arith.subi %sign3A_1076, %sign3A_1079 : i32
        %ne3A_1081 = arith.cmpi ne, %sign3A_1073, %sign3A_1080 : i32
        %rem3A_1082 = arith.remsi %add3A_1060, %jit3A_1065 : i32
        %ne3A_1083 = arith.constant 0 : i32
        %ne3A_1084 = arith.cmpi ne, %rem3A_1082, %ne3A_1083 : i32
        %and3A_1085 = arith.andi %ne3A_1081, %ne3A_1084 : i1
        %sub3A_1086 = arith.constant 1 : i32
        %sub3A_1087 = arith.subi %div3A_1066, %sub3A_1086 : i32
        %select_n3A_1088 = arith.select %and3A_1085, %sub3A_1087, %div3A_1066 : i32
        %rem3A_1089 = arith.constant 50 : i32
        %rem3A_1090 = arith.remsi %add3A_1060, %rem3A_1089 : i32
        %mul3A_1091 = arith.constant 6400 : i32
        %mul3A_1092 = arith.muli %select_n3A_1088, %mul3A_1091 : i32
        %add3A_1093 = arith.addi %mul3A_1092, %rem3A_1090 : i32
        %add3A_1094 = arith.constant 0 : i32
        %add3A_1095 = arith.addi %add3A_1093, %add3A_1094 : i32
        %add3A_1096 = vector.broadcast %add3A_1095 : i32 to vector<16xi32>
        %add3A_1097 = arith.addi %mul3A_7, %add3A_1096 : vector<16xi32>
        %gather3A_1098 = tpu.vector_load_idx %arg5[%add3A_1097] : memref<25600xi32, #tpu.memory_space<vmem>>[vector<16xi32>], vector<16xi32>,
        %swap3A_1099 = arith.index_cast %rem3A_1064 : i32 to index
        %swap3A_1100 = arith.constant 0 : index
        %swap3A_1101 = tpu.vector_load %arg6[%swap3A_1099, %swap3A_1100] {strides = array<i32>} : memref<8x128xi32, #tpu.memory_space<vmem>>, vector<16xi32>,
        tpu.vector_store %arg6[%swap3A_1099, %swap3A_1100], %gather3A_1098 {strides = array<i32>} : memref<8x128xi32, #tpu.memory_space<vmem>>, vector<16xi32>,
        %add3A_1102 = arith.constant 800 : i32
        %add3A_1103 = arith.addi %add3A_1093, %add3A_1102 : i32
        %add3A_1104 = vector.broadcast %add3A_1103 : i32 to vector<16xi32>
        %add3A_1105 = arith.addi %mul3A_7, %add3A_1104 : vector<16xi32>
        %gather3A_1106 = tpu.vector_load_idx %arg5[%add3A_1105] : memref<25600xi32, #tpu.memory_space<vmem>>[vector<16xi32>], vector<16xi32>,
        %swap3A_1107 = arith.index_cast %rem3A_1064 : i32 to index
        %swap3A_1108 = arith.constant 16 : index
        %swap3A_1109 = tpu.vector_load %arg6[%swap3A_1107, %swap3A_1108] {strides = array<i32>} : memref<8x128xi32, #tpu.memory_space<vmem>>, vector<16xi32>,
        tpu.vector_store %arg6[%swap3A_1107, %swap3A_1108], %gather3A_1106 {strides = array<i32>} : memref<8x128xi32, #tpu.memory_space<vmem>>, vector<16xi32>,
        %add3A_1110 = arith.constant 1600 : i32
        %add3A_1111 = arith.addi %add3A_1093, %add3A_1110 : i32
        %add3A_1112 = vector.broadcast %add3A_1111 : i32 to vector<16xi32>
        %add3A_1113 = arith.addi %mul3A_7, %add3A_1112 : vector<16xi32>
        %gather3A_1114 = tpu.vector_load_idx %arg5[%add3A_1113] : memref<25600xi32, #tpu.memory_space<vmem>>[vector<16xi32>], vector<16xi32>,
        %swap3A_1115 = arith.index_cast %rem3A_1064 : i32 to index
        %swap3A_1116 = arith.constant 32 : index
        %swap3A_1117 = tpu.vector_load %arg6[%swap3A_1115, %swap3A_1116] {strides = array<i32>} : memref<8x128xi32, #tpu.memory_space<vmem>>, vector<16xi32>,
        tpu.vector_store %arg6[%swap3A_1115, %swap3A_1116], %gather3A_1114 {strides = array<i32>} : memref<8x128xi32, #tpu.memory_space<vmem>>, vector<16xi32>,
        %add3A_1118 = arith.constant 2400 : i32
        %add3A_1119 = arith.addi %add3A_1093, %add3A_1118 : i32
        %add3A_1120 = vector.broadcast %add3A_1119 : i32 to vector<16xi32>
        %add3A_1121 = arith.addi %mul3A_7, %add3A_1120 : vector<16xi32>
        %gather3A_1122 = tpu.vector_load_idx %arg5[%add3A_1121] : memref<25600xi32, #tpu.memory_space<vmem>>[vector<16xi32>], vector<16xi32>,
        %swap3A_1123 = arith.index_cast %rem3A_1064 : i32 to index
        %swap3A_1124 = arith.constant 48 : index
        %swap3A_1125 = tpu.vector_load %arg6[%swap3A_1123, %swap3A_1124] {strides = array<i32>} : memref<8x128xi32, #tpu.memory_space<vmem>>, vector<16xi32>,
        tpu.vector_store %arg6[%swap3A_1123, %swap3A_1124], %gather3A_1122 {strides = array<i32>} : memref<8x128xi32, #tpu.memory_space<vmem>>, vector<16xi32>,
        %add3A_1126 = arith.constant 3200 : i32
        %add3A_1127 = arith.addi %add3A_1093, %add3A_1126 : i32
        %add3A_1128 = vector.broadcast %add3A_1127 : i32 to vector<16xi32>
        %add3A_1129 = arith.addi %mul3A_7, %add3A_1128 : vector<16xi32>
        %gather3A_1130 = tpu.vector_load_idx %arg5[%add3A_1129] : memref<25600xi32, #tpu.memory_space<vmem>>[vector<16xi32>], vector<16xi32>,
        %swap3A_1131 = arith.index_cast %rem3A_1064 : i32 to index
        %swap3A_1132 = arith.constant 64 : index
        %swap3A_1133 = tpu.vector_load %arg6[%swap3A_1131, %swap3A_1132] {strides = array<i32>} : memref<8x128xi32, #tpu.memory_space<vmem>>, vector<16xi32>,
        tpu.vector_store %arg6[%swap3A_1131, %swap3A_1132], %gather3A_1130 {strides = array<i32>} : memref<8x128xi32, #tpu.memory_space<vmem>>, vector<16xi32>,
        %add3A_1134 = arith.constant 4000 : i32
        %add3A_1135 = arith.addi %add3A_1093, %add3A_1134 : i32
        %add3A_1136 = vector.broadcast %add3A_1135 : i32 to vector<16xi32>
        %add3A_1137 = arith.addi %mul3A_7, %add3A_1136 : vector<16xi32>
        %gather3A_1138 = tpu.vector_load_idx %arg5[%add3A_1137] : memref<25600xi32, #tpu.memory_space<vmem>>[vector<16xi32>], vector<16xi32>,
        %swap3A_1139 = arith.index_cast %rem3A_1064 : i32 to index
        %swap3A_1140 = arith.constant 80 : index
        %swap3A_1141 = tpu.vector_load %arg6[%swap3A_1139, %swap3A_1140] {strides = array<i32>} : memref<8x128xi32, #tpu.memory_space<vmem>>, vector<16xi32>,
        tpu.vector_store %arg6[%swap3A_1139, %swap3A_1140], %gather3A_1138 {strides = array<i32>} : memref<8x128xi32, #tpu.memory_space<vmem>>, vector<16xi32>,
        %add3A_1142 = arith.constant 4800 : i32
        %add3A_1143 = arith.addi %add3A_1093, %add3A_1142 : i32
        %add3A_1144 = vector.broadcast %add3A_1143 : i32 to vector<16xi32>
        %add3A_1145 = arith.addi %mul3A_7, %add3A_1144 : vector<16xi32>
        %gather3A_1146 = tpu.vector_load_idx %arg5[%add3A_1145] : memref<25600xi32, #tpu.memory_space<vmem>>[vector<16xi32>], vector<16xi32>,
        %swap3A_1147 = arith.index_cast %rem3A_1064 : i32 to index
        %swap3A_1148 = arith.constant 96 : index
        %swap3A_1149 = tpu.vector_load %arg6[%swap3A_1147, %swap3A_1148] {strides = array<i32>} : memref<8x128xi32, #tpu.memory_space<vmem>>, vector<16xi32>,
        tpu.vector_store %arg6[%swap3A_1147, %swap3A_1148], %gather3A_1146 {strides = array<i32>} : memref<8x128xi32, #tpu.memory_space<vmem>>, vector<16xi32>,
        %add3A_1150 = arith.constant 5600 : i32
        %add3A_1151 = arith.addi %add3A_1093, %add3A_1150 : i32
        %add3A_1152 = vector.broadcast %add3A_1151 : i32 to vector<16xi32>
        %add3A_1153 = arith.addi %mul3A_7, %add3A_1152 : vector<16xi32>
        %gather3A_1154 = tpu.vector_load_idx %arg5[%add3A_1153] : memref<25600xi32, #tpu.memory_space<vmem>>[vector<16xi32>], vector<16xi32>,
        %swap3A_1155 = arith.index_cast %rem3A_1064 : i32 to index
        %swap3A_1156 = arith.constant 112 : index
        %swap3A_1157 = tpu.vector_load %arg6[%swap3A_1155, %swap3A_1156] {strides = array<i32>} : memref<8x128xi32, #tpu.memory_space<vmem>>, vector<16xi32>,
        tpu.vector_store %arg6[%swap3A_1155, %swap3A_1156], %gather3A_1154 {strides = array<i32>} : memref<8x128xi32, #tpu.memory_space<vmem>>, vector<16xi32>,
        %dma_start3A_1158 = arith.constant 0 : i32
        %dma_start3A_1159 = arith.constant 0 : i32
        %dma_start3A_1160 = tpu.memref_slice %arg7[%rem3A_1064, %dma_start3A_1158, %dma_start3A_1159] : memref<8x128x32xf32, #tpu.memory_space<vmem>> -> memref<1x128x32xf32, #tpu.memory_space<vmem>>
        %dma_start3A_1161 = tpu.memref_squeeze %dma_start3A_1160 : memref<1x128x32xf32, #tpu.memory_space<vmem>> -> memref<128x32xf32, #tpu.memory_space<vmem>>
        %dma_start3A_1162 = arith.constant 0 : i32
        %dma_start3A_1163 = tpu.memref_slice %arg6[%rem3A_1064, %dma_start3A_1162] : memref<8x128xi32, #tpu.memory_space<vmem>> -> memref<1x128xi32, #tpu.memory_space<vmem>>
        %dma_start3A_1164 = tpu.memref_squeeze %dma_start3A_1163 : memref<1x128xi32, #tpu.memory_space<vmem>> -> memref<128xi32, #tpu.memory_space<vmem>>
        %dma_start3A_1165 = arith.constant 0 : i32
        %dma_start3A_1166 = arith.constant 0 : i32
        %dma_start3A_1167 = tpu.memref_slice %arg3[%dma_start3A_1165, %dma_start3A_1166] : memref<1000000x32xf32, #tpu.memory_space<hbm>> -> memref<1000000x32xf32, #tpu.memory_space<hbm>>
        %dma_start3A_1168 = tpu.memref_slice %arg9[%rem3A_1064] : memref<8x!tpu.dma_semaphore, #tpu.memory_space<semaphore_mem>> -> memref<1x!tpu.dma_semaphore, #tpu.memory_space<semaphore_mem>>
        %dma_start3A_1169 = tpu.memref_squeeze %dma_start3A_1168 : memref<1x!tpu.dma_semaphore, #tpu.memory_space<semaphore_mem>> -> memref<!tpu.dma_semaphore, #tpu.memory_space<semaphore_mem>>
        tpu.enqueue_indirect_dma source(%dma_start3A_1167 : memref<1000000x32xf32, #tpu.memory_space<hbm>>) target(%dma_start3A_1161 : memref<128x32xf32, #tpu.memory_space<vmem>>) offsets(%dma_start3A_1164 : memref<128xi32, #tpu.memory_space<vmem>>) semaphore(%dma_start3A_1169 : memref<!tpu.dma_semaphore, #tpu.memory_space<semaphore_mem>>)
      } else {
      }
      %dma_wait3A_913 = arith.constant 0 : i32
      %dma_wait3A_914 = arith.constant 0 : i32
      %dma_wait3A_915 = tpu.memref_slice %arg7[%rem3A_906, %dma_wait3A_913, %dma_wait3A_914] : memref<8x128x32xf32, #tpu.memory_space<vmem>> -> memref<1x128x32xf32, #tpu.memory_space<vmem>>
      %dma_wait3A_916 = tpu.memref_squeeze %dma_wait3A_915 : memref<1x128x32xf32, #tpu.memory_space<vmem>> -> memref<128x32xf32, #tpu.memory_space<vmem>>
      %dma_wait3A_917 = arith.constant 0 : i32
      %dma_wait3A_918 = tpu.memref_slice %arg6[%rem3A_906, %dma_wait3A_917] : memref<8x128xi32, #tpu.memory_space<vmem>> -> memref<1x128xi32, #tpu.memory_space<vmem>>
      %dma_wait3A_919 = tpu.memref_squeeze %dma_wait3A_918 : memref<1x128xi32, #tpu.memory_space<vmem>> -> memref<128xi32, #tpu.memory_space<vmem>>
      %dma_wait3A_920 = arith.constant 0 : i32
      %dma_wait3A_921 = arith.constant 0 : i32
      %dma_wait3A_922 = tpu.memref_slice %arg3[%dma_wait3A_920, %dma_wait3A_921] : memref<1000000x32xf32, #tpu.memory_space<hbm>> -> memref<1000000x32xf32, #tpu.memory_space<hbm>>
      %dma_wait3A_923 = tpu.memref_slice %arg9[%rem3A_906] : memref<8x!tpu.dma_semaphore, #tpu.memory_space<semaphore_mem>> -> memref<1x!tpu.dma_semaphore, #tpu.memory_space<semaphore_mem>>
      %dma_wait3A_924 = tpu.memref_squeeze %dma_wait3A_923 : memref<1x!tpu.dma_semaphore, #tpu.memory_space<semaphore_mem>> -> memref<!tpu.dma_semaphore, #tpu.memory_space<semaphore_mem>>
      tpu.wait_indirect_dma semaphore(%dma_wait3A_924 : memref<!tpu.dma_semaphore, #tpu.memory_space<semaphore_mem>>) src(%dma_wait3A_922 : memref<1000000x32xf32, #tpu.memory_space<hbm>>) dst(%dma_wait3A_916 : memref<128x32xf32, #tpu.memory_space<vmem>>)
      %ge3A = arith.constant 4 : i32
      %ge3A_925 = arith.cmpi sge, %scan3A_904, %ge3A : i32
      %convert_element_type3A_926 = arith.extui %ge3A_925 : i1 to i32
      %cond3A_927 = arith.constant 0 : i32
      %cond3A_928 = arith.cmpi ne, %convert_element_type3A_926, %cond3A_927 : i32
      scf.if %cond3A_928 {
        %dma_wait3A_1059 = arith.constant 0 : i32
        %dma_wait3A_1060 = arith.constant 0 : i32
        %dma_wait3A_1061 = arith.constant 0 : i32
        %dma_wait3A_1062 = tpu.memref_slice %arg8[%rem3A_908, %dma_wait3A_1059, %dma_wait3A_1060, %dma_wait3A_1061] : memref<4x4x8x129xf32, #tpu.memory_space<vmem>> -> memref<1x1x8x128xf32, #tpu.memory_space<vmem>>
        %dma_wait3A_1063 = tpu.memref_squeeze %dma_wait3A_1062 : memref<1x1x8x128xf32, #tpu.memory_space<vmem>> -> memref<8x128xf32, #tpu.memory_space<vmem>>
        %dma_wait3A_1064 = arith.constant 0 : i32
        %dma_wait3A_1065 = arith.constant 0 : i32
        %dma_wait3A_1066 = tpu.memref_slice %arg4[%dma_wait3A_1064, %dma_wait3A_1065] : memref<204800x128xf32, #tpu.memory_space<hbm>> -> memref<8x128xf32, #tpu.memory_space<hbm>>
        %dma_wait3A_1067 = tpu.memref_slice %arg10[%rem3A_908] : memref<4x!tpu.dma_semaphore, #tpu.memory_space<semaphore_mem>> -> memref<1x!tpu.dma_semaphore, #tpu.memory_space<semaphore_mem>>
        %dma_wait3A_1068 = tpu.memref_squeeze %dma_wait3A_1067 : memref<1x!tpu.dma_semaphore, #tpu.memory_space<semaphore_mem>> -> memref<!tpu.dma_semaphore, #tpu.memory_space<semaphore_mem>>
        %dma_wait3A_1069 = arith.constant 0 : i32
        %dma_wait3A_1070 = arith.constant 0 : i32
        %dma_wait3A_1071 = tpu.memref_slice %arg4[%dma_wait3A_1069, %dma_wait3A_1070] : memref<204800x128xf32, #tpu.memory_space<hbm>> -> memref<8x128xf32, #tpu.memory_space<hbm>>
        %dma_wait3A_1072 = arith.constant 0 : i32
        %dma_wait3A_1073 = arith.constant 0 : i32
        %dma_wait3A_1074 = tpu.memref_slice %arg8[%rem3A_908, %dma_wait3A_1059, %dma_wait3A_1072, %dma_wait3A_1073] : memref<4x4x8x129xf32, #tpu.memory_space<vmem>> -> memref<1x1x8x128xf32, #tpu.memory_space<vmem>>
        %dma_wait3A_1075 = tpu.memref_squeeze %dma_wait3A_1074 : memref<1x1x8x128xf32, #tpu.memory_space<vmem>> -> memref<8x128xf32, #tpu.memory_space<vmem>>
        tpu.wait_dma2 semaphore(%dma_wait3A_1068 : memref<!tpu.dma_semaphore, #tpu.memory_space<semaphore_mem>>) src(%dma_wait3A_1075 : memref<8x128xf32, #tpu.memory_space<vmem>>) dst(%dma_wait3A_1071 : memref<8x128xf32, #tpu.memory_space<hbm>>)
        %dma_wait3A_1076 = arith.constant 1 : i32
        %dma_wait3A_1077 = arith.constant 0 : i32
        %dma_wait3A_1078 = arith.constant 0 : i32
        %dma_wait3A_1079 = tpu.memref_slice %arg8[%rem3A_908, %dma_wait3A_1076, %dma_wait3A_1077, %dma_wait3A_1078] : memref<4x4x8x129xf32, #tpu.memory_space<vmem>> -> memref<1x1x8x128xf32, #tpu.memory_space<vmem>>
        %dma_wait3A_1080 = tpu.memref_squeeze %dma_wait3A_1079 : memref<1x1x8x128xf32, #tpu.memory_space<vmem>> -> memref<8x128xf32, #tpu.memory_space<vmem>>
        %dma_wait3A_1081 = arith.constant 0 : i32
        %dma_wait3A_1082 = arith.constant 0 : i32
        %dma_wait3A_1083 = tpu.memref_slice %arg4[%dma_wait3A_1081, %dma_wait3A_1082] : memref<204800x128xf32, #tpu.memory_space<hbm>> -> memref<8x128xf32, #tpu.memory_space<hbm>>
        %dma_wait3A_1084 = tpu.memref_slice %arg10[%rem3A_908] : memref<4x!tpu.dma_semaphore, #tpu.memory_space<semaphore_mem>> -> memref<1x!tpu.dma_semaphore, #tpu.memory_space<semaphore_mem>>
        %dma_wait3A_1085 = tpu.memref_squeeze %dma_wait3A_1084 : memref<1x!tpu.dma_semaphore, #tpu.memory_space<semaphore_mem>> -> memref<!tpu.dma_semaphore, #tpu.memory_space<semaphore_mem>>
        %dma_wait3A_1086 = arith.constant 0 : i32
        %dma_wait3A_1087 = arith.constant 0 : i32
        %dma_wait3A_1088 = tpu.memref_slice %arg4[%dma_wait3A_1086, %dma_wait3A_1087] : memref<204800x128xf32, #tpu.memory_space<hbm>> -> memref<8x128xf32, #tpu.memory_space<hbm>>
        %dma_wait3A_1089 = arith.constant 0 : i32
        %dma_wait3A_1090 = arith.constant 0 : i32
        %dma_wait3A_1091 = tpu.memref_slice %arg8[%rem3A_908, %dma_wait3A_1076, %dma_wait3A_1089, %dma_wait3A_1090] : memref<4x4x8x129xf32, #tpu.memory_space<vmem>> -> memref<1x1x8x128xf32, #tpu.memory_space<vmem>>
        %dma_wait3A_1092 = tpu.memref_squeeze %dma_wait3A_1091 : memref<1x1x8x128xf32, #tpu.memory_space<vmem>> -> memref<8x128xf32, #tpu.memory_space<vmem>>
        tpu.wait_dma2 semaphore(%dma_wait3A_1085 : memref<!tpu.dma_semaphore, #tpu.memory_space<semaphore_mem>>) src(%dma_wait3A_1092 : memref<8x128xf32, #tpu.memory_space<vmem>>) dst(%dma_wait3A_1088 : memref<8x128xf32, #tpu.memory_space<hbm>>)
        %dma_wait3A_1093 = arith.constant 2 : i32
        %dma_wait3A_1094 = arith.constant 0 : i32
        %dma_wait3A_1095 = arith.constant 0 : i32
        %dma_wait3A_1096 = tpu.memref_slice %arg8[%rem3A_908, %dma_wait3A_1093, %dma_wait3A_1094, %dma_wait3A_1095] : memref<4x4x8x129xf32, #tpu.memory_space<vmem>> -> memref<1x1x8x128xf32, #tpu.memory_space<vmem>>
        %dma_wait3A_1097 = tpu.memref_squeeze %dma_wait3A_1096 : memref<1x1x8x128xf32, #tpu.memory_space<vmem>> -> memref<8x128xf32, #tpu.memory_space<vmem>>
        %dma_wait3A_1098 = arith.constant 0 : i32
        %dma_wait3A_1099 = arith.constant 0 : i32
        %dma_wait3A_1100 = tpu.memref_slice %arg4[%dma_wait3A_1098, %dma_wait3A_1099] : memref<204800x128xf32, #tpu.memory_space<hbm>> -> memref<8x128xf32, #tpu.memory_space<hbm>>
        %dma_wait3A_1101 = tpu.memref_slice %arg10[%rem3A_908] : memref<4x!tpu.dma_semaphore, #tpu.memory_space<semaphore_mem>> -> memref<1x!tpu.dma_semaphore, #tpu.memory_space<semaphore_mem>>
        %dma_wait3A_1102 = tpu.memref_squeeze %dma_wait3A_1101 : memref<1x!tpu.dma_semaphore, #tpu.memory_space<semaphore_mem>> -> memref<!tpu.dma_semaphore, #tpu.memory_space<semaphore_mem>>
        %dma_wait3A_1103 = arith.constant 0 : i32
        %dma_wait3A_1104 = arith.constant 0 : i32
        %dma_wait3A_1105 = tpu.memref_slice %arg4[%dma_wait3A_1103, %dma_wait3A_1104] : memref<204800x128xf32, #tpu.memory_space<hbm>> -> memref<8x128xf32, #tpu.memory_space<hbm>>
        %dma_wait3A_1106 = arith.constant 0 : i32
        %dma_wait3A_1107 = arith.constant 0 : i32
        %dma_wait3A_1108 = tpu.memref_slice %arg8[%rem3A_908, %dma_wait3A_1093, %dma_wait3A_1106, %dma_wait3A_1107] : memref<4x4x8x129xf32, #tpu.memory_space<vmem>> -> memref<1x1x8x128xf32, #tpu.memory_space<vmem>>
        %dma_wait3A_1109 = tpu.memref_squeeze %dma_wait3A_1108 : memref<1x1x8x128xf32, #tpu.memory_space<vmem>> -> memref<8x128xf32, #tpu.memory_space<vmem>>
        tpu.wait_dma2 semaphore(%dma_wait3A_1102 : memref<!tpu.dma_semaphore, #tpu.memory_space<semaphore_mem>>) src(%dma_wait3A_1109 : memref<8x128xf32, #tpu.memory_space<vmem>>) dst(%dma_wait3A_1105 : memref<8x128xf32, #tpu.memory_space<hbm>>)
        %dma_wait3A_1110 = arith.constant 3 : i32
        %dma_wait3A_1111 = arith.constant 0 : i32
        %dma_wait3A_1112 = arith.constant 0 : i32
        %dma_wait3A_1113 = tpu.memref_slice %arg8[%rem3A_908, %dma_wait3A_1110, %dma_wait3A_1111, %dma_wait3A_1112] : memref<4x4x8x129xf32, #tpu.memory_space<vmem>> -> memref<1x1x8x128xf32, #tpu.memory_space<vmem>>
        %dma_wait3A_1114 = tpu.memref_squeeze %dma_wait3A_1113 : memref<1x1x8x128xf32, #tpu.memory_space<vmem>> -> memref<8x128xf32, #tpu.memory_space<vmem>>
        %dma_wait3A_1115 = arith.constant 0 : i32
        %dma_wait3A_1116 = arith.constant 0 : i32
        %dma_wait3A_1117 = tpu.memref_slice %arg4[%dma_wait3A_1115, %dma_wait3A_1116] : memref<204800x128xf32, #tpu.memory_space<hbm>> -> memref<8x128xf32, #tpu.memory_space<hbm>>
        %dma_wait3A_1118 = tpu.memref_slice %arg10[%rem3A_908] : memref<4x!tpu.dma_semaphore, #tpu.memory_space<semaphore_mem>> -> memref<1x!tpu.dma_semaphore, #tpu.memory_space<semaphore_mem>>
        %dma_wait3A_1119 = tpu.memref_squeeze %dma_wait3A_1118 : memref<1x!tpu.dma_semaphore, #tpu.memory_space<semaphore_mem>> -> memref<!tpu.dma_semaphore, #tpu.memory_space<semaphore_mem>>
        %dma_wait3A_1120 = arith.constant 0 : i32
        %dma_wait3A_1121 = arith.constant 0 : i32
        %dma_wait3A_1122 = tpu.memref_slice %arg4[%dma_wait3A_1120, %dma_wait3A_1121] : memref<204800x128xf32, #tpu.memory_space<hbm>> -> memref<8x128xf32, #tpu.memory_space<hbm>>
        %dma_wait3A_1123 = arith.constant 0 : i32
        %dma_wait3A_1124 = arith.constant 0 : i32
        %dma_wait3A_1125 = tpu.memref_slice %arg8[%rem3A_908, %dma_wait3A_1110, %dma_wait3A_1123, %dma_wait3A_1124] : memref<4x4x8x129xf32, #tpu.memory_space<vmem>> -> memref<1x1x8x128xf32, #tpu.memory_space<vmem>>
        %dma_wait3A_1126 = tpu.memref_squeeze %dma_wait3A_1125 : memref<1x1x8x128xf32, #tpu.memory_space<vmem>> -> memref<8x128xf32, #tpu.memory_space<vmem>>
        tpu.wait_dma2 semaphore(%dma_wait3A_1119 : memref<!tpu.dma_semaphore, #tpu.memory_space<semaphore_mem>>) src(%dma_wait3A_1126 : memref<8x128xf32, #tpu.memory_space<vmem>>) dst(%dma_wait3A_1122 : memref<8x128xf32, #tpu.memory_space<hbm>>)
      } else {
      }
      %scan3A_929 = arith.constant 0 : i32
      %scan3A_930 = arith.constant 128 : i32
      %scan3A_931 = arith.addi %scan3A_929, %scan3A_930 : i32
      %scan3A_932 = arith.constant 16 : i32
      scf.for %scan3A_1059 = %scan3A_929 to %scan3A_931 step %scan3A_932  : i32 {
        %mul3A_1060 = arith.constant 1 : i32
        %mul3A_1061 = arith.muli %scan3A_1059, %mul3A_1060 : i32
        %add3A_1062 = arith.constant 0 : i32
        %add3A_1063 = arith.addi %add3A_1062, %mul3A_1061 : i32
        %broadcast_in_dim3A = vector.broadcast %add3A_1063 : i32 to vector<16xi32>
        %get3A = arith.index_cast %rem3A_906 : i32 to index
        %get3A_1064 = arith.index_cast %add3A_1063 : i32 to index
        %get3A_1065 = arith.constant 0 : index
        %get3A_1066 = tpu.vector_load %arg7[%get3A, %get3A_1064, %get3A_1065] {strides = array<i32>} : memref<8x128x32xf32, #tpu.memory_space<vmem>>, vector<16xf32>,
        %max3A = arith.constant 0.000000e+00 : f32
        %max3A_1067 = vector.broadcast %max3A : f32 to vector<16xf32>
        %max3A_1068 = arith.maximumf %get3A_1066, %max3A_1067 : vector<16xf32>
        %scatter3A = arith.constant 0 : i32
        %scatter3A_1069 = arith.constant 0 : i32
        %scatter3A_1070 = arith.constant 0 : i32
        %scatter3A_1071 = tpu.memref_slice %arg8[%rem3A_908, %scatter3A, %scatter3A_1069, %scatter3A_1070] : memref<4x4x8x129xf32, #tpu.memory_space<vmem>> -> memref<1x4x8x129xf32, #tpu.memory_space<vmem>>
        %scatter3A_1072 = tpu.memref_squeeze %scatter3A_1071 : memref<1x4x8x129xf32, #tpu.memory_space<vmem>> -> memref<4x8x129xf32, #tpu.memory_space<vmem>>
        tpu.vector_store_idx %scatter3A_1072[%select_n3A, %rem3A_9, %broadcast_in_dim3A], %max3A_1068 : memref<4x8x129xf32, #tpu.memory_space<vmem>>[vector<16xi32>, vector<16xi32>, vector<16xi32>], vector<16xf32>,
        %get3A_1073 = arith.index_cast %rem3A_906 : i32 to index
        %get3A_1074 = arith.index_cast %add3A_1063 : i32 to index
        %get3A_1075 = arith.constant 16 : index
        %get3A_1076 = tpu.vector_load %arg7[%get3A_1073, %get3A_1074, %get3A_1075] {strides = array<i32>} : memref<8x128x32xf32, #tpu.memory_space<vmem>>, vector<16xf32>,
        %max3A_1077 = arith.constant 0.000000e+00 : f32
        %max3A_1078 = vector.broadcast %max3A_1077 : f32 to vector<16xf32>
        %max3A_1079 = arith.maximumf %get3A_1076, %max3A_1078 : vector<16xf32>
        %scatter3A_1080 = arith.constant 0 : i32
        %scatter3A_1081 = arith.constant 0 : i32
        %scatter3A_1082 = arith.constant 0 : i32
        %scatter3A_1083 = tpu.memref_slice %arg8[%rem3A_908, %scatter3A_1080, %scatter3A_1081, %scatter3A_1082] : memref<4x4x8x129xf32, #tpu.memory_space<vmem>> -> memref<1x4x8x129xf32, #tpu.memory_space<vmem>>
        %scatter3A_1084 = tpu.memref_squeeze %scatter3A_1083 : memref<1x4x8x129xf32, #tpu.memory_space<vmem>> -> memref<4x8x129xf32, #tpu.memory_space<vmem>>
        tpu.vector_store_idx %scatter3A_1084[%add3A_67, %rem3A_9, %broadcast_in_dim3A], %max3A_1079 : memref<4x8x129xf32, #tpu.memory_space<vmem>>[vector<16xi32>, vector<16xi32>, vector<16xi32>], vector<16xf32>,
        %scan3A_1085 = arith.constant 1 : i32
        %scan3A_1086 = arith.addi %scan3A_1059, %scan3A_1085 : i32
        %mul3A_1087 = arith.constant 1 : i32
        %mul3A_1088 = arith.muli %scan3A_1086, %mul3A_1087 : i32
        %add3A_1089 = arith.constant 0 : i32
        %add3A_1090 = arith.addi %add3A_1089, %mul3A_1088 : i32
        %broadcast_in_dim3A_1091 = vector.broadcast %add3A_1090 : i32 to vector<16xi32>
        %get3A_1092 = arith.index_cast %rem3A_906 : i32 to index
        %get3A_1093 = arith.index_cast %add3A_1090 : i32 to index
        %get3A_1094 = arith.constant 0 : index
        %get3A_1095 = tpu.vector_load %arg7[%get3A_1092, %get3A_1093, %get3A_1094] {strides = array<i32>} : memref<8x128x32xf32, #tpu.memory_space<vmem>>, vector<16xf32>,
        %max3A_1096 = arith.constant 0.000000e+00 : f32
        %max3A_1097 = vector.broadcast %max3A_1096 : f32 to vector<16xf32>
        %max3A_1098 = arith.maximumf %get3A_1095, %max3A_1097 : vector<16xf32>
        %scatter3A_1099 = arith.constant 0 : i32
        %scatter3A_1100 = arith.constant 0 : i32
        %scatter3A_1101 = arith.constant 0 : i32
        %scatter3A_1102 = tpu.memref_slice %arg8[%rem3A_908, %scatter3A_1099, %scatter3A_1100, %scatter3A_1101] : memref<4x4x8x129xf32, #tpu.memory_space<vmem>> -> memref<1x4x8x129xf32, #tpu.memory_space<vmem>>
        %scatter3A_1103 = tpu.memref_squeeze %scatter3A_1102 : memref<1x4x8x129xf32, #tpu.memory_space<vmem>> -> memref<4x8x129xf32, #tpu.memory_space<vmem>>
        tpu.vector_store_idx %scatter3A_1103[%select_n3A, %rem3A_9, %broadcast_in_dim3A_1091], %max3A_1098 : memref<4x8x129xf32, #tpu.memory_space<vmem>>[vector<16xi32>, vector<16xi32>, vector<16xi32>], vector<16xf32>,
        %get3A_1104 = arith.index_cast %rem3A_906 : i32 to index
        %get3A_1105 = arith.index_cast %add3A_1090 : i32 to index
        %get3A_1106 = arith.constant 16 : index
        %get3A_1107 = tpu.vector_load %arg7[%get3A_1104, %get3A_1105, %get3A_1106] {strides = array<i32>} : memref<8x128x32xf32, #tpu.memory_space<vmem>>, vector<16xf32>,
        %max3A_1108 = arith.constant 0.000000e+00 : f32
        %max3A_1109 = vector.broadcast %max3A_1108 : f32 to vector<16xf32>
        %max3A_1110 = arith.maximumf %get3A_1107, %max3A_1109 : vector<16xf32>
        %scatter3A_1111 = arith.constant 0 : i32
        %scatter3A_1112 = arith.constant 0 : i32
        %scatter3A_1113 = arith.constant 0 : i32
        %scatter3A_1114 = tpu.memref_slice %arg8[%rem3A_908, %scatter3A_1111, %scatter3A_1112, %scatter3A_1113] : memref<4x4x8x129xf32, #tpu.memory_space<vmem>> -> memref<1x4x8x129xf32, #tpu.memory_space<vmem>>
        %scatter3A_1115 = tpu.memref_squeeze %scatter3A_1114 : memref<1x4x8x129xf32, #tpu.memory_space<vmem>> -> memref<4x8x129xf32, #tpu.memory_space<vmem>>
        tpu.vector_store_idx %scatter3A_1115[%add3A_67, %rem3A_9, %broadcast_in_dim3A_1091], %max3A_1110 : memref<4x8x129xf32, #tpu.memory_space<vmem>>[vector<16xi32>, vector<16xi32>, vector<16xi32>], vector<16xf32>,
        %scan3A_1116 = arith.constant 2 : i32
        %scan3A_1117 = arith.addi %scan3A_1059, %scan3A_1116 : i32
        %mul3A_1118 = arith.constant 1 : i32
        %mul3A_1119 = arith.muli %scan3A_1117, %mul3A_1118 : i32
        %add3A_1120 = arith.constant 0 : i32
        %add3A_1121 = arith.addi %add3A_1120, %mul3A_1119 : i32
        %broadcast_in_dim3A_1122 = vector.broadcast %add3A_1121 : i32 to vector<16xi32>
        %get3A_1123 = arith.index_cast %rem3A_906 : i32 to index
        %get3A_1124 = arith.index_cast %add3A_1121 : i32 to index
        %get3A_1125 = arith.constant 0 : index
        %get3A_1126 = tpu.vector_load %arg7[%get3A_1123, %get3A_1124, %get3A_1125] {strides = array<i32>} : memref<8x128x32xf32, #tpu.memory_space<vmem>>, vector<16xf32>,
        %max3A_1127 = arith.constant 0.000000e+00 : f32
        %max3A_1128 = vector.broadcast %max3A_1127 : f32 to vector<16xf32>
        %max3A_1129 = arith.maximumf %get3A_1126, %max3A_1128 : vector<16xf32>
        %scatter3A_1130 = arith.constant 0 : i32
        %scatter3A_1131 = arith.constant 0 : i32
        %scatter3A_1132 = arith.constant 0 : i32
        %scatter3A_1133 = tpu.memref_slice %arg8[%rem3A_908, %scatter3A_1130, %scatter3A_1131, %scatter3A_1132] : memref<4x4x8x129xf32, #tpu.memory_space<vmem>> -> memref<1x4x8x129xf32, #tpu.memory_space<vmem>>
        %scatter3A_1134 = tpu.memref_squeeze %scatter3A_1133 : memref<1x4x8x129xf32, #tpu.memory_space<vmem>> -> memref<4x8x129xf32, #tpu.memory_space<vmem>>
        tpu.vector_store_idx %scatter3A_1134[%select_n3A, %rem3A_9, %broadcast_in_dim3A_1122], %max3A_1129 : memref<4x8x129xf32, #tpu.memory_space<vmem>>[vector<16xi32>, vector<16xi32>, vector<16xi32>], vector<16xf32>,
        %get3A_1135 = arith.index_cast %rem3A_906 : i32 to index
        %get3A_1136 = arith.index_cast %add3A_1121 : i32 to index
        %get3A_1137 = arith.constant 16 : index
        %get3A_1138 = tpu.vector_load %arg7[%get3A_1135, %get3A_1136, %get3A_1137] {strides = array<i32>} : memref<8x128x32xf32, #tpu.memory_space<vmem>>, vector<16xf32>,
        %max3A_1139 = arith.constant 0.000000e+00 : f32
        %max3A_1140 = vector.broadcast %max3A_1139 : f32 to vector<16xf32>
        %max3A_1141 = arith.maximumf %get3A_1138, %max3A_1140 : vector<16xf32>
        %scatter3A_1142 = arith.constant 0 : i32
        %scatter3A_1143 = arith.constant 0 : i32
        %scatter3A_1144 = arith.constant 0 : i32
        %scatter3A_1145 = tpu.memref_slice %arg8[%rem3A_908, %scatter3A_1142, %scatter3A_1143, %scatter3A_1144] : memref<4x4x8x129xf32, #tpu.memory_space<vmem>> -> memref<1x4x8x129xf32, #tpu.memory_space<vmem>>
        %scatter3A_1146 = tpu.memref_squeeze %scatter3A_1145 : memref<1x4x8x129xf32, #tpu.memory_space<vmem>> -> memref<4x8x129xf32, #tpu.memory_space<vmem>>
        tpu.vector_store_idx %scatter3A_1146[%add3A_67, %rem3A_9, %broadcast_in_dim3A_1122], %max3A_1141 : memref<4x8x129xf32, #tpu.memory_space<vmem>>[vector<16xi32>, vector<16xi32>, vector<16xi32>], vector<16xf32>,
        %scan3A_1147 = arith.constant 3 : i32
        %scan3A_1148 = arith.addi %scan3A_1059, %scan3A_1147 : i32
        %mul3A_1149 = arith.constant 1 : i32
        %mul3A_1150 = arith.muli %scan3A_1148, %mul3A_1149 : i32
        %add3A_1151 = arith.constant 0 : i32
        %add3A_1152 = arith.addi %add3A_1151, %mul3A_1150 : i32
        %broadcast_in_dim3A_1153 = vector.broadcast %add3A_1152 : i32 to vector<16xi32>
        %get3A_1154 = arith.index_cast %rem3A_906 : i32 to index
        %get3A_1155 = arith.index_cast %add3A_1152 : i32 to index
        %get3A_1156 = arith.constant 0 : index
        %get3A_1157 = tpu.vector_load %arg7[%get3A_1154, %get3A_1155, %get3A_1156] {strides = array<i32>} : memref<8x128x32xf32, #tpu.memory_space<vmem>>, vector<16xf32>,
        %max3A_1158 = arith.constant 0.000000e+00 : f32
        %max3A_1159 = vector.broadcast %max3A_1158 : f32 to vector<16xf32>
        %max3A_1160 = arith.maximumf %get3A_1157, %max3A_1159 : vector<16xf32>
        %scatter3A_1161 = arith.constant 0 : i32
        %scatter3A_1162 = arith.constant 0 : i32
        %scatter3A_1163 = arith.constant 0 : i32
        %scatter3A_1164 = tpu.memref_slice %arg8[%rem3A_908, %scatter3A_1161, %scatter3A_1162, %scatter3A_1163] : memref<4x4x8x129xf32, #tpu.memory_space<vmem>> -> memref<1x4x8x129xf32, #tpu.memory_space<vmem>>
        %scatter3A_1165 = tpu.memref_squeeze %scatter3A_1164 : memref<1x4x8x129xf32, #tpu.memory_space<vmem>> -> memref<4x8x129xf32, #tpu.memory_space<vmem>>
        tpu.vector_store_idx %scatter3A_1165[%select_n3A, %rem3A_9, %broadcast_in_dim3A_1153], %max3A_1160 : memref<4x8x129xf32, #tpu.memory_space<vmem>>[vector<16xi32>, vector<16xi32>, vector<16xi32>], vector<16xf32>,
        %get3A_1166 = arith.index_cast %rem3A_906 : i32 to index
        %get3A_1167 = arith.index_cast %add3A_1152 : i32 to index
        %get3A_1168 = arith.constant 16 : index
        %get3A_1169 = tpu.vector_load %arg7[%get3A_1166, %get3A_1167, %get3A_1168] {strides = array<i32>} : memref<8x128x32xf32, #tpu.memory_space<vmem>>, vector<16xf32>,
        %max3A_1170 = arith.constant 0.000000e+00 : f32
        %max3A_1171 = vector.broadcast %max3A_1170 : f32 to vector<16xf32>
        %max3A_1172 = arith.maximumf %get3A_1169, %max3A_1171 : vector<16xf32>
        %scatter3A_1173 = arith.constant 0 : i32
        %scatter3A_1174 = arith.constant 0 : i32
        %scatter3A_1175 = arith.constant 0 : i32
        %scatter3A_1176 = tpu.memref_slice %arg8[%rem3A_908, %scatter3A_1173, %scatter3A_1174, %scatter3A_1175] : memref<4x4x8x129xf32, #tpu.memory_space<vmem>> -> memref<1x4x8x129xf32, #tpu.memory_space<vmem>>
        %scatter3A_1177 = tpu.memref_squeeze %scatter3A_1176 : memref<1x4x8x129xf32, #tpu.memory_space<vmem>> -> memref<4x8x129xf32, #tpu.memory_space<vmem>>
        tpu.vector_store_idx %scatter3A_1177[%add3A_67, %rem3A_9, %broadcast_in_dim3A_1153], %max3A_1172 : memref<4x8x129xf32, #tpu.memory_space<vmem>>[vector<16xi32>, vector<16xi32>, vector<16xi32>], vector<16xf32>,
        %scan3A_1178 = arith.constant 4 : i32
        %scan3A_1179 = arith.addi %scan3A_1059, %scan3A_1178 : i32
        %mul3A_1180 = arith.constant 1 : i32
        %mul3A_1181 = arith.muli %scan3A_1179, %mul3A_1180 : i32
        %add3A_1182 = arith.constant 0 : i32
        %add3A_1183 = arith.addi %add3A_1182, %mul3A_1181 : i32
        %broadcast_in_dim3A_1184 = vector.broadcast %add3A_1183 : i32 to vector<16xi32>
        %get3A_1185 = arith.index_cast %rem3A_906 : i32 to index
        %get3A_1186 = arith.index_cast %add3A_1183 : i32 to index
        %get3A_1187 = arith.constant 0 : index
        %get3A_1188 = tpu.vector_load %arg7[%get3A_1185, %get3A_1186, %get3A_1187] {strides = array<i32>} : memref<8x128x32xf32, #tpu.memory_space<vmem>>, vector<16xf32>,
        %max3A_1189 = arith.constant 0.000000e+00 : f32
        %max3A_1190 = vector.broadcast %max3A_1189 : f32 to vector<16xf32>
        %max3A_1191 = arith.maximumf %get3A_1188, %max3A_1190 : vector<16xf32>
        %scatter3A_1192 = arith.constant 0 : i32
        %scatter3A_1193 = arith.constant 0 : i32
        %scatter3A_1194 = arith.constant 0 : i32
        %scatter3A_1195 = tpu.memref_slice %arg8[%rem3A_908, %scatter3A_1192, %scatter3A_1193, %scatter3A_1194] : memref<4x4x8x129xf32, #tpu.memory_space<vmem>> -> memref<1x4x8x129xf32, #tpu.memory_space<vmem>>
        %scatter3A_1196 = tpu.memref_squeeze %scatter3A_1195 : memref<1x4x8x129xf32, #tpu.memory_space<vmem>> -> memref<4x8x129xf32, #tpu.memory_space<vmem>>
        tpu.vector_store_idx %scatter3A_1196[%select_n3A, %rem3A_9, %broadcast_in_dim3A_1184], %max3A_1191 : memref<4x8x129xf32, #tpu.memory_space<vmem>>[vector<16xi32>, vector<16xi32>, vector<16xi32>], vector<16xf32>,
        %get3A_1197 = arith.index_cast %rem3A_906 : i32 to index
        %get3A_1198 = arith.index_cast %add3A_1183 : i32 to index
        %get3A_1199 = arith.constant 16 : index
        %get3A_1200 = tpu.vector_load %arg7[%get3A_1197, %get3A_1198, %get3A_1199] {strides = array<i32>} : memref<8x128x32xf32, #tpu.memory_space<vmem>>, vector<16xf32>,
        %max3A_1201 = arith.constant 0.000000e+00 : f32
        %max3A_1202 = vector.broadcast %max3A_1201 : f32 to vector<16xf32>
        %max3A_1203 = arith.maximumf %get3A_1200, %max3A_1202 : vector<16xf32>
        %scatter3A_1204 = arith.constant 0 : i32
        %scatter3A_1205 = arith.constant 0 : i32
        %scatter3A_1206 = arith.constant 0 : i32
        %scatter3A_1207 = tpu.memref_slice %arg8[%rem3A_908, %scatter3A_1204, %scatter3A_1205, %scatter3A_1206] : memref<4x4x8x129xf32, #tpu.memory_space<vmem>> -> memref<1x4x8x129xf32, #tpu.memory_space<vmem>>
        %scatter3A_1208 = tpu.memref_squeeze %scatter3A_1207 : memref<1x4x8x129xf32, #tpu.memory_space<vmem>> -> memref<4x8x129xf32, #tpu.memory_space<vmem>>
        tpu.vector_store_idx %scatter3A_1208[%add3A_67, %rem3A_9, %broadcast_in_dim3A_1184], %max3A_1203 : memref<4x8x129xf32, #tpu.memory_space<vmem>>[vector<16xi32>, vector<16xi32>, vector<16xi32>], vector<16xf32>,
        %scan3A_1209 = arith.constant 5 : i32
        %scan3A_1210 = arith.addi %scan3A_1059, %scan3A_1209 : i32
        %mul3A_1211 = arith.constant 1 : i32
        %mul3A_1212 = arith.muli %scan3A_1210, %mul3A_1211 : i32
        %add3A_1213 = arith.constant 0 : i32
        %add3A_1214 = arith.addi %add3A_1213, %mul3A_1212 : i32
        %broadcast_in_dim3A_1215 = vector.broadcast %add3A_1214 : i32 to vector<16xi32>
        %get3A_1216 = arith.index_cast %rem3A_906 : i32 to index
        %get3A_1217 = arith.index_cast %add3A_1214 : i32 to index
        %get3A_1218 = arith.constant 0 : index
        %get3A_1219 = tpu.vector_load %arg7[%get3A_1216, %get3A_1217, %get3A_1218] {strides = array<i32>} : memref<8x128x32xf32, #tpu.memory_space<vmem>>, vector<16xf32>,
        %max3A_1220 = arith.constant 0.000000e+00 : f32
        %max3A_1221 = vector.broadcast %max3A_1220 : f32 to vector<16xf32>
        %max3A_1222 = arith.maximumf %get3A_1219, %max3A_1221 : vector<16xf32>
        %scatter3A_1223 = arith.constant 0 : i32
        %scatter3A_1224 = arith.constant 0 : i32
        %scatter3A_1225 = arith.constant 0 : i32
        %scatter3A_1226 = tpu.memref_slice %arg8[%rem3A_908, %scatter3A_1223, %scatter3A_1224, %scatter3A_1225] : memref<4x4x8x129xf32, #tpu.memory_space<vmem>> -> memref<1x4x8x129xf32, #tpu.memory_space<vmem>>
        %scatter3A_1227 = tpu.memref_squeeze %scatter3A_1226 : memref<1x4x8x129xf32, #tpu.memory_space<vmem>> -> memref<4x8x129xf32, #tpu.memory_space<vmem>>
        tpu.vector_store_idx %scatter3A_1227[%select_n3A, %rem3A_9, %broadcast_in_dim3A_1215], %max3A_1222 : memref<4x8x129xf32, #tpu.memory_space<vmem>>[vector<16xi32>, vector<16xi32>, vector<16xi32>], vector<16xf32>,
        %get3A_1228 = arith.index_cast %rem3A_906 : i32 to index
        %get3A_1229 = arith.index_cast %add3A_1214 : i32 to index
        %get3A_1230 = arith.constant 16 : index
        %get3A_1231 = tpu.vector_load %arg7[%get3A_1228, %get3A_1229, %get3A_1230] {strides = array<i32>} : memref<8x128x32xf32, #tpu.memory_space<vmem>>, vector<16xf32>,
        %max3A_1232 = arith.constant 0.000000e+00 : f32
        %max3A_1233 = vector.broadcast %max3A_1232 : f32 to vector<16xf32>
        %max3A_1234 = arith.maximumf %get3A_1231, %max3A_1233 : vector<16xf32>
        %scatter3A_1235 = arith.constant 0 : i32
        %scatter3A_1236 = arith.constant 0 : i32
        %scatter3A_1237 = arith.constant 0 : i32
        %scatter3A_1238 = tpu.memref_slice %arg8[%rem3A_908, %scatter3A_1235, %scatter3A_1236, %scatter3A_1237] : memref<4x4x8x129xf32, #tpu.memory_space<vmem>> -> memref<1x4x8x129xf32, #tpu.memory_space<vmem>>
        %scatter3A_1239 = tpu.memref_squeeze %scatter3A_1238 : memref<1x4x8x129xf32, #tpu.memory_space<vmem>> -> memref<4x8x129xf32, #tpu.memory_space<vmem>>
        tpu.vector_store_idx %scatter3A_1239[%add3A_67, %rem3A_9, %broadcast_in_dim3A_1215], %max3A_1234 : memref<4x8x129xf32, #tpu.memory_space<vmem>>[vector<16xi32>, vector<16xi32>, vector<16xi32>], vector<16xf32>,
        %scan3A_1240 = arith.constant 6 : i32
        %scan3A_1241 = arith.addi %scan3A_1059, %scan3A_1240 : i32
        %mul3A_1242 = arith.constant 1 : i32
        %mul3A_1243 = arith.muli %scan3A_1241, %mul3A_1242 : i32
        %add3A_1244 = arith.constant 0 : i32
        %add3A_1245 = arith.addi %add3A_1244, %mul3A_1243 : i32
        %broadcast_in_dim3A_1246 = vector.broadcast %add3A_1245 : i32 to vector<16xi32>
        %get3A_1247 = arith.index_cast %rem3A_906 : i32 to index
        %get3A_1248 = arith.index_cast %add3A_1245 : i32 to index
        %get3A_1249 = arith.constant 0 : index
        %get3A_1250 = tpu.vector_load %arg7[%get3A_1247, %get3A_1248, %get3A_1249] {strides = array<i32>} : memref<8x128x32xf32, #tpu.memory_space<vmem>>, vector<16xf32>,
        %max3A_1251 = arith.constant 0.000000e+00 : f32
        %max3A_1252 = vector.broadcast %max3A_1251 : f32 to vector<16xf32>
        %max3A_1253 = arith.maximumf %get3A_1250, %max3A_1252 : vector<16xf32>
        %scatter3A_1254 = arith.constant 0 : i32
        %scatter3A_1255 = arith.constant 0 : i32
        %scatter3A_1256 = arith.constant 0 : i32
        %scatter3A_1257 = tpu.memref_slice %arg8[%rem3A_908, %scatter3A_1254, %scatter3A_1255, %scatter3A_1256] : memref<4x4x8x129xf32, #tpu.memory_space<vmem>> -> memref<1x4x8x129xf32, #tpu.memory_space<vmem>>
        %scatter3A_1258 = tpu.memref_squeeze %scatter3A_1257 : memref<1x4x8x129xf32, #tpu.memory_space<vmem>> -> memref<4x8x129xf32, #tpu.memory_space<vmem>>
        tpu.vector_store_idx %scatter3A_1258[%select_n3A, %rem3A_9, %broadcast_in_dim3A_1246], %max3A_1253 : memref<4x8x129xf32, #tpu.memory_space<vmem>>[vector<16xi32>, vector<16xi32>, vector<16xi32>], vector<16xf32>,
        %get3A_1259 = arith.index_cast %rem3A_906 : i32 to index
        %get3A_1260 = arith.index_cast %add3A_1245 : i32 to index
        %get3A_1261 = arith.constant 16 : index
        %get3A_1262 = tpu.vector_load %arg7[%get3A_1259, %get3A_1260, %get3A_1261] {strides = array<i32>} : memref<8x128x32xf32, #tpu.memory_space<vmem>>, vector<16xf32>,
        %max3A_1263 = arith.constant 0.000000e+00 : f32
        %max3A_1264 = vector.broadcast %max3A_1263 : f32 to vector<16xf32>
        %max3A_1265 = arith.maximumf %get3A_1262, %max3A_1264 : vector<16xf32>
        %scatter3A_1266 = arith.constant 0 : i32
        %scatter3A_1267 = arith.constant 0 : i32
        %scatter3A_1268 = arith.constant 0 : i32
        %scatter3A_1269 = tpu.memref_slice %arg8[%rem3A_908, %scatter3A_1266, %scatter3A_1267, %scatter3A_1268] : memref<4x4x8x129xf32, #tpu.memory_space<vmem>> -> memref<1x4x8x129xf32, #tpu.memory_space<vmem>>
        %scatter3A_1270 = tpu.memref_squeeze %scatter3A_1269 : memref<1x4x8x129xf32, #tpu.memory_space<vmem>> -> memref<4x8x129xf32, #tpu.memory_space<vmem>>
        tpu.vector_store_idx %scatter3A_1270[%add3A_67, %rem3A_9, %broadcast_in_dim3A_1246], %max3A_1265 : memref<4x8x129xf32, #tpu.memory_space<vmem>>[vector<16xi32>, vector<16xi32>, vector<16xi32>], vector<16xf32>,
        %scan3A_1271 = arith.constant 7 : i32
        %scan3A_1272 = arith.addi %scan3A_1059, %scan3A_1271 : i32
        %mul3A_1273 = arith.constant 1 : i32
        %mul3A_1274 = arith.muli %scan3A_1272, %mul3A_1273 : i32
        %add3A_1275 = arith.constant 0 : i32
        %add3A_1276 = arith.addi %add3A_1275, %mul3A_1274 : i32
        %broadcast_in_dim3A_1277 = vector.broadcast %add3A_1276 : i32 to vector<16xi32>
        %get3A_1278 = arith.index_cast %rem3A_906 : i32 to index
        %get3A_1279 = arith.index_cast %add3A_1276 : i32 to index
        %get3A_1280 = arith.constant 0 : index
        %get3A_1281 = tpu.vector_load %arg7[%get3A_1278, %get3A_1279, %get3A_1280] {strides = array<i32>} : memref<8x128x32xf32, #tpu.memory_space<vmem>>, vector<16xf32>,
        %max3A_1282 = arith.constant 0.000000e+00 : f32
        %max3A_1283 = vector.broadcast %max3A_1282 : f32 to vector<16xf32>
        %max3A_1284 = arith.maximumf %get3A_1281, %max3A_1283 : vector<16xf32>
        %scatter3A_1285 = arith.constant 0 : i32
        %scatter3A_1286 = arith.constant 0 : i32
        %scatter3A_1287 = arith.constant 0 : i32
        %scatter3A_1288 = tpu.memref_slice %arg8[%rem3A_908, %scatter3A_1285, %scatter3A_1286, %scatter3A_1287] : memref<4x4x8x129xf32, #tpu.memory_space<vmem>> -> memref<1x4x8x129xf32, #tpu.memory_space<vmem>>
        %scatter3A_1289 = tpu.memref_squeeze %scatter3A_1288 : memref<1x4x8x129xf32, #tpu.memory_space<vmem>> -> memref<4x8x129xf32, #tpu.memory_space<vmem>>
        tpu.vector_store_idx %scatter3A_1289[%select_n3A, %rem3A_9, %broadcast_in_dim3A_1277], %max3A_1284 : memref<4x8x129xf32, #tpu.memory_space<vmem>>[vector<16xi32>, vector<16xi32>, vector<16xi32>], vector<16xf32>,
        %get3A_1290 = arith.index_cast %rem3A_906 : i32 to index
        %get3A_1291 = arith.index_cast %add3A_1276 : i32 to index
        %get3A_1292 = arith.constant 16 : index
        %get3A_1293 = tpu.vector_load %arg7[%get3A_1290, %get3A_1291, %get3A_1292] {strides = array<i32>} : memref<8x128x32xf32, #tpu.memory_space<vmem>>, vector<16xf32>,
        %max3A_1294 = arith.constant 0.000000e+00 : f32
        %max3A_1295 = vector.broadcast %max3A_1294 : f32 to vector<16xf32>
        %max3A_1296 = arith.maximumf %get3A_1293, %max3A_1295 : vector<16xf32>
        %scatter3A_1297 = arith.constant 0 : i32
        %scatter3A_1298 = arith.constant 0 : i32
        %scatter3A_1299 = arith.constant 0 : i32
        %scatter3A_1300 = tpu.memref_slice %arg8[%rem3A_908, %scatter3A_1297, %scatter3A_1298, %scatter3A_1299] : memref<4x4x8x129xf32, #tpu.memory_space<vmem>> -> memref<1x4x8x129xf32, #tpu.memory_space<vmem>>
        %scatter3A_1301 = tpu.memref_squeeze %scatter3A_1300 : memref<1x4x8x129xf32, #tpu.memory_space<vmem>> -> memref<4x8x129xf32, #tpu.memory_space<vmem>>
        tpu.vector_store_idx %scatter3A_1301[%add3A_67, %rem3A_9, %broadcast_in_dim3A_1277], %max3A_1296 : memref<4x8x129xf32, #tpu.memory_space<vmem>>[vector<16xi32>, vector<16xi32>, vector<16xi32>], vector<16xf32>,
        %scan3A_1302 = arith.constant 8 : i32
        %scan3A_1303 = arith.addi %scan3A_1059, %scan3A_1302 : i32
        %mul3A_1304 = arith.constant 1 : i32
        %mul3A_1305 = arith.muli %scan3A_1303, %mul3A_1304 : i32
        %add3A_1306 = arith.constant 0 : i32
        %add3A_1307 = arith.addi %add3A_1306, %mul3A_1305 : i32
        %broadcast_in_dim3A_1308 = vector.broadcast %add3A_1307 : i32 to vector<16xi32>
        %get3A_1309 = arith.index_cast %rem3A_906 : i32 to index
        %get3A_1310 = arith.index_cast %add3A_1307 : i32 to index
        %get3A_1311 = arith.constant 0 : index
        %get3A_1312 = tpu.vector_load %arg7[%get3A_1309, %get3A_1310, %get3A_1311] {strides = array<i32>} : memref<8x128x32xf32, #tpu.memory_space<vmem>>, vector<16xf32>,
        %max3A_1313 = arith.constant 0.000000e+00 : f32
        %max3A_1314 = vector.broadcast %max3A_1313 : f32 to vector<16xf32>
        %max3A_1315 = arith.maximumf %get3A_1312, %max3A_1314 : vector<16xf32>
        %scatter3A_1316 = arith.constant 0 : i32
        %scatter3A_1317 = arith.constant 0 : i32
        %scatter3A_1318 = arith.constant 0 : i32
        %scatter3A_1319 = tpu.memref_slice %arg8[%rem3A_908, %scatter3A_1316, %scatter3A_1317, %scatter3A_1318] : memref<4x4x8x129xf32, #tpu.memory_space<vmem>> -> memref<1x4x8x129xf32, #tpu.memory_space<vmem>>
        %scatter3A_1320 = tpu.memref_squeeze %scatter3A_1319 : memref<1x4x8x129xf32, #tpu.memory_space<vmem>> -> memref<4x8x129xf32, #tpu.memory_space<vmem>>
        tpu.vector_store_idx %scatter3A_1320[%select_n3A, %rem3A_9, %broadcast_in_dim3A_1308], %max3A_1315 : memref<4x8x129xf32, #tpu.memory_space<vmem>>[vector<16xi32>, vector<16xi32>, vector<16xi32>], vector<16xf32>,
        %get3A_1321 = arith.index_cast %rem3A_906 : i32 to index
        %get3A_1322 = arith.index_cast %add3A_1307 : i32 to index
        %get3A_1323 = arith.constant 16 : index
        %get3A_1324 = tpu.vector_load %arg7[%get3A_1321, %get3A_1322, %get3A_1323] {strides = array<i32>} : memref<8x128x32xf32, #tpu.memory_space<vmem>>, vector<16xf32>,
        %max3A_1325 = arith.constant 0.000000e+00 : f32
        %max3A_1326 = vector.broadcast %max3A_1325 : f32 to vector<16xf32>
        %max3A_1327 = arith.maximumf %get3A_1324, %max3A_1326 : vector<16xf32>
        %scatter3A_1328 = arith.constant 0 : i32
        %scatter3A_1329 = arith.constant 0 : i32
        %scatter3A_1330 = arith.constant 0 : i32
        %scatter3A_1331 = tpu.memref_slice %arg8[%rem3A_908, %scatter3A_1328, %scatter3A_1329, %scatter3A_1330] : memref<4x4x8x129xf32, #tpu.memory_space<vmem>> -> memref<1x4x8x129xf32, #tpu.memory_space<vmem>>
        %scatter3A_1332 = tpu.memref_squeeze %scatter3A_1331 : memref<1x4x8x129xf32, #tpu.memory_space<vmem>> -> memref<4x8x129xf32, #tpu.memory_space<vmem>>
        tpu.vector_store_idx %scatter3A_1332[%add3A_67, %rem3A_9, %broadcast_in_dim3A_1308], %max3A_1327 : memref<4x8x129xf32, #tpu.memory_space<vmem>>[vector<16xi32>, vector<16xi32>, vector<16xi32>], vector<16xf32>,
        %scan3A_1333 = arith.constant 9 : i32
        %scan3A_1334 = arith.addi %scan3A_1059, %scan3A_1333 : i32
        %mul3A_1335 = arith.constant 1 : i32
        %mul3A_1336 = arith.muli %scan3A_1334, %mul3A_1335 : i32
        %add3A_1337 = arith.constant 0 : i32
        %add3A_1338 = arith.addi %add3A_1337, %mul3A_1336 : i32
        %broadcast_in_dim3A_1339 = vector.broadcast %add3A_1338 : i32 to vector<16xi32>
        %get3A_1340 = arith.index_cast %rem3A_906 : i32 to index
        %get3A_1341 = arith.index_cast %add3A_1338 : i32 to index
        %get3A_1342 = arith.constant 0 : index
        %get3A_1343 = tpu.vector_load %arg7[%get3A_1340, %get3A_1341, %get3A_1342] {strides = array<i32>} : memref<8x128x32xf32, #tpu.memory_space<vmem>>, vector<16xf32>,
        %max3A_1344 = arith.constant 0.000000e+00 : f32
        %max3A_1345 = vector.broadcast %max3A_1344 : f32 to vector<16xf32>
        %max3A_1346 = arith.maximumf %get3A_1343, %max3A_1345 : vector<16xf32>
        %scatter3A_1347 = arith.constant 0 : i32
        %scatter3A_1348 = arith.constant 0 : i32
        %scatter3A_1349 = arith.constant 0 : i32
        %scatter3A_1350 = tpu.memref_slice %arg8[%rem3A_908, %scatter3A_1347, %scatter3A_1348, %scatter3A_1349] : memref<4x4x8x129xf32, #tpu.memory_space<vmem>> -> memref<1x4x8x129xf32, #tpu.memory_space<vmem>>
        %scatter3A_1351 = tpu.memref_squeeze %scatter3A_1350 : memref<1x4x8x129xf32, #tpu.memory_space<vmem>> -> memref<4x8x129xf32, #tpu.memory_space<vmem>>
        tpu.vector_store_idx %scatter3A_1351[%select_n3A, %rem3A_9, %broadcast_in_dim3A_1339], %max3A_1346 : memref<4x8x129xf32, #tpu.memory_space<vmem>>[vector<16xi32>, vector<16xi32>, vector<16xi32>], vector<16xf32>,
        %get3A_1352 = arith.index_cast %rem3A_906 : i32 to index
        %get3A_1353 = arith.index_cast %add3A_1338 : i32 to index
        %get3A_1354 = arith.constant 16 : index
        %get3A_1355 = tpu.vector_load %arg7[%get3A_1352, %get3A_1353, %get3A_1354] {strides = array<i32>} : memref<8x128x32xf32, #tpu.memory_space<vmem>>, vector<16xf32>,
        %max3A_1356 = arith.constant 0.000000e+00 : f32
        %max3A_1357 = vector.broadcast %max3A_1356 : f32 to vector<16xf32>
        %max3A_1358 = arith.maximumf %get3A_1355, %max3A_1357 : vector<16xf32>
        %scatter3A_1359 = arith.constant 0 : i32
        %scatter3A_1360 = arith.constant 0 : i32
        %scatter3A_1361 = arith.constant 0 : i32
        %scatter3A_1362 = tpu.memref_slice %arg8[%rem3A_908, %scatter3A_1359, %scatter3A_1360, %scatter3A_1361] : memref<4x4x8x129xf32, #tpu.memory_space<vmem>> -> memref<1x4x8x129xf32, #tpu.memory_space<vmem>>
        %scatter3A_1363 = tpu.memref_squeeze %scatter3A_1362 : memref<1x4x8x129xf32, #tpu.memory_space<vmem>> -> memref<4x8x129xf32, #tpu.memory_space<vmem>>
        tpu.vector_store_idx %scatter3A_1363[%add3A_67, %rem3A_9, %broadcast_in_dim3A_1339], %max3A_1358 : memref<4x8x129xf32, #tpu.memory_space<vmem>>[vector<16xi32>, vector<16xi32>, vector<16xi32>], vector<16xf32>,
        %scan3A_1364 = arith.constant 10 : i32
        %scan3A_1365 = arith.addi %scan3A_1059, %scan3A_1364 : i32
        %mul3A_1366 = arith.constant 1 : i32
        %mul3A_1367 = arith.muli %scan3A_1365, %mul3A_1366 : i32
        %add3A_1368 = arith.constant 0 : i32
        %add3A_1369 = arith.addi %add3A_1368, %mul3A_1367 : i32
        %broadcast_in_dim3A_1370 = vector.broadcast %add3A_1369 : i32 to vector<16xi32>
        %get3A_1371 = arith.index_cast %rem3A_906 : i32 to index
        %get3A_1372 = arith.index_cast %add3A_1369 : i32 to index
        %get3A_1373 = arith.constant 0 : index
        %get3A_1374 = tpu.vector_load %arg7[%get3A_1371, %get3A_1372, %get3A_1373] {strides = array<i32>} : memref<8x128x32xf32, #tpu.memory_space<vmem>>, vector<16xf32>,
        %max3A_1375 = arith.constant 0.000000e+00 : f32
        %max3A_1376 = vector.broadcast %max3A_1375 : f32 to vector<16xf32>
        %max3A_1377 = arith.maximumf %get3A_1374, %max3A_1376 : vector<16xf32>
        %scatter3A_1378 = arith.constant 0 : i32
        %scatter3A_1379 = arith.constant 0 : i32
        %scatter3A_1380 = arith.constant 0 : i32
        %scatter3A_1381 = tpu.memref_slice %arg8[%rem3A_908, %scatter3A_1378, %scatter3A_1379, %scatter3A_1380] : memref<4x4x8x129xf32, #tpu.memory_space<vmem>> -> memref<1x4x8x129xf32, #tpu.memory_space<vmem>>
        %scatter3A_1382 = tpu.memref_squeeze %scatter3A_1381 : memref<1x4x8x129xf32, #tpu.memory_space<vmem>> -> memref<4x8x129xf32, #tpu.memory_space<vmem>>
        tpu.vector_store_idx %scatter3A_1382[%select_n3A, %rem3A_9, %broadcast_in_dim3A_1370], %max3A_1377 : memref<4x8x129xf32, #tpu.memory_space<vmem>>[vector<16xi32>, vector<16xi32>, vector<16xi32>], vector<16xf32>,
        %get3A_1383 = arith.index_cast %rem3A_906 : i32 to index
        %get3A_1384 = arith.index_cast %add3A_1369 : i32 to index
        %get3A_1385 = arith.constant 16 : index
        %get3A_1386 = tpu.vector_load %arg7[%get3A_1383, %get3A_1384, %get3A_1385] {strides = array<i32>} : memref<8x128x32xf32, #tpu.memory_space<vmem>>, vector<16xf32>,
        %max3A_1387 = arith.constant 0.000000e+00 : f32
        %max3A_1388 = vector.broadcast %max3A_1387 : f32 to vector<16xf32>
        %max3A_1389 = arith.maximumf %get3A_1386, %max3A_1388 : vector<16xf32>
        %scatter3A_1390 = arith.constant 0 : i32
        %scatter3A_1391 = arith.constant 0 : i32
        %scatter3A_1392 = arith.constant 0 : i32
        %scatter3A_1393 = tpu.memref_slice %arg8[%rem3A_908, %scatter3A_1390, %scatter3A_1391, %scatter3A_1392] : memref<4x4x8x129xf32, #tpu.memory_space<vmem>> -> memref<1x4x8x129xf32, #tpu.memory_space<vmem>>
        %scatter3A_1394 = tpu.memref_squeeze %scatter3A_1393 : memref<1x4x8x129xf32, #tpu.memory_space<vmem>> -> memref<4x8x129xf32, #tpu.memory_space<vmem>>
        tpu.vector_store_idx %scatter3A_1394[%add3A_67, %rem3A_9, %broadcast_in_dim3A_1370], %max3A_1389 : memref<4x8x129xf32, #tpu.memory_space<vmem>>[vector<16xi32>, vector<16xi32>, vector<16xi32>], vector<16xf32>,
        %scan3A_1395 = arith.constant 11 : i32
        %scan3A_1396 = arith.addi %scan3A_1059, %scan3A_1395 : i32
        %mul3A_1397 = arith.constant 1 : i32
        %mul3A_1398 = arith.muli %scan3A_1396, %mul3A_1397 : i32
        %add3A_1399 = arith.constant 0 : i32
        %add3A_1400 = arith.addi %add3A_1399, %mul3A_1398 : i32
        %broadcast_in_dim3A_1401 = vector.broadcast %add3A_1400 : i32 to vector<16xi32>
        %get3A_1402 = arith.index_cast %rem3A_906 : i32 to index
        %get3A_1403 = arith.index_cast %add3A_1400 : i32 to index
        %get3A_1404 = arith.constant 0 : index
        %get3A_1405 = tpu.vector_load %arg7[%get3A_1402, %get3A_1403, %get3A_1404] {strides = array<i32>} : memref<8x128x32xf32, #tpu.memory_space<vmem>>, vector<16xf32>,
        %max3A_1406 = arith.constant 0.000000e+00 : f32
        %max3A_1407 = vector.broadcast %max3A_1406 : f32 to vector<16xf32>
        %max3A_1408 = arith.maximumf %get3A_1405, %max3A_1407 : vector<16xf32>
        %scatter3A_1409 = arith.constant 0 : i32
        %scatter3A_1410 = arith.constant 0 : i32
        %scatter3A_1411 = arith.constant 0 : i32
        %scatter3A_1412 = tpu.memref_slice %arg8[%rem3A_908, %scatter3A_1409, %scatter3A_1410, %scatter3A_1411] : memref<4x4x8x129xf32, #tpu.memory_space<vmem>> -> memref<1x4x8x129xf32, #tpu.memory_space<vmem>>
        %scatter3A_1413 = tpu.memref_squeeze %scatter3A_1412 : memref<1x4x8x129xf32, #tpu.memory_space<vmem>> -> memref<4x8x129xf32, #tpu.memory_space<vmem>>
        tpu.vector_store_idx %scatter3A_1413[%select_n3A, %rem3A_9, %broadcast_in_dim3A_1401], %max3A_1408 : memref<4x8x129xf32, #tpu.memory_space<vmem>>[vector<16xi32>, vector<16xi32>, vector<16xi32>], vector<16xf32>,
        %get3A_1414 = arith.index_cast %rem3A_906 : i32 to index
        %get3A_1415 = arith.index_cast %add3A_1400 : i32 to index
        %get3A_1416 = arith.constant 16 : index
        %get3A_1417 = tpu.vector_load %arg7[%get3A_1414, %get3A_1415, %get3A_1416] {strides = array<i32>} : memref<8x128x32xf32, #tpu.memory_space<vmem>>, vector<16xf32>,
        %max3A_1418 = arith.constant 0.000000e+00 : f32
        %max3A_1419 = vector.broadcast %max3A_1418 : f32 to vector<16xf32>
        %max3A_1420 = arith.maximumf %get3A_1417, %max3A_1419 : vector<16xf32>
        %scatter3A_1421 = arith.constant 0 : i32
        %scatter3A_1422 = arith.constant 0 : i32
        %scatter3A_1423 = arith.constant 0 : i32
        %scatter3A_1424 = tpu.memref_slice %arg8[%rem3A_908, %scatter3A_1421, %scatter3A_1422, %scatter3A_1423] : memref<4x4x8x129xf32, #tpu.memory_space<vmem>> -> memref<1x4x8x129xf32, #tpu.memory_space<vmem>>
        %scatter3A_1425 = tpu.memref_squeeze %scatter3A_1424 : memref<1x4x8x129xf32, #tpu.memory_space<vmem>> -> memref<4x8x129xf32, #tpu.memory_space<vmem>>
        tpu.vector_store_idx %scatter3A_1425[%add3A_67, %rem3A_9, %broadcast_in_dim3A_1401], %max3A_1420 : memref<4x8x129xf32, #tpu.memory_space<vmem>>[vector<16xi32>, vector<16xi32>, vector<16xi32>], vector<16xf32>,
        %scan3A_1426 = arith.constant 12 : i32
        %scan3A_1427 = arith.addi %scan3A_1059, %scan3A_1426 : i32
        %mul3A_1428 = arith.constant 1 : i32
        %mul3A_1429 = arith.muli %scan3A_1427, %mul3A_1428 : i32
        %add3A_1430 = arith.constant 0 : i32
        %add3A_1431 = arith.addi %add3A_1430, %mul3A_1429 : i32
        %broadcast_in_dim3A_1432 = vector.broadcast %add3A_1431 : i32 to vector<16xi32>
        %get3A_1433 = arith.index_cast %rem3A_906 : i32 to index
        %get3A_1434 = arith.index_cast %add3A_1431 : i32 to index
        %get3A_1435 = arith.constant 0 : index
        %get3A_1436 = tpu.vector_load %arg7[%get3A_1433, %get3A_1434, %get3A_1435] {strides = array<i32>} : memref<8x128x32xf32, #tpu.memory_space<vmem>>, vector<16xf32>,
        %max3A_1437 = arith.constant 0.000000e+00 : f32
        %max3A_1438 = vector.broadcast %max3A_1437 : f32 to vector<16xf32>
        %max3A_1439 = arith.maximumf %get3A_1436, %max3A_1438 : vector<16xf32>
        %scatter3A_1440 = arith.constant 0 : i32
        %scatter3A_1441 = arith.constant 0 : i32
        %scatter3A_1442 = arith.constant 0 : i32
        %scatter3A_1443 = tpu.memref_slice %arg8[%rem3A_908, %scatter3A_1440, %scatter3A_1441, %scatter3A_1442] : memref<4x4x8x129xf32, #tpu.memory_space<vmem>> -> memref<1x4x8x129xf32, #tpu.memory_space<vmem>>
        %scatter3A_1444 = tpu.memref_squeeze %scatter3A_1443 : memref<1x4x8x129xf32, #tpu.memory_space<vmem>> -> memref<4x8x129xf32, #tpu.memory_space<vmem>>
        tpu.vector_store_idx %scatter3A_1444[%select_n3A, %rem3A_9, %broadcast_in_dim3A_1432], %max3A_1439 : memref<4x8x129xf32, #tpu.memory_space<vmem>>[vector<16xi32>, vector<16xi32>, vector<16xi32>], vector<16xf32>,
        %get3A_1445 = arith.index_cast %rem3A_906 : i32 to index
        %get3A_1446 = arith.index_cast %add3A_1431 : i32 to index
        %get3A_1447 = arith.constant 16 : index
        %get3A_1448 = tpu.vector_load %arg7[%get3A_1445, %get3A_1446, %get3A_1447] {strides = array<i32>} : memref<8x128x32xf32, #tpu.memory_space<vmem>>, vector<16xf32>,
        %max3A_1449 = arith.constant 0.000000e+00 : f32
        %max3A_1450 = vector.broadcast %max3A_1449 : f32 to vector<16xf32>
        %max3A_1451 = arith.maximumf %get3A_1448, %max3A_1450 : vector<16xf32>
        %scatter3A_1452 = arith.constant 0 : i32
        %scatter3A_1453 = arith.constant 0 : i32
        %scatter3A_1454 = arith.constant 0 : i32
        %scatter3A_1455 = tpu.memref_slice %arg8[%rem3A_908, %scatter3A_1452, %scatter3A_1453, %scatter3A_1454] : memref<4x4x8x129xf32, #tpu.memory_space<vmem>> -> memref<1x4x8x129xf32, #tpu.memory_space<vmem>>
        %scatter3A_1456 = tpu.memref_squeeze %scatter3A_1455 : memref<1x4x8x129xf32, #tpu.memory_space<vmem>> -> memref<4x8x129xf32, #tpu.memory_space<vmem>>
        tpu.vector_store_idx %scatter3A_1456[%add3A_67, %rem3A_9, %broadcast_in_dim3A_1432], %max3A_1451 : memref<4x8x129xf32, #tpu.memory_space<vmem>>[vector<16xi32>, vector<16xi32>, vector<16xi32>], vector<16xf32>,
        %scan3A_1457 = arith.constant 13 : i32
        %scan3A_1458 = arith.addi %scan3A_1059, %scan3A_1457 : i32
        %mul3A_1459 = arith.constant 1 : i32
        %mul3A_1460 = arith.muli %scan3A_1458, %mul3A_1459 : i32
        %add3A_1461 = arith.constant 0 : i32
        %add3A_1462 = arith.addi %add3A_1461, %mul3A_1460 : i32
        %broadcast_in_dim3A_1463 = vector.broadcast %add3A_1462 : i32 to vector<16xi32>
        %get3A_1464 = arith.index_cast %rem3A_906 : i32 to index
        %get3A_1465 = arith.index_cast %add3A_1462 : i32 to index
        %get3A_1466 = arith.constant 0 : index
        %get3A_1467 = tpu.vector_load %arg7[%get3A_1464, %get3A_1465, %get3A_1466] {strides = array<i32>} : memref<8x128x32xf32, #tpu.memory_space<vmem>>, vector<16xf32>,
        %max3A_1468 = arith.constant 0.000000e+00 : f32
        %max3A_1469 = vector.broadcast %max3A_1468 : f32 to vector<16xf32>
        %max3A_1470 = arith.maximumf %get3A_1467, %max3A_1469 : vector<16xf32>
        %scatter3A_1471 = arith.constant 0 : i32
        %scatter3A_1472 = arith.constant 0 : i32
        %scatter3A_1473 = arith.constant 0 : i32
        %scatter3A_1474 = tpu.memref_slice %arg8[%rem3A_908, %scatter3A_1471, %scatter3A_1472, %scatter3A_1473] : memref<4x4x8x129xf32, #tpu.memory_space<vmem>> -> memref<1x4x8x129xf32, #tpu.memory_space<vmem>>
        %scatter3A_1475 = tpu.memref_squeeze %scatter3A_1474 : memref<1x4x8x129xf32, #tpu.memory_space<vmem>> -> memref<4x8x129xf32, #tpu.memory_space<vmem>>
        tpu.vector_store_idx %scatter3A_1475[%select_n3A, %rem3A_9, %broadcast_in_dim3A_1463], %max3A_1470 : memref<4x8x129xf32, #tpu.memory_space<vmem>>[vector<16xi32>, vector<16xi32>, vector<16xi32>], vector<16xf32>,
        %get3A_1476 = arith.index_cast %rem3A_906 : i32 to index
        %get3A_1477 = arith.index_cast %add3A_1462 : i32 to index
        %get3A_1478 = arith.constant 16 : index
        %get3A_1479 = tpu.vector_load %arg7[%get3A_1476, %get3A_1477, %get3A_1478] {strides = array<i32>} : memref<8x128x32xf32, #tpu.memory_space<vmem>>, vector<16xf32>,
        %max3A_1480 = arith.constant 0.000000e+00 : f32
        %max3A_1481 = vector.broadcast %max3A_1480 : f32 to vector<16xf32>
        %max3A_1482 = arith.maximumf %get3A_1479, %max3A_1481 : vector<16xf32>
        %scatter3A_1483 = arith.constant 0 : i32
        %scatter3A_1484 = arith.constant 0 : i32
        %scatter3A_1485 = arith.constant 0 : i32
        %scatter3A_1486 = tpu.memref_slice %arg8[%rem3A_908, %scatter3A_1483, %scatter3A_1484, %scatter3A_1485] : memref<4x4x8x129xf32, #tpu.memory_space<vmem>> -> memref<1x4x8x129xf32, #tpu.memory_space<vmem>>
        %scatter3A_1487 = tpu.memref_squeeze %scatter3A_1486 : memref<1x4x8x129xf32, #tpu.memory_space<vmem>> -> memref<4x8x129xf32, #tpu.memory_space<vmem>>
        tpu.vector_store_idx %scatter3A_1487[%add3A_67, %rem3A_9, %broadcast_in_dim3A_1463], %max3A_1482 : memref<4x8x129xf32, #tpu.memory_space<vmem>>[vector<16xi32>, vector<16xi32>, vector<16xi32>], vector<16xf32>,
        %scan3A_1488 = arith.constant 14 : i32
        %scan3A_1489 = arith.addi %scan3A_1059, %scan3A_1488 : i32
        %mul3A_1490 = arith.constant 1 : i32
        %mul3A_1491 = arith.muli %scan3A_1489, %mul3A_1490 : i32
        %add3A_1492 = arith.constant 0 : i32
        %add3A_1493 = arith.addi %add3A_1492, %mul3A_1491 : i32
        %broadcast_in_dim3A_1494 = vector.broadcast %add3A_1493 : i32 to vector<16xi32>
        %get3A_1495 = arith.index_cast %rem3A_906 : i32 to index
        %get3A_1496 = arith.index_cast %add3A_1493 : i32 to index
        %get3A_1497 = arith.constant 0 : index
        %get3A_1498 = tpu.vector_load %arg7[%get3A_1495, %get3A_1496, %get3A_1497] {strides = array<i32>} : memref<8x128x32xf32, #tpu.memory_space<vmem>>, vector<16xf32>,
        %max3A_1499 = arith.constant 0.000000e+00 : f32
        %max3A_1500 = vector.broadcast %max3A_1499 : f32 to vector<16xf32>
        %max3A_1501 = arith.maximumf %get3A_1498, %max3A_1500 : vector<16xf32>
        %scatter3A_1502 = arith.constant 0 : i32
        %scatter3A_1503 = arith.constant 0 : i32
        %scatter3A_1504 = arith.constant 0 : i32
        %scatter3A_1505 = tpu.memref_slice %arg8[%rem3A_908, %scatter3A_1502, %scatter3A_1503, %scatter3A_1504] : memref<4x4x8x129xf32, #tpu.memory_space<vmem>> -> memref<1x4x8x129xf32, #tpu.memory_space<vmem>>
        %scatter3A_1506 = tpu.memref_squeeze %scatter3A_1505 : memref<1x4x8x129xf32, #tpu.memory_space<vmem>> -> memref<4x8x129xf32, #tpu.memory_space<vmem>>
        tpu.vector_store_idx %scatter3A_1506[%select_n3A, %rem3A_9, %broadcast_in_dim3A_1494], %max3A_1501 : memref<4x8x129xf32, #tpu.memory_space<vmem>>[vector<16xi32>, vector<16xi32>, vector<16xi32>], vector<16xf32>,
        %get3A_1507 = arith.index_cast %rem3A_906 : i32 to index
        %get3A_1508 = arith.index_cast %add3A_1493 : i32 to index
        %get3A_1509 = arith.constant 16 : index
        %get3A_1510 = tpu.vector_load %arg7[%get3A_1507, %get3A_1508, %get3A_1509] {strides = array<i32>} : memref<8x128x32xf32, #tpu.memory_space<vmem>>, vector<16xf32>,
        %max3A_1511 = arith.constant 0.000000e+00 : f32
        %max3A_1512 = vector.broadcast %max3A_1511 : f32 to vector<16xf32>
        %max3A_1513 = arith.maximumf %get3A_1510, %max3A_1512 : vector<16xf32>
        %scatter3A_1514 = arith.constant 0 : i32
        %scatter3A_1515 = arith.constant 0 : i32
        %scatter3A_1516 = arith.constant 0 : i32
        %scatter3A_1517 = tpu.memref_slice %arg8[%rem3A_908, %scatter3A_1514, %scatter3A_1515, %scatter3A_1516] : memref<4x4x8x129xf32, #tpu.memory_space<vmem>> -> memref<1x4x8x129xf32, #tpu.memory_space<vmem>>
        %scatter3A_1518 = tpu.memref_squeeze %scatter3A_1517 : memref<1x4x8x129xf32, #tpu.memory_space<vmem>> -> memref<4x8x129xf32, #tpu.memory_space<vmem>>
        tpu.vector_store_idx %scatter3A_1518[%add3A_67, %rem3A_9, %broadcast_in_dim3A_1494], %max3A_1513 : memref<4x8x129xf32, #tpu.memory_space<vmem>>[vector<16xi32>, vector<16xi32>, vector<16xi32>], vector<16xf32>,
        %scan3A_1519 = arith.constant 15 : i32
        %scan3A_1520 = arith.addi %scan3A_1059, %scan3A_1519 : i32
        %mul3A_1521 = arith.constant 1 : i32
        %mul3A_1522 = arith.muli %scan3A_1520, %mul3A_1521 : i32
        %add3A_1523 = arith.constant 0 : i32
        %add3A_1524 = arith.addi %add3A_1523, %mul3A_1522 : i32
        %broadcast_in_dim3A_1525 = vector.broadcast %add3A_1524 : i32 to vector<16xi32>
        %get3A_1526 = arith.index_cast %rem3A_906 : i32 to index
        %get3A_1527 = arith.index_cast %add3A_1524 : i32 to index
        %get3A_1528 = arith.constant 0 : index
        %get3A_1529 = tpu.vector_load %arg7[%get3A_1526, %get3A_1527, %get3A_1528] {strides = array<i32>} : memref<8x128x32xf32, #tpu.memory_space<vmem>>, vector<16xf32>,
        %max3A_1530 = arith.constant 0.000000e+00 : f32
        %max3A_1531 = vector.broadcast %max3A_1530 : f32 to vector<16xf32>
        %max3A_1532 = arith.maximumf %get3A_1529, %max3A_1531 : vector<16xf32>
        %scatter3A_1533 = arith.constant 0 : i32
        %scatter3A_1534 = arith.constant 0 : i32
        %scatter3A_1535 = arith.constant 0 : i32
        %scatter3A_1536 = tpu.memref_slice %arg8[%rem3A_908, %scatter3A_1533, %scatter3A_1534, %scatter3A_1535] : memref<4x4x8x129xf32, #tpu.memory_space<vmem>> -> memref<1x4x8x129xf32, #tpu.memory_space<vmem>>
        %scatter3A_1537 = tpu.memref_squeeze %scatter3A_1536 : memref<1x4x8x129xf32, #tpu.memory_space<vmem>> -> memref<4x8x129xf32, #tpu.memory_space<vmem>>
        tpu.vector_store_idx %scatter3A_1537[%select_n3A, %rem3A_9, %broadcast_in_dim3A_1525], %max3A_1532 : memref<4x8x129xf32, #tpu.memory_space<vmem>>[vector<16xi32>, vector<16xi32>, vector<16xi32>], vector<16xf32>,
        %get3A_1538 = arith.index_cast %rem3A_906 : i32 to index
        %get3A_1539 = arith.index_cast %add3A_1524 : i32 to index
        %get3A_1540 = arith.constant 16 : index
        %get3A_1541 = tpu.vector_load %arg7[%get3A_1538, %get3A_1539, %get3A_1540] {strides = array<i32>} : memref<8x128x32xf32, #tpu.memory_space<vmem>>, vector<16xf32>,
        %max3A_1542 = arith.constant 0.000000e+00 : f32
        %max3A_1543 = vector.broadcast %max3A_1542 : f32 to vector<16xf32>
        %max3A_1544 = arith.maximumf %get3A_1541, %max3A_1543 : vector<16xf32>
        %scatter3A_1545 = arith.constant 0 : i32
        %scatter3A_1546 = arith.constant 0 : i32
        %scatter3A_1547 = arith.constant 0 : i32
        %scatter3A_1548 = tpu.memref_slice %arg8[%rem3A_908, %scatter3A_1545, %scatter3A_1546, %scatter3A_1547] : memref<4x4x8x129xf32, #tpu.memory_space<vmem>> -> memref<1x4x8x129xf32, #tpu.memory_space<vmem>>
        %scatter3A_1549 = tpu.memref_squeeze %scatter3A_1548 : memref<1x4x8x129xf32, #tpu.memory_space<vmem>> -> memref<4x8x129xf32, #tpu.memory_space<vmem>>
        tpu.vector_store_idx %scatter3A_1549[%add3A_67, %rem3A_9, %broadcast_in_dim3A_1525], %max3A_1544 : memref<4x8x129xf32, #tpu.memory_space<vmem>>[vector<16xi32>, vector<16xi32>, vector<16xi32>], vector<16xf32>,
      }
      %scan3A_933 = arith.constant 128 : i32
      %jit3A_934 = arith.constant 50 : i32
      %div3A_935 = arith.divsi %scan3A_904, %jit3A_934 : i32
      %sign3A_936 = arith.constant 0 : i32
      %sign3A_937 = arith.cmpi sgt, %scan3A_904, %sign3A_936 : i32
      %sign3A_938 = arith.extui %sign3A_937 : i1 to i32
      %sign3A_939 = arith.constant 0 : i32
      %sign3A_940 = arith.cmpi slt, %scan3A_904, %sign3A_939 : i32
      %sign3A_941 = arith.extui %sign3A_940 : i1 to i32
      %sign3A_942 = arith.subi %sign3A_938, %sign3A_941 : i32
      %sign3A_943 = arith.constant 0 : i32
      %sign3A_944 = arith.cmpi sgt, %jit3A_934, %sign3A_943 : i32
      %sign3A_945 = arith.extui %sign3A_944 : i1 to i32
      %sign3A_946 = arith.constant 0 : i32
      %sign3A_947 = arith.cmpi slt, %jit3A_934, %sign3A_946 : i32
      %sign3A_948 = arith.extui %sign3A_947 : i1 to i32
      %sign3A_949 = arith.subi %sign3A_945, %sign3A_948 : i32
      %ne3A_950 = arith.cmpi ne, %sign3A_942, %sign3A_949 : i32
      %rem3A_951 = arith.remsi %scan3A_904, %jit3A_934 : i32
      %ne3A_952 = arith.constant 0 : i32
      %ne3A_953 = arith.cmpi ne, %rem3A_951, %ne3A_952 : i32
      %and3A_954 = arith.andi %ne3A_950, %ne3A_953 : i1
      %sub3A_955 = arith.constant 1 : i32
      %sub3A_956 = arith.subi %div3A_935, %sub3A_955 : i32
      %select_n3A_957 = arith.select %and3A_954, %sub3A_956, %div3A_935 : i32
      %rem3A_958 = arith.constant 50 : i32
      %rem3A_959 = arith.remsi %scan3A_904, %rem3A_958 : i32
      %mul3A_960 = arith.constant 4 : i32
      %mul3A_961 = arith.muli %add3A, %mul3A_960 : i32
      %add3A_962 = arith.addi %mul3A_961, %select_n3A_957 : i32
      %mul3A_963 = arith.constant 4 : i32
      %mul3A_964 = arith.muli %rem3A_959, %mul3A_963 : i32
      %add3A_965 = arith.constant 0 : i32
      %add3A_966 = arith.addi %mul3A_964, %add3A_965 : i32
      %mul3A_967 = arith.constant 128 : i32
      %mul3A_968 = arith.muli %add3A_966, %mul3A_967 : i32
      %add3A_969 = arith.addi %mul3A_968, %add3A_962 : i32
      %mul3A_970 = arith.constant 8 : i32
      %mul3A_971 = arith.muli %add3A_969, %mul3A_970 : i32
      %dma_start3A_972 = arith.constant 0 : i32
      %dma_start3A_973 = arith.constant 0 : i32
      %dma_start3A_974 = arith.constant 0 : i32
      %dma_start3A_975 = tpu.memref_slice %arg8[%rem3A_908, %dma_start3A_972, %dma_start3A_973, %dma_start3A_974] : memref<4x4x8x129xf32, #tpu.memory_space<vmem>> -> memref<1x1x8x128xf32, #tpu.memory_space<vmem>>
      %dma_start3A_976 = tpu.memref_squeeze %dma_start3A_975 : memref<1x1x8x128xf32, #tpu.memory_space<vmem>> -> memref<8x128xf32, #tpu.memory_space<vmem>>
      %dma_start3A_977 = arith.constant 0 : i32
      %dma_start3A_978 = tpu.memref_slice %arg4[%mul3A_971, %dma_start3A_977] : memref<204800x128xf32, #tpu.memory_space<hbm>> -> memref<8x128xf32, #tpu.memory_space<hbm>>
      %dma_start3A_979 = tpu.memref_slice %arg10[%rem3A_908] : memref<4x!tpu.dma_semaphore, #tpu.memory_space<semaphore_mem>> -> memref<1x!tpu.dma_semaphore, #tpu.memory_space<semaphore_mem>>
      %dma_start3A_980 = tpu.memref_squeeze %dma_start3A_979 : memref<1x!tpu.dma_semaphore, #tpu.memory_space<semaphore_mem>> -> memref<!tpu.dma_semaphore, #tpu.memory_space<semaphore_mem>>
      %dma_start3A_981 = arith.constant 0 : i32
      %dma_start3A_982 = tpu.memref_slice %arg4[%mul3A_971, %dma_start3A_981] : memref<204800x128xf32, #tpu.memory_space<hbm>> -> memref<8x128xf32, #tpu.memory_space<hbm>>
      %dma_start3A_983 = arith.constant 0 : i32
      %dma_start3A_984 = arith.constant 0 : i32
      %dma_start3A_985 = tpu.memref_slice %arg8[%rem3A_908, %dma_start3A_972, %dma_start3A_983, %dma_start3A_984] : memref<4x4x8x129xf32, #tpu.memory_space<vmem>> -> memref<1x1x8x128xf32, #tpu.memory_space<vmem>>
      %dma_start3A_986 = tpu.memref_squeeze %dma_start3A_985 : memref<1x1x8x128xf32, #tpu.memory_space<vmem>> -> memref<8x128xf32, #tpu.memory_space<vmem>>
      tpu.enqueue_dma source(%dma_start3A_986 : memref<8x128xf32, #tpu.memory_space<vmem>>) target(%dma_start3A_982 : memref<8x128xf32, #tpu.memory_space<hbm>>) target_semaphore(%dma_start3A_980 : memref<!tpu.dma_semaphore, #tpu.memory_space<semaphore_mem>>)
      %mul3A_987 = arith.constant 4 : i32
      %mul3A_988 = arith.muli %rem3A_959, %mul3A_987 : i32
      %add3A_989 = arith.constant 1 : i32
      %add3A_990 = arith.addi %mul3A_988, %add3A_989 : i32
      %mul3A_991 = arith.constant 128 : i32
      %mul3A_992 = arith.muli %add3A_990, %mul3A_991 : i32
      %add3A_993 = arith.addi %mul3A_992, %add3A_962 : i32
      %mul3A_994 = arith.constant 8 : i32
      %mul3A_995 = arith.muli %add3A_993, %mul3A_994 : i32
      %dma_start3A_996 = arith.constant 1 : i32
      %dma_start3A_997 = arith.constant 0 : i32
      %dma_start3A_998 = arith.constant 0 : i32
      %dma_start3A_999 = tpu.memref_slice %arg8[%rem3A_908, %dma_start3A_996, %dma_start3A_997, %dma_start3A_998] : memref<4x4x8x129xf32, #tpu.memory_space<vmem>> -> memref<1x1x8x128xf32, #tpu.memory_space<vmem>>
      %dma_start3A_1000 = tpu.memref_squeeze %dma_start3A_999 : memref<1x1x8x128xf32, #tpu.memory_space<vmem>> -> memref<8x128xf32, #tpu.memory_space<vmem>>
      %dma_start3A_1001 = arith.constant 0 : i32
      %dma_start3A_1002 = tpu.memref_slice %arg4[%mul3A_995, %dma_start3A_1001] : memref<204800x128xf32, #tpu.memory_space<hbm>> -> memref<8x128xf32, #tpu.memory_space<hbm>>
      %dma_start3A_1003 = tpu.memref_slice %arg10[%rem3A_908] : memref<4x!tpu.dma_semaphore, #tpu.memory_space<semaphore_mem>> -> memref<1x!tpu.dma_semaphore, #tpu.memory_space<semaphore_mem>>
      %dma_start3A_1004 = tpu.memref_squeeze %dma_start3A_1003 : memref<1x!tpu.dma_semaphore, #tpu.memory_space<semaphore_mem>> -> memref<!tpu.dma_semaphore, #tpu.memory_space<semaphore_mem>>
      %dma_start3A_1005 = arith.constant 0 : i32
      %dma_start3A_1006 = tpu.memref_slice %arg4[%mul3A_995, %dma_start3A_1005] : memref<204800x128xf32, #tpu.memory_space<hbm>> -> memref<8x128xf32, #tpu.memory_space<hbm>>
      %dma_start3A_1007 = arith.constant 0 : i32
      %dma_start3A_1008 = arith.constant 0 : i32
      %dma_start3A_1009 = tpu.memref_slice %arg8[%rem3A_908, %dma_start3A_996, %dma_start3A_1007, %dma_start3A_1008] : memref<4x4x8x129xf32, #tpu.memory_space<vmem>> -> memref<1x1x8x128xf32, #tpu.memory_space<vmem>>
      %dma_start3A_1010 = tpu.memref_squeeze %dma_start3A_1009 : memref<1x1x8x128xf32, #tpu.memory_space<vmem>> -> memref<8x128xf32, #tpu.memory_space<vmem>>
      tpu.enqueue_dma source(%dma_start3A_1010 : memref<8x128xf32, #tpu.memory_space<vmem>>) target(%dma_start3A_1006 : memref<8x128xf32, #tpu.memory_space<hbm>>) target_semaphore(%dma_start3A_1004 : memref<!tpu.dma_semaphore, #tpu.memory_space<semaphore_mem>>)
      %mul3A_1011 = arith.constant 4 : i32
      %mul3A_1012 = arith.muli %rem3A_959, %mul3A_1011 : i32
      %add3A_1013 = arith.constant 2 : i32
      %add3A_1014 = arith.addi %mul3A_1012, %add3A_1013 : i32
      %mul3A_1015 = arith.constant 128 : i32
      %mul3A_1016 = arith.muli %add3A_1014, %mul3A_1015 : i32
      %add3A_1017 = arith.addi %mul3A_1016, %add3A_962 : i32
      %mul3A_1018 = arith.constant 8 : i32
      %mul3A_1019 = arith.muli %add3A_1017, %mul3A_1018 : i32
      %dma_start3A_1020 = arith.constant 2 : i32
      %dma_start3A_1021 = arith.constant 0 : i32
      %dma_start3A_1022 = arith.constant 0 : i32
      %dma_start3A_1023 = tpu.memref_slice %arg8[%rem3A_908, %dma_start3A_1020, %dma_start3A_1021, %dma_start3A_1022] : memref<4x4x8x129xf32, #tpu.memory_space<vmem>> -> memref<1x1x8x128xf32, #tpu.memory_space<vmem>>
      %dma_start3A_1024 = tpu.memref_squeeze %dma_start3A_1023 : memref<1x1x8x128xf32, #tpu.memory_space<vmem>> -> memref<8x128xf32, #tpu.memory_space<vmem>>
      %dma_start3A_1025 = arith.constant 0 : i32
      %dma_start3A_1026 = tpu.memref_slice %arg4[%mul3A_1019, %dma_start3A_1025] : memref<204800x128xf32, #tpu.memory_space<hbm>> -> memref<8x128xf32, #tpu.memory_space<hbm>>
      %dma_start3A_1027 = tpu.memref_slice %arg10[%rem3A_908] : memref<4x!tpu.dma_semaphore, #tpu.memory_space<semaphore_mem>> -> memref<1x!tpu.dma_semaphore, #tpu.memory_space<semaphore_mem>>
      %dma_start3A_1028 = tpu.memref_squeeze %dma_start3A_1027 : memref<1x!tpu.dma_semaphore, #tpu.memory_space<semaphore_mem>> -> memref<!tpu.dma_semaphore, #tpu.memory_space<semaphore_mem>>
      %dma_start3A_1029 = arith.constant 0 : i32
      %dma_start3A_1030 = tpu.memref_slice %arg4[%mul3A_1019, %dma_start3A_1029] : memref<204800x128xf32, #tpu.memory_space<hbm>> -> memref<8x128xf32, #tpu.memory_space<hbm>>
      %dma_start3A_1031 = arith.constant 0 : i32
      %dma_start3A_1032 = arith.constant 0 : i32
      %dma_start3A_1033 = tpu.memref_slice %arg8[%rem3A_908, %dma_start3A_1020, %dma_start3A_1031, %dma_start3A_1032] : memref<4x4x8x129xf32, #tpu.memory_space<vmem>> -> memref<1x1x8x128xf32, #tpu.memory_space<vmem>>
      %dma_start3A_1034 = tpu.memref_squeeze %dma_start3A_1033 : memref<1x1x8x128xf32, #tpu.memory_space<vmem>> -> memref<8x128xf32, #tpu.memory_space<vmem>>
      tpu.enqueue_dma source(%dma_start3A_1034 : memref<8x128xf32, #tpu.memory_space<vmem>>) target(%dma_start3A_1030 : memref<8x128xf32, #tpu.memory_space<hbm>>) target_semaphore(%dma_start3A_1028 : memref<!tpu.dma_semaphore, #tpu.memory_space<semaphore_mem>>)
      %mul3A_1035 = arith.constant 4 : i32
      %mul3A_1036 = arith.muli %rem3A_959, %mul3A_1035 : i32
      %add3A_1037 = arith.constant 3 : i32
      %add3A_1038 = arith.addi %mul3A_1036, %add3A_1037 : i32
      %mul3A_1039 = arith.constant 128 : i32
      %mul3A_1040 = arith.muli %add3A_1038, %mul3A_1039 : i32
      %add3A_1041 = arith.addi %mul3A_1040, %add3A_962 : i32
      %mul3A_1042 = arith.constant 8 : i32
      %mul3A_1043 = arith.muli %add3A_1041, %mul3A_1042 : i32
      %dma_start3A_1044 = arith.constant 3 : i32
      %dma_start3A_1045 = arith.constant 0 : i32
      %dma_start3A_1046 = arith.constant 0 : i32
      %dma_start3A_1047 = tpu.memref_slice %arg8[%rem3A_908, %dma_start3A_1044, %dma_start3A_1045, %dma_start3A_1046] : memref<4x4x8x129xf32, #tpu.memory_space<vmem>> -> memref<1x1x8x128xf32, #tpu.memory_space<vmem>>
      %dma_start3A_1048 = tpu.memref_squeeze %dma_start3A_1047 : memref<1x1x8x128xf32, #tpu.memory_space<vmem>> -> memref<8x128xf32, #tpu.memory_space<vmem>>
      %dma_start3A_1049 = arith.constant 0 : i32
      %dma_start3A_1050 = tpu.memref_slice %arg4[%mul3A_1043, %dma_start3A_1049] : memref<204800x128xf32, #tpu.memory_space<hbm>> -> memref<8x128xf32, #tpu.memory_space<hbm>>
      %dma_start3A_1051 = tpu.memref_slice %arg10[%rem3A_908] : memref<4x!tpu.dma_semaphore, #tpu.memory_space<semaphore_mem>> -> memref<1x!tpu.dma_semaphore, #tpu.memory_space<semaphore_mem>>
      %dma_start3A_1052 = tpu.memref_squeeze %dma_start3A_1051 : memref<1x!tpu.dma_semaphore, #tpu.memory_space<semaphore_mem>> -> memref<!tpu.dma_semaphore, #tpu.memory_space<semaphore_mem>>
      %dma_start3A_1053 = arith.constant 0 : i32
      %dma_start3A_1054 = tpu.memref_slice %arg4[%mul3A_1043, %dma_start3A_1053] : memref<204800x128xf32, #tpu.memory_space<hbm>> -> memref<8x128xf32, #tpu.memory_space<hbm>>
      %dma_start3A_1055 = arith.constant 0 : i32
      %dma_start3A_1056 = arith.constant 0 : i32
      %dma_start3A_1057 = tpu.memref_slice %arg8[%rem3A_908, %dma_start3A_1044, %dma_start3A_1055, %dma_start3A_1056] : memref<4x4x8x129xf32, #tpu.memory_space<vmem>> -> memref<1x1x8x128xf32, #tpu.memory_space<vmem>>
      %dma_start3A_1058 = tpu.memref_squeeze %dma_start3A_1057 : memref<1x1x8x128xf32, #tpu.memory_space<vmem>> -> memref<8x128xf32, #tpu.memory_space<vmem>>
      tpu.enqueue_dma source(%dma_start3A_1058 : memref<8x128xf32, #tpu.memory_space<vmem>>) target(%dma_start3A_1054 : memref<8x128xf32, #tpu.memory_space<hbm>>) target_semaphore(%dma_start3A_1052 : memref<!tpu.dma_semaphore, #tpu.memory_space<semaphore_mem>>)
    }
    %scan3A_620 = arith.constant 200 : i32
    %rem3A_621 = arith.constant 200 : i32
    %rem3A_622 = arith.constant 4 : i32
    %rem3A_623 = arith.remsi %rem3A_621, %rem3A_622 : i32
    %dma_wait3A = arith.constant 0 : i32
    %dma_wait3A_624 = arith.constant 0 : i32
    %dma_wait3A_625 = arith.constant 0 : i32
    %dma_wait3A_626 = tpu.memref_slice %arg8[%rem3A_623, %dma_wait3A, %dma_wait3A_624, %dma_wait3A_625] : memref<4x4x8x129xf32, #tpu.memory_space<vmem>> -> memref<1x1x8x128xf32, #tpu.memory_space<vmem>>
    %dma_wait3A_627 = tpu.memref_squeeze %dma_wait3A_626 : memref<1x1x8x128xf32, #tpu.memory_space<vmem>> -> memref<8x128xf32, #tpu.memory_space<vmem>>
    %dma_wait3A_628 = arith.constant 0 : i32
    %dma_wait3A_629 = arith.constant 0 : i32
    %dma_wait3A_630 = tpu.memref_slice %arg4[%dma_wait3A_628, %dma_wait3A_629] : memref<204800x128xf32, #tpu.memory_space<hbm>> -> memref<8x128xf32, #tpu.memory_space<hbm>>
    %dma_wait3A_631 = tpu.memref_slice %arg10[%rem3A_623] : memref<4x!tpu.dma_semaphore, #tpu.memory_space<semaphore_mem>> -> memref<1x!tpu.dma_semaphore, #tpu.memory_space<semaphore_mem>>
    %dma_wait3A_632 = tpu.memref_squeeze %dma_wait3A_631 : memref<1x!tpu.dma_semaphore, #tpu.memory_space<semaphore_mem>> -> memref<!tpu.dma_semaphore, #tpu.memory_space<semaphore_mem>>
    %dma_wait3A_633 = arith.constant 0 : i32
    %dma_wait3A_634 = arith.constant 0 : i32
    %dma_wait3A_635 = tpu.memref_slice %arg4[%dma_wait3A_633, %dma_wait3A_634] : memref<204800x128xf32, #tpu.memory_space<hbm>> -> memref<8x128xf32, #tpu.memory_space<hbm>>
    %dma_wait3A_636 = arith.constant 0 : i32
    %dma_wait3A_637 = arith.constant 0 : i32
    %dma_wait3A_638 = tpu.memref_slice %arg8[%rem3A_623, %dma_wait3A, %dma_wait3A_636, %dma_wait3A_637] : memref<4x4x8x129xf32, #tpu.memory_space<vmem>> -> memref<1x1x8x128xf32, #tpu.memory_space<vmem>>
    %dma_wait3A_639 = tpu.memref_squeeze %dma_wait3A_638 : memref<1x1x8x128xf32, #tpu.memory_space<vmem>> -> memref<8x128xf32, #tpu.memory_space<vmem>>
    tpu.wait_dma2 semaphore(%dma_wait3A_632 : memref<!tpu.dma_semaphore, #tpu.memory_space<semaphore_mem>>) src(%dma_wait3A_639 : memref<8x128xf32, #tpu.memory_space<vmem>>) dst(%dma_wait3A_635 : memref<8x128xf32, #tpu.memory_space<hbm>>)
    %dma_wait3A_640 = arith.constant 1 : i32
    %dma_wait3A_641 = arith.constant 0 : i32
    %dma_wait3A_642 = arith.constant 0 : i32
    %dma_wait3A_643 = tpu.memref_slice %arg8[%rem3A_623, %dma_wait3A_640, %dma_wait3A_641, %dma_wait3A_642] : memref<4x4x8x129xf32, #tpu.memory_space<vmem>> -> memref<1x1x8x128xf32, #tpu.memory_space<vmem>>
    %dma_wait3A_644 = tpu.memref_squeeze %dma_wait3A_643 : memref<1x1x8x128xf32, #tpu.memory_space<vmem>> -> memref<8x128xf32, #tpu.memory_space<vmem>>
    %dma_wait3A_645 = arith.constant 0 : i32
    %dma_wait3A_646 = arith.constant 0 : i32
    %dma_wait3A_647 = tpu.memref_slice %arg4[%dma_wait3A_645, %dma_wait3A_646] : memref<204800x128xf32, #tpu.memory_space<hbm>> -> memref<8x128xf32, #tpu.memory_space<hbm>>
    %dma_wait3A_648 = tpu.memref_slice %arg10[%rem3A_623] : memref<4x!tpu.dma_semaphore, #tpu.memory_space<semaphore_mem>> -> memref<1x!tpu.dma_semaphore, #tpu.memory_space<semaphore_mem>>
    %dma_wait3A_649 = tpu.memref_squeeze %dma_wait3A_648 : memref<1x!tpu.dma_semaphore, #tpu.memory_space<semaphore_mem>> -> memref<!tpu.dma_semaphore, #tpu.memory_space<semaphore_mem>>
    %dma_wait3A_650 = arith.constant 0 : i32
    %dma_wait3A_651 = arith.constant 0 : i32
    %dma_wait3A_652 = tpu.memref_slice %arg4[%dma_wait3A_650, %dma_wait3A_651] : memref<204800x128xf32, #tpu.memory_space<hbm>> -> memref<8x128xf32, #tpu.memory_space<hbm>>
    %dma_wait3A_653 = arith.constant 0 : i32
    %dma_wait3A_654 = arith.constant 0 : i32
    %dma_wait3A_655 = tpu.memref_slice %arg8[%rem3A_623, %dma_wait3A_640, %dma_wait3A_653, %dma_wait3A_654] : memref<4x4x8x129xf32, #tpu.memory_space<vmem>> -> memref<1x1x8x128xf32, #tpu.memory_space<vmem>>
    %dma_wait3A_656 = tpu.memref_squeeze %dma_wait3A_655 : memref<1x1x8x128xf32, #tpu.memory_space<vmem>> -> memref<8x128xf32, #tpu.memory_space<vmem>>
    tpu.wait_dma2 semaphore(%dma_wait3A_649 : memref<!tpu.dma_semaphore, #tpu.memory_space<semaphore_mem>>) src(%dma_wait3A_656 : memref<8x128xf32, #tpu.memory_space<vmem>>) dst(%dma_wait3A_652 : memref<8x128xf32, #tpu.memory_space<hbm>>)
    %dma_wait3A_657 = arith.constant 2 : i32
    %dma_wait3A_658 = arith.constant 0 : i32
    %dma_wait3A_659 = arith.constant 0 : i32
    %dma_wait3A_660 = tpu.memref_slice %arg8[%rem3A_623, %dma_wait3A_657, %dma_wait3A_658, %dma_wait3A_659] : memref<4x4x8x129xf32, #tpu.memory_space<vmem>> -> memref<1x1x8x128xf32, #tpu.memory_space<vmem>>
    %dma_wait3A_661 = tpu.memref_squeeze %dma_wait3A_660 : memref<1x1x8x128xf32, #tpu.memory_space<vmem>> -> memref<8x128xf32, #tpu.memory_space<vmem>>
    %dma_wait3A_662 = arith.constant 0 : i32
    %dma_wait3A_663 = arith.constant 0 : i32
    %dma_wait3A_664 = tpu.memref_slice %arg4[%dma_wait3A_662, %dma_wait3A_663] : memref<204800x128xf32, #tpu.memory_space<hbm>> -> memref<8x128xf32, #tpu.memory_space<hbm>>
    %dma_wait3A_665 = tpu.memref_slice %arg10[%rem3A_623] : memref<4x!tpu.dma_semaphore, #tpu.memory_space<semaphore_mem>> -> memref<1x!tpu.dma_semaphore, #tpu.memory_space<semaphore_mem>>
    %dma_wait3A_666 = tpu.memref_squeeze %dma_wait3A_665 : memref<1x!tpu.dma_semaphore, #tpu.memory_space<semaphore_mem>> -> memref<!tpu.dma_semaphore, #tpu.memory_space<semaphore_mem>>
    %dma_wait3A_667 = arith.constant 0 : i32
    %dma_wait3A_668 = arith.constant 0 : i32
    %dma_wait3A_669 = tpu.memref_slice %arg4[%dma_wait3A_667, %dma_wait3A_668] : memref<204800x128xf32, #tpu.memory_space<hbm>> -> memref<8x128xf32, #tpu.memory_space<hbm>>
    %dma_wait3A_670 = arith.constant 0 : i32
    %dma_wait3A_671 = arith.constant 0 : i32
    %dma_wait3A_672 = tpu.memref_slice %arg8[%rem3A_623, %dma_wait3A_657, %dma_wait3A_670, %dma_wait3A_671] : memref<4x4x8x129xf32, #tpu.memory_space<vmem>> -> memref<1x1x8x128xf32, #tpu.memory_space<vmem>>
    %dma_wait3A_673 = tpu.memref_squeeze %dma_wait3A_672 : memref<1x1x8x128xf32, #tpu.memory_space<vmem>> -> memref<8x128xf32, #tpu.memory_space<vmem>>
    tpu.wait_dma2 semaphore(%dma_wait3A_666 : memref<!tpu.dma_semaphore, #tpu.memory_space<semaphore_mem>>) src(%dma_wait3A_673 : memref<8x128xf32, #tpu.memory_space<vmem>>) dst(%dma_wait3A_669 : memref<8x128xf32, #tpu.memory_space<hbm>>)
    %dma_wait3A_674 = arith.constant 3 : i32
    %dma_wait3A_675 = arith.constant 0 : i32
    %dma_wait3A_676 = arith.constant 0 : i32
    %dma_wait3A_677 = tpu.memref_slice %arg8[%rem3A_623, %dma_wait3A_674, %dma_wait3A_675, %dma_wait3A_676] : memref<4x4x8x129xf32, #tpu.memory_space<vmem>> -> memref<1x1x8x128xf32, #tpu.memory_space<vmem>>
    %dma_wait3A_678 = tpu.memref_squeeze %dma_wait3A_677 : memref<1x1x8x128xf32, #tpu.memory_space<vmem>> -> memref<8x128xf32, #tpu.memory_space<vmem>>
    %dma_wait3A_679 = arith.constant 0 : i32
    %dma_wait3A_680 = arith.constant 0 : i32
    %dma_wait3A_681 = tpu.memref_slice %arg4[%dma_wait3A_679, %dma_wait3A_680] : memref<204800x128xf32, #tpu.memory_space<hbm>> -> memref<8x128xf32, #tpu.memory_space<hbm>>
    %dma_wait3A_682 = tpu.memref_slice %arg10[%rem3A_623] : memref<4x!tpu.dma_semaphore, #tpu.memory_space<semaphore_mem>> -> memref<1x!tpu.dma_semaphore, #tpu.memory_space<semaphore_mem>>
    %dma_wait3A_683 = tpu.memref_squeeze %dma_wait3A_682 : memref<1x!tpu.dma_semaphore, #tpu.memory_space<semaphore_mem>> -> memref<!tpu.dma_semaphore, #tpu.memory_space<semaphore_mem>>
    %dma_wait3A_684 = arith.constant 0 : i32
    %dma_wait3A_685 = arith.constant 0 : i32
    %dma_wait3A_686 = tpu.memref_slice %arg4[%dma_wait3A_684, %dma_wait3A_685] : memref<204800x128xf32, #tpu.memory_space<hbm>> -> memref<8x128xf32, #tpu.memory_space<hbm>>
    %dma_wait3A_687 = arith.constant 0 : i32
    %dma_wait3A_688 = arith.constant 0 : i32
    %dma_wait3A_689 = tpu.memref_slice %arg8[%rem3A_623, %dma_wait3A_674, %dma_wait3A_687, %dma_wait3A_688] : memref<4x4x8x129xf32, #tpu.memory_space<vmem>> -> memref<1x1x8x128xf32, #tpu.memory_space<vmem>>
    %dma_wait3A_690 = tpu.memref_squeeze %dma_wait3A_689 : memref<1x1x8x128xf32, #tpu.memory_space<vmem>> -> memref<8x128xf32, #tpu.memory_space<vmem>>
    tpu.wait_dma2 semaphore(%dma_wait3A_683 : memref<!tpu.dma_semaphore, #tpu.memory_space<semaphore_mem>>) src(%dma_wait3A_690 : memref<8x128xf32, #tpu.memory_space<vmem>>) dst(%dma_wait3A_686 : memref<8x128xf32, #tpu.memory_space<hbm>>)
    %rem3A_691 = arith.constant 201 : i32
    %rem3A_692 = arith.constant 4 : i32
    %rem3A_693 = arith.remsi %rem3A_691, %rem3A_692 : i32
    %dma_wait3A_694 = arith.constant 0 : i32
    %dma_wait3A_695 = arith.constant 0 : i32
    %dma_wait3A_696 = arith.constant 0 : i32
    %dma_wait3A_697 = tpu.memref_slice %arg8[%rem3A_693, %dma_wait3A_694, %dma_wait3A_695, %dma_wait3A_696] : memref<4x4x8x129xf32, #tpu.memory_space<vmem>> -> memref<1x1x8x128xf32, #tpu.memory_space<vmem>>
    %dma_wait3A_698 = tpu.memref_squeeze %dma_wait3A_697 : memref<1x1x8x128xf32, #tpu.memory_space<vmem>> -> memref<8x128xf32, #tpu.memory_space<vmem>>
    %dma_wait3A_699 = arith.constant 0 : i32
    %dma_wait3A_700 = arith.constant 0 : i32
    %dma_wait3A_701 = tpu.memref_slice %arg4[%dma_wait3A_699, %dma_wait3A_700] : memref<204800x128xf32, #tpu.memory_space<hbm>> -> memref<8x128xf32, #tpu.memory_space<hbm>>
    %dma_wait3A_702 = tpu.memref_slice %arg10[%rem3A_693] : memref<4x!tpu.dma_semaphore, #tpu.memory_space<semaphore_mem>> -> memref<1x!tpu.dma_semaphore, #tpu.memory_space<semaphore_mem>>
    %dma_wait3A_703 = tpu.memref_squeeze %dma_wait3A_702 : memref<1x!tpu.dma_semaphore, #tpu.memory_space<semaphore_mem>> -> memref<!tpu.dma_semaphore, #tpu.memory_space<semaphore_mem>>
    %dma_wait3A_704 = arith.constant 0 : i32
    %dma_wait3A_705 = arith.constant 0 : i32
    %dma_wait3A_706 = tpu.memref_slice %arg4[%dma_wait3A_704, %dma_wait3A_705] : memref<204800x128xf32, #tpu.memory_space<hbm>> -> memref<8x128xf32, #tpu.memory_space<hbm>>
    %dma_wait3A_707 = arith.constant 0 : i32
    %dma_wait3A_708 = arith.constant 0 : i32
    %dma_wait3A_709 = tpu.memref_slice %arg8[%rem3A_693, %dma_wait3A_694, %dma_wait3A_707, %dma_wait3A_708] : memref<4x4x8x129xf32, #tpu.memory_space<vmem>> -> memref<1x1x8x128xf32, #tpu.memory_space<vmem>>
    %dma_wait3A_710 = tpu.memref_squeeze %dma_wait3A_709 : memref<1x1x8x128xf32, #tpu.memory_space<vmem>> -> memref<8x128xf32, #tpu.memory_space<vmem>>
    tpu.wait_dma2 semaphore(%dma_wait3A_703 : memref<!tpu.dma_semaphore, #tpu.memory_space<semaphore_mem>>) src(%dma_wait3A_710 : memref<8x128xf32, #tpu.memory_space<vmem>>) dst(%dma_wait3A_706 : memref<8x128xf32, #tpu.memory_space<hbm>>)
    %dma_wait3A_711 = arith.constant 1 : i32
    %dma_wait3A_712 = arith.constant 0 : i32
    %dma_wait3A_713 = arith.constant 0 : i32
    %dma_wait3A_714 = tpu.memref_slice %arg8[%rem3A_693, %dma_wait3A_711, %dma_wait3A_712, %dma_wait3A_713] : memref<4x4x8x129xf32, #tpu.memory_space<vmem>> -> memref<1x1x8x128xf32, #tpu.memory_space<vmem>>
    %dma_wait3A_715 = tpu.memref_squeeze %dma_wait3A_714 : memref<1x1x8x128xf32, #tpu.memory_space<vmem>> -> memref<8x128xf32, #tpu.memory_space<vmem>>
    %dma_wait3A_716 = arith.constant 0 : i32
    %dma_wait3A_717 = arith.constant 0 : i32
    %dma_wait3A_718 = tpu.memref_slice %arg4[%dma_wait3A_716, %dma_wait3A_717] : memref<204800x128xf32, #tpu.memory_space<hbm>> -> memref<8x128xf32, #tpu.memory_space<hbm>>
    %dma_wait3A_719 = tpu.memref_slice %arg10[%rem3A_693] : memref<4x!tpu.dma_semaphore, #tpu.memory_space<semaphore_mem>> -> memref<1x!tpu.dma_semaphore, #tpu.memory_space<semaphore_mem>>
    %dma_wait3A_720 = tpu.memref_squeeze %dma_wait3A_719 : memref<1x!tpu.dma_semaphore, #tpu.memory_space<semaphore_mem>> -> memref<!tpu.dma_semaphore, #tpu.memory_space<semaphore_mem>>
    %dma_wait3A_721 = arith.constant 0 : i32
    %dma_wait3A_722 = arith.constant 0 : i32
    %dma_wait3A_723 = tpu.memref_slice %arg4[%dma_wait3A_721, %dma_wait3A_722] : memref<204800x128xf32, #tpu.memory_space<hbm>> -> memref<8x128xf32, #tpu.memory_space<hbm>>
    %dma_wait3A_724 = arith.constant 0 : i32
    %dma_wait3A_725 = arith.constant 0 : i32
    %dma_wait3A_726 = tpu.memref_slice %arg8[%rem3A_693, %dma_wait3A_711, %dma_wait3A_724, %dma_wait3A_725] : memref<4x4x8x129xf32, #tpu.memory_space<vmem>> -> memref<1x1x8x128xf32, #tpu.memory_space<vmem>>
    %dma_wait3A_727 = tpu.memref_squeeze %dma_wait3A_726 : memref<1x1x8x128xf32, #tpu.memory_space<vmem>> -> memref<8x128xf32, #tpu.memory_space<vmem>>
    tpu.wait_dma2 semaphore(%dma_wait3A_720 : memref<!tpu.dma_semaphore, #tpu.memory_space<semaphore_mem>>) src(%dma_wait3A_727 : memref<8x128xf32, #tpu.memory_space<vmem>>) dst(%dma_wait3A_723 : memref<8x128xf32, #tpu.memory_space<hbm>>)
    %dma_wait3A_728 = arith.constant 2 : i32
    %dma_wait3A_729 = arith.constant 0 : i32
    %dma_wait3A_730 = arith.constant 0 : i32
    %dma_wait3A_731 = tpu.memref_slice %arg8[%rem3A_693, %dma_wait3A_728, %dma_wait3A_729, %dma_wait3A_730] : memref<4x4x8x129xf32, #tpu.memory_space<vmem>> -> memref<1x1x8x128xf32, #tpu.memory_space<vmem>>
    %dma_wait3A_732 = tpu.memref_squeeze %dma_wait3A_731 : memref<1x1x8x128xf32, #tpu.memory_space<vmem>> -> memref<8x128xf32, #tpu.memory_space<vmem>>
    %dma_wait3A_733 = arith.constant 0 : i32
    %dma_wait3A_734 = arith.constant 0 : i32
    %dma_wait3A_735 = tpu.memref_slice %arg4[%dma_wait3A_733, %dma_wait3A_734] : memref<204800x128xf32, #tpu.memory_space<hbm>> -> memref<8x128xf32, #tpu.memory_space<hbm>>
    %dma_wait3A_736 = tpu.memref_slice %arg10[%rem3A_693] : memref<4x!tpu.dma_semaphore, #tpu.memory_space<semaphore_mem>> -> memref<1x!tpu.dma_semaphore, #tpu.memory_space<semaphore_mem>>
    %dma_wait3A_737 = tpu.memref_squeeze %dma_wait3A_736 : memref<1x!tpu.dma_semaphore, #tpu.memory_space<semaphore_mem>> -> memref<!tpu.dma_semaphore, #tpu.memory_space<semaphore_mem>>
    %dma_wait3A_738 = arith.constant 0 : i32
    %dma_wait3A_739 = arith.constant 0 : i32
    %dma_wait3A_740 = tpu.memref_slice %arg4[%dma_wait3A_738, %dma_wait3A_739] : memref<204800x128xf32, #tpu.memory_space<hbm>> -> memref<8x128xf32, #tpu.memory_space<hbm>>
    %dma_wait3A_741 = arith.constant 0 : i32
    %dma_wait3A_742 = arith.constant 0 : i32
    %dma_wait3A_743 = tpu.memref_slice %arg8[%rem3A_693, %dma_wait3A_728, %dma_wait3A_741, %dma_wait3A_742] : memref<4x4x8x129xf32, #tpu.memory_space<vmem>> -> memref<1x1x8x128xf32, #tpu.memory_space<vmem>>
    %dma_wait3A_744 = tpu.memref_squeeze %dma_wait3A_743 : memref<1x1x8x128xf32, #tpu.memory_space<vmem>> -> memref<8x128xf32, #tpu.memory_space<vmem>>
    tpu.wait_dma2 semaphore(%dma_wait3A_737 : memref<!tpu.dma_semaphore, #tpu.memory_space<semaphore_mem>>) src(%dma_wait3A_744 : memref<8x128xf32, #tpu.memory_space<vmem>>) dst(%dma_wait3A_740 : memref<8x128xf32, #tpu.memory_space<hbm>>)
    %dma_wait3A_745 = arith.constant 3 : i32
    %dma_wait3A_746 = arith.constant 0 : i32
    %dma_wait3A_747 = arith.constant 0 : i32
    %dma_wait3A_748 = tpu.memref_slice %arg8[%rem3A_693, %dma_wait3A_745, %dma_wait3A_746, %dma_wait3A_747] : memref<4x4x8x129xf32, #tpu.memory_space<vmem>> -> memref<1x1x8x128xf32, #tpu.memory_space<vmem>>
    %dma_wait3A_749 = tpu.memref_squeeze %dma_wait3A_748 : memref<1x1x8x128xf32, #tpu.memory_space<vmem>> -> memref<8x128xf32, #tpu.memory_space<vmem>>
    %dma_wait3A_750 = arith.constant 0 : i32
    %dma_wait3A_751 = arith.constant 0 : i32
    %dma_wait3A_752 = tpu.memref_slice %arg4[%dma_wait3A_750, %dma_wait3A_751] : memref<204800x128xf32, #tpu.memory_space<hbm>> -> memref<8x128xf32, #tpu.memory_space<hbm>>
    %dma_wait3A_753 = tpu.memref_slice %arg10[%rem3A_693] : memref<4x!tpu.dma_semaphore, #tpu.memory_space<semaphore_mem>> -> memref<1x!tpu.dma_semaphore, #tpu.memory_space<semaphore_mem>>
    %dma_wait3A_754 = tpu.memref_squeeze %dma_wait3A_753 : memref<1x!tpu.dma_semaphore, #tpu.memory_space<semaphore_mem>> -> memref<!tpu.dma_semaphore, #tpu.memory_space<semaphore_mem>>
    %dma_wait3A_755 = arith.constant 0 : i32
    %dma_wait3A_756 = arith.constant 0 : i32
    %dma_wait3A_757 = tpu.memref_slice %arg4[%dma_wait3A_755, %dma_wait3A_756] : memref<204800x128xf32, #tpu.memory_space<hbm>> -> memref<8x128xf32, #tpu.memory_space<hbm>>
    %dma_wait3A_758 = arith.constant 0 : i32
    %dma_wait3A_759 = arith.constant 0 : i32
    %dma_wait3A_760 = tpu.memref_slice %arg8[%rem3A_693, %dma_wait3A_745, %dma_wait3A_758, %dma_wait3A_759] : memref<4x4x8x129xf32, #tpu.memory_space<vmem>> -> memref<1x1x8x128xf32, #tpu.memory_space<vmem>>
    %dma_wait3A_761 = tpu.memref_squeeze %dma_wait3A_760 : memref<1x1x8x128xf32, #tpu.memory_space<vmem>> -> memref<8x128xf32, #tpu.memory_space<vmem>>
    tpu.wait_dma2 semaphore(%dma_wait3A_754 : memref<!tpu.dma_semaphore, #tpu.memory_space<semaphore_mem>>) src(%dma_wait3A_761 : memref<8x128xf32, #tpu.memory_space<vmem>>) dst(%dma_wait3A_757 : memref<8x128xf32, #tpu.memory_space<hbm>>)
    %rem3A_762 = arith.constant 202 : i32
    %rem3A_763 = arith.constant 4 : i32
    %rem3A_764 = arith.remsi %rem3A_762, %rem3A_763 : i32
    %dma_wait3A_765 = arith.constant 0 : i32
    %dma_wait3A_766 = arith.constant 0 : i32
    %dma_wait3A_767 = arith.constant 0 : i32
    %dma_wait3A_768 = tpu.memref_slice %arg8[%rem3A_764, %dma_wait3A_765, %dma_wait3A_766, %dma_wait3A_767] : memref<4x4x8x129xf32, #tpu.memory_space<vmem>> -> memref<1x1x8x128xf32, #tpu.memory_space<vmem>>
    %dma_wait3A_769 = tpu.memref_squeeze %dma_wait3A_768 : memref<1x1x8x128xf32, #tpu.memory_space<vmem>> -> memref<8x128xf32, #tpu.memory_space<vmem>>
    %dma_wait3A_770 = arith.constant 0 : i32
    %dma_wait3A_771 = arith.constant 0 : i32
    %dma_wait3A_772 = tpu.memref_slice %arg4[%dma_wait3A_770, %dma_wait3A_771] : memref<204800x128xf32, #tpu.memory_space<hbm>> -> memref<8x128xf32, #tpu.memory_space<hbm>>
    %dma_wait3A_773 = tpu.memref_slice %arg10[%rem3A_764] : memref<4x!tpu.dma_semaphore, #tpu.memory_space<semaphore_mem>> -> memref<1x!tpu.dma_semaphore, #tpu.memory_space<semaphore_mem>>
    %dma_wait3A_774 = tpu.memref_squeeze %dma_wait3A_773 : memref<1x!tpu.dma_semaphore, #tpu.memory_space<semaphore_mem>> -> memref<!tpu.dma_semaphore, #tpu.memory_space<semaphore_mem>>
    %dma_wait3A_775 = arith.constant 0 : i32
    %dma_wait3A_776 = arith.constant 0 : i32
    %dma_wait3A_777 = tpu.memref_slice %arg4[%dma_wait3A_775, %dma_wait3A_776] : memref<204800x128xf32, #tpu.memory_space<hbm>> -> memref<8x128xf32, #tpu.memory_space<hbm>>
    %dma_wait3A_778 = arith.constant 0 : i32
    %dma_wait3A_779 = arith.constant 0 : i32
    %dma_wait3A_780 = tpu.memref_slice %arg8[%rem3A_764, %dma_wait3A_765, %dma_wait3A_778, %dma_wait3A_779] : memref<4x4x8x129xf32, #tpu.memory_space<vmem>> -> memref<1x1x8x128xf32, #tpu.memory_space<vmem>>
    %dma_wait3A_781 = tpu.memref_squeeze %dma_wait3A_780 : memref<1x1x8x128xf32, #tpu.memory_space<vmem>> -> memref<8x128xf32, #tpu.memory_space<vmem>>
    tpu.wait_dma2 semaphore(%dma_wait3A_774 : memref<!tpu.dma_semaphore, #tpu.memory_space<semaphore_mem>>) src(%dma_wait3A_781 : memref<8x128xf32, #tpu.memory_space<vmem>>) dst(%dma_wait3A_777 : memref<8x128xf32, #tpu.memory_space<hbm>>)
    %dma_wait3A_782 = arith.constant 1 : i32
    %dma_wait3A_783 = arith.constant 0 : i32
    %dma_wait3A_784 = arith.constant 0 : i32
    %dma_wait3A_785 = tpu.memref_slice %arg8[%rem3A_764, %dma_wait3A_782, %dma_wait3A_783, %dma_wait3A_784] : memref<4x4x8x129xf32, #tpu.memory_space<vmem>> -> memref<1x1x8x128xf32, #tpu.memory_space<vmem>>
    %dma_wait3A_786 = tpu.memref_squeeze %dma_wait3A_785 : memref<1x1x8x128xf32, #tpu.memory_space<vmem>> -> memref<8x128xf32, #tpu.memory_space<vmem>>
    %dma_wait3A_787 = arith.constant 0 : i32
    %dma_wait3A_788 = arith.constant 0 : i32
    %dma_wait3A_789 = tpu.memref_slice %arg4[%dma_wait3A_787, %dma_wait3A_788] : memref<204800x128xf32, #tpu.memory_space<hbm>> -> memref<8x128xf32, #tpu.memory_space<hbm>>
    %dma_wait3A_790 = tpu.memref_slice %arg10[%rem3A_764] : memref<4x!tpu.dma_semaphore, #tpu.memory_space<semaphore_mem>> -> memref<1x!tpu.dma_semaphore, #tpu.memory_space<semaphore_mem>>
    %dma_wait3A_791 = tpu.memref_squeeze %dma_wait3A_790 : memref<1x!tpu.dma_semaphore, #tpu.memory_space<semaphore_mem>> -> memref<!tpu.dma_semaphore, #tpu.memory_space<semaphore_mem>>
    %dma_wait3A_792 = arith.constant 0 : i32
    %dma_wait3A_793 = arith.constant 0 : i32
    %dma_wait3A_794 = tpu.memref_slice %arg4[%dma_wait3A_792, %dma_wait3A_793] : memref<204800x128xf32, #tpu.memory_space<hbm>> -> memref<8x128xf32, #tpu.memory_space<hbm>>
    %dma_wait3A_795 = arith.constant 0 : i32
    %dma_wait3A_796 = arith.constant 0 : i32
    %dma_wait3A_797 = tpu.memref_slice %arg8[%rem3A_764, %dma_wait3A_782, %dma_wait3A_795, %dma_wait3A_796] : memref<4x4x8x129xf32, #tpu.memory_space<vmem>> -> memref<1x1x8x128xf32, #tpu.memory_space<vmem>>
    %dma_wait3A_798 = tpu.memref_squeeze %dma_wait3A_797 : memref<1x1x8x128xf32, #tpu.memory_space<vmem>> -> memref<8x128xf32, #tpu.memory_space<vmem>>
    tpu.wait_dma2 semaphore(%dma_wait3A_791 : memref<!tpu.dma_semaphore, #tpu.memory_space<semaphore_mem>>) src(%dma_wait3A_798 : memref<8x128xf32, #tpu.memory_space<vmem>>) dst(%dma_wait3A_794 : memref<8x128xf32, #tpu.memory_space<hbm>>)
    %dma_wait3A_799 = arith.constant 2 : i32
    %dma_wait3A_800 = arith.constant 0 : i32
    %dma_wait3A_801 = arith.constant 0 : i32
    %dma_wait3A_802 = tpu.memref_slice %arg8[%rem3A_764, %dma_wait3A_799, %dma_wait3A_800, %dma_wait3A_801] : memref<4x4x8x129xf32, #tpu.memory_space<vmem>> -> memref<1x1x8x128xf32, #tpu.memory_space<vmem>>
    %dma_wait3A_803 = tpu.memref_squeeze %dma_wait3A_802 : memref<1x1x8x128xf32, #tpu.memory_space<vmem>> -> memref<8x128xf32, #tpu.memory_space<vmem>>
    %dma_wait3A_804 = arith.constant 0 : i32
    %dma_wait3A_805 = arith.constant 0 : i32
    %dma_wait3A_806 = tpu.memref_slice %arg4[%dma_wait3A_804, %dma_wait3A_805] : memref<204800x128xf32, #tpu.memory_space<hbm>> -> memref<8x128xf32, #tpu.memory_space<hbm>>
    %dma_wait3A_807 = tpu.memref_slice %arg10[%rem3A_764] : memref<4x!tpu.dma_semaphore, #tpu.memory_space<semaphore_mem>> -> memref<1x!tpu.dma_semaphore, #tpu.memory_space<semaphore_mem>>
    %dma_wait3A_808 = tpu.memref_squeeze %dma_wait3A_807 : memref<1x!tpu.dma_semaphore, #tpu.memory_space<semaphore_mem>> -> memref<!tpu.dma_semaphore, #tpu.memory_space<semaphore_mem>>
    %dma_wait3A_809 = arith.constant 0 : i32
    %dma_wait3A_810 = arith.constant 0 : i32
    %dma_wait3A_811 = tpu.memref_slice %arg4[%dma_wait3A_809, %dma_wait3A_810] : memref<204800x128xf32, #tpu.memory_space<hbm>> -> memref<8x128xf32, #tpu.memory_space<hbm>>
    %dma_wait3A_812 = arith.constant 0 : i32
    %dma_wait3A_813 = arith.constant 0 : i32
    %dma_wait3A_814 = tpu.memref_slice %arg8[%rem3A_764, %dma_wait3A_799, %dma_wait3A_812, %dma_wait3A_813] : memref<4x4x8x129xf32, #tpu.memory_space<vmem>> -> memref<1x1x8x128xf32, #tpu.memory_space<vmem>>
    %dma_wait3A_815 = tpu.memref_squeeze %dma_wait3A_814 : memref<1x1x8x128xf32, #tpu.memory_space<vmem>> -> memref<8x128xf32, #tpu.memory_space<vmem>>
    tpu.wait_dma2 semaphore(%dma_wait3A_808 : memref<!tpu.dma_semaphore, #tpu.memory_space<semaphore_mem>>) src(%dma_wait3A_815 : memref<8x128xf32, #tpu.memory_space<vmem>>) dst(%dma_wait3A_811 : memref<8x128xf32, #tpu.memory_space<hbm>>)
    %dma_wait3A_816 = arith.constant 3 : i32
    %dma_wait3A_817 = arith.constant 0 : i32
    %dma_wait3A_818 = arith.constant 0 : i32
    %dma_wait3A_819 = tpu.memref_slice %arg8[%rem3A_764, %dma_wait3A_816, %dma_wait3A_817, %dma_wait3A_818] : memref<4x4x8x129xf32, #tpu.memory_space<vmem>> -> memref<1x1x8x128xf32, #tpu.memory_space<vmem>>
    %dma_wait3A_820 = tpu.memref_squeeze %dma_wait3A_819 : memref<1x1x8x128xf32, #tpu.memory_space<vmem>> -> memref<8x128xf32, #tpu.memory_space<vmem>>
    %dma_wait3A_821 = arith.constant 0 : i32
    %dma_wait3A_822 = arith.constant 0 : i32
    %dma_wait3A_823 = tpu.memref_slice %arg4[%dma_wait3A_821, %dma_wait3A_822] : memref<204800x128xf32, #tpu.memory_space<hbm>> -> memref<8x128xf32, #tpu.memory_space<hbm>>
    %dma_wait3A_824 = tpu.memref_slice %arg10[%rem3A_764] : memref<4x!tpu.dma_semaphore, #tpu.memory_space<semaphore_mem>> -> memref<1x!tpu.dma_semaphore, #tpu.memory_space<semaphore_mem>>
    %dma_wait3A_825 = tpu.memref_squeeze %dma_wait3A_824 : memref<1x!tpu.dma_semaphore, #tpu.memory_space<semaphore_mem>> -> memref<!tpu.dma_semaphore, #tpu.memory_space<semaphore_mem>>
    %dma_wait3A_826 = arith.constant 0 : i32
    %dma_wait3A_827 = arith.constant 0 : i32
    %dma_wait3A_828 = tpu.memref_slice %arg4[%dma_wait3A_826, %dma_wait3A_827] : memref<204800x128xf32, #tpu.memory_space<hbm>> -> memref<8x128xf32, #tpu.memory_space<hbm>>
    %dma_wait3A_829 = arith.constant 0 : i32
    %dma_wait3A_830 = arith.constant 0 : i32
    %dma_wait3A_831 = tpu.memref_slice %arg8[%rem3A_764, %dma_wait3A_816, %dma_wait3A_829, %dma_wait3A_830] : memref<4x4x8x129xf32, #tpu.memory_space<vmem>> -> memref<1x1x8x128xf32, #tpu.memory_space<vmem>>
    %dma_wait3A_832 = tpu.memref_squeeze %dma_wait3A_831 : memref<1x1x8x128xf32, #tpu.memory_space<vmem>> -> memref<8x128xf32, #tpu.memory_space<vmem>>
    tpu.wait_dma2 semaphore(%dma_wait3A_825 : memref<!tpu.dma_semaphore, #tpu.memory_space<semaphore_mem>>) src(%dma_wait3A_832 : memref<8x128xf32, #tpu.memory_space<vmem>>) dst(%dma_wait3A_828 : memref<8x128xf32, #tpu.memory_space<hbm>>)
    %rem3A_833 = arith.constant 203 : i32
    %rem3A_834 = arith.constant 4 : i32
    %rem3A_835 = arith.remsi %rem3A_833, %rem3A_834 : i32
    %dma_wait3A_836 = arith.constant 0 : i32
    %dma_wait3A_837 = arith.constant 0 : i32
    %dma_wait3A_838 = arith.constant 0 : i32
    %dma_wait3A_839 = tpu.memref_slice %arg8[%rem3A_835, %dma_wait3A_836, %dma_wait3A_837, %dma_wait3A_838] : memref<4x4x8x129xf32, #tpu.memory_space<vmem>> -> memref<1x1x8x128xf32, #tpu.memory_space<vmem>>
    %dma_wait3A_840 = tpu.memref_squeeze %dma_wait3A_839 : memref<1x1x8x128xf32, #tpu.memory_space<vmem>> -> memref<8x128xf32, #tpu.memory_space<vmem>>
    %dma_wait3A_841 = arith.constant 0 : i32
    %dma_wait3A_842 = arith.constant 0 : i32
    %dma_wait3A_843 = tpu.memref_slice %arg4[%dma_wait3A_841, %dma_wait3A_842] : memref<204800x128xf32, #tpu.memory_space<hbm>> -> memref<8x128xf32, #tpu.memory_space<hbm>>
    %dma_wait3A_844 = tpu.memref_slice %arg10[%rem3A_835] : memref<4x!tpu.dma_semaphore, #tpu.memory_space<semaphore_mem>> -> memref<1x!tpu.dma_semaphore, #tpu.memory_space<semaphore_mem>>
    %dma_wait3A_845 = tpu.memref_squeeze %dma_wait3A_844 : memref<1x!tpu.dma_semaphore, #tpu.memory_space<semaphore_mem>> -> memref<!tpu.dma_semaphore, #tpu.memory_space<semaphore_mem>>
    %dma_wait3A_846 = arith.constant 0 : i32
    %dma_wait3A_847 = arith.constant 0 : i32
    %dma_wait3A_848 = tpu.memref_slice %arg4[%dma_wait3A_846, %dma_wait3A_847] : memref<204800x128xf32, #tpu.memory_space<hbm>> -> memref<8x128xf32, #tpu.memory_space<hbm>>
    %dma_wait3A_849 = arith.constant 0 : i32
    %dma_wait3A_850 = arith.constant 0 : i32
    %dma_wait3A_851 = tpu.memref_slice %arg8[%rem3A_835, %dma_wait3A_836, %dma_wait3A_849, %dma_wait3A_850] : memref<4x4x8x129xf32, #tpu.memory_space<vmem>> -> memref<1x1x8x128xf32, #tpu.memory_space<vmem>>
    %dma_wait3A_852 = tpu.memref_squeeze %dma_wait3A_851 : memref<1x1x8x128xf32, #tpu.memory_space<vmem>> -> memref<8x128xf32, #tpu.memory_space<vmem>>
    tpu.wait_dma2 semaphore(%dma_wait3A_845 : memref<!tpu.dma_semaphore, #tpu.memory_space<semaphore_mem>>) src(%dma_wait3A_852 : memref<8x128xf32, #tpu.memory_space<vmem>>) dst(%dma_wait3A_848 : memref<8x128xf32, #tpu.memory_space<hbm>>)
    %dma_wait3A_853 = arith.constant 1 : i32
    %dma_wait3A_854 = arith.constant 0 : i32
    %dma_wait3A_855 = arith.constant 0 : i32
    %dma_wait3A_856 = tpu.memref_slice %arg8[%rem3A_835, %dma_wait3A_853, %dma_wait3A_854, %dma_wait3A_855] : memref<4x4x8x129xf32, #tpu.memory_space<vmem>> -> memref<1x1x8x128xf32, #tpu.memory_space<vmem>>
    %dma_wait3A_857 = tpu.memref_squeeze %dma_wait3A_856 : memref<1x1x8x128xf32, #tpu.memory_space<vmem>> -> memref<8x128xf32, #tpu.memory_space<vmem>>
    %dma_wait3A_858 = arith.constant 0 : i32
    %dma_wait3A_859 = arith.constant 0 : i32
    %dma_wait3A_860 = tpu.memref_slice %arg4[%dma_wait3A_858, %dma_wait3A_859] : memref<204800x128xf32, #tpu.memory_space<hbm>> -> memref<8x128xf32, #tpu.memory_space<hbm>>
    %dma_wait3A_861 = tpu.memref_slice %arg10[%rem3A_835] : memref<4x!tpu.dma_semaphore, #tpu.memory_space<semaphore_mem>> -> memref<1x!tpu.dma_semaphore, #tpu.memory_space<semaphore_mem>>
    %dma_wait3A_862 = tpu.memref_squeeze %dma_wait3A_861 : memref<1x!tpu.dma_semaphore, #tpu.memory_space<semaphore_mem>> -> memref<!tpu.dma_semaphore, #tpu.memory_space<semaphore_mem>>
    %dma_wait3A_863 = arith.constant 0 : i32
    %dma_wait3A_864 = arith.constant 0 : i32
    %dma_wait3A_865 = tpu.memref_slice %arg4[%dma_wait3A_863, %dma_wait3A_864] : memref<204800x128xf32, #tpu.memory_space<hbm>> -> memref<8x128xf32, #tpu.memory_space<hbm>>
    %dma_wait3A_866 = arith.constant 0 : i32
    %dma_wait3A_867 = arith.constant 0 : i32
    %dma_wait3A_868 = tpu.memref_slice %arg8[%rem3A_835, %dma_wait3A_853, %dma_wait3A_866, %dma_wait3A_867] : memref<4x4x8x129xf32, #tpu.memory_space<vmem>> -> memref<1x1x8x128xf32, #tpu.memory_space<vmem>>
    %dma_wait3A_869 = tpu.memref_squeeze %dma_wait3A_868 : memref<1x1x8x128xf32, #tpu.memory_space<vmem>> -> memref<8x128xf32, #tpu.memory_space<vmem>>
    tpu.wait_dma2 semaphore(%dma_wait3A_862 : memref<!tpu.dma_semaphore, #tpu.memory_space<semaphore_mem>>) src(%dma_wait3A_869 : memref<8x128xf32, #tpu.memory_space<vmem>>) dst(%dma_wait3A_865 : memref<8x128xf32, #tpu.memory_space<hbm>>)
    %dma_wait3A_870 = arith.constant 2 : i32
    %dma_wait3A_871 = arith.constant 0 : i32
    %dma_wait3A_872 = arith.constant 0 : i32
    %dma_wait3A_873 = tpu.memref_slice %arg8[%rem3A_835, %dma_wait3A_870, %dma_wait3A_871, %dma_wait3A_872] : memref<4x4x8x129xf32, #tpu.memory_space<vmem>> -> memref<1x1x8x128xf32, #tpu.memory_space<vmem>>
    %dma_wait3A_874 = tpu.memref_squeeze %dma_wait3A_873 : memref<1x1x8x128xf32, #tpu.memory_space<vmem>> -> memref<8x128xf32, #tpu.memory_space<vmem>>
    %dma_wait3A_875 = arith.constant 0 : i32
    %dma_wait3A_876 = arith.constant 0 : i32
    %dma_wait3A_877 = tpu.memref_slice %arg4[%dma_wait3A_875, %dma_wait3A_876] : memref<204800x128xf32, #tpu.memory_space<hbm>> -> memref<8x128xf32, #tpu.memory_space<hbm>>
    %dma_wait3A_878 = tpu.memref_slice %arg10[%rem3A_835] : memref<4x!tpu.dma_semaphore, #tpu.memory_space<semaphore_mem>> -> memref<1x!tpu.dma_semaphore, #tpu.memory_space<semaphore_mem>>
    %dma_wait3A_879 = tpu.memref_squeeze %dma_wait3A_878 : memref<1x!tpu.dma_semaphore, #tpu.memory_space<semaphore_mem>> -> memref<!tpu.dma_semaphore, #tpu.memory_space<semaphore_mem>>
    %dma_wait3A_880 = arith.constant 0 : i32
    %dma_wait3A_881 = arith.constant 0 : i32
    %dma_wait3A_882 = tpu.memref_slice %arg4[%dma_wait3A_880, %dma_wait3A_881] : memref<204800x128xf32, #tpu.memory_space<hbm>> -> memref<8x128xf32, #tpu.memory_space<hbm>>
    %dma_wait3A_883 = arith.constant 0 : i32
    %dma_wait3A_884 = arith.constant 0 : i32
    %dma_wait3A_885 = tpu.memref_slice %arg8[%rem3A_835, %dma_wait3A_870, %dma_wait3A_883, %dma_wait3A_884] : memref<4x4x8x129xf32, #tpu.memory_space<vmem>> -> memref<1x1x8x128xf32, #tpu.memory_space<vmem>>
    %dma_wait3A_886 = tpu.memref_squeeze %dma_wait3A_885 : memref<1x1x8x128xf32, #tpu.memory_space<vmem>> -> memref<8x128xf32, #tpu.memory_space<vmem>>
    tpu.wait_dma2 semaphore(%dma_wait3A_879 : memref<!tpu.dma_semaphore, #tpu.memory_space<semaphore_mem>>) src(%dma_wait3A_886 : memref<8x128xf32, #tpu.memory_space<vmem>>) dst(%dma_wait3A_882 : memref<8x128xf32, #tpu.memory_space<hbm>>)
    %dma_wait3A_887 = arith.constant 3 : i32
    %dma_wait3A_888 = arith.constant 0 : i32
    %dma_wait3A_889 = arith.constant 0 : i32
    %dma_wait3A_890 = tpu.memref_slice %arg8[%rem3A_835, %dma_wait3A_887, %dma_wait3A_888, %dma_wait3A_889] : memref<4x4x8x129xf32, #tpu.memory_space<vmem>> -> memref<1x1x8x128xf32, #tpu.memory_space<vmem>>
    %dma_wait3A_891 = tpu.memref_squeeze %dma_wait3A_890 : memref<1x1x8x128xf32, #tpu.memory_space<vmem>> -> memref<8x128xf32, #tpu.memory_space<vmem>>
    %dma_wait3A_892 = arith.constant 0 : i32
    %dma_wait3A_893 = arith.constant 0 : i32
    %dma_wait3A_894 = tpu.memref_slice %arg4[%dma_wait3A_892, %dma_wait3A_893] : memref<204800x128xf32, #tpu.memory_space<hbm>> -> memref<8x128xf32, #tpu.memory_space<hbm>>
    %dma_wait3A_895 = tpu.memref_slice %arg10[%rem3A_835] : memref<4x!tpu.dma_semaphore, #tpu.memory_space<semaphore_mem>> -> memref<1x!tpu.dma_semaphore, #tpu.memory_space<semaphore_mem>>
    %dma_wait3A_896 = tpu.memref_squeeze %dma_wait3A_895 : memref<1x!tpu.dma_semaphore, #tpu.memory_space<semaphore_mem>> -> memref<!tpu.dma_semaphore, #tpu.memory_space<semaphore_mem>>
    %dma_wait3A_897 = arith.constant 0 : i32
    %dma_wait3A_898 = arith.constant 0 : i32
    %dma_wait3A_899 = tpu.memref_slice %arg4[%dma_wait3A_897, %dma_wait3A_898] : memref<204800x128xf32, #tpu.memory_space<hbm>> -> memref<8x128xf32, #tpu.memory_space<hbm>>
    %dma_wait3A_900 = arith.constant 0 : i32
    %dma_wait3A_901 = arith.constant 0 : i32
    %dma_wait3A_902 = tpu.memref_slice %arg8[%rem3A_835, %dma_wait3A_887, %dma_wait3A_900, %dma_wait3A_901] : memref<4x4x8x129xf32, #tpu.memory_space<vmem>> -> memref<1x1x8x128xf32, #tpu.memory_space<vmem>>
    %dma_wait3A_903 = tpu.memref_squeeze %dma_wait3A_902 : memref<1x1x8x128xf32, #tpu.memory_space<vmem>> -> memref<8x128xf32, #tpu.memory_space<vmem>>
    tpu.wait_dma2 semaphore(%dma_wait3A_896 : memref<!tpu.dma_semaphore, #tpu.memory_space<semaphore_mem>>) src(%dma_wait3A_903 : memref<8x128xf32, #tpu.memory_space<vmem>>) dst(%dma_wait3A_899 : memref<8x128xf32, #tpu.memory_space<hbm>>)
    return
  }
}

</mosaic_0001>

<sc_bundles>
// kernel: kernel.3.cloned.1.call-start
scs
__scs_entry_jumppad:
0x0: {  	(pc) =	sbr.rel $0x88, $3  }
0x1: {  	(tag) =	ssettag $0x0;
	lr =	simm.s32 $0x1  }
0x2: {  	[smem:$0x3F9F] =	sst lr;
	_ =	strace $0xD0000000  }
0x3: {  	_ = 	snop  }
0x4: {  	_ = 	snop  }
0x5: {  	_ = 	snop  }
0x6: {  	_ = 	snop  }
0x7: {  	_ = 	snop  }
__scs_overlays_trampoline_lowered:
0x8: {  	[smem:$0x3FAE] =	sst s0  }
0x9: {  	[smem:$0x3FAF] =	sst s1  }
0xa: {  	[smem:$0x3FB0] =	sst s2  }
0xb: {  	[smem:$0x3FB1] =	sst s3  }
0xc: {  	[smem:$0x3FB2] =	sst s4  }
0xd: {  	[smem:$0x3FB3] =	sst s5  }
0xe: {  	[smem:$0x3FB4] =	sst s6  }
0xf: {  	[smem:$0x3FB5] =	sst s7  }
0x10: {  	[smem:$0x3FB6] =	sst s8  }
0x11: {  	[smem:$0x3FB7] =	sst s9;
	s0 =	simm.s32 @!p0 $0x0  }
0x12: {  	s1 =	sld [smem:$0x3F9D];
	s0 =	simm.s32 @p0 $0x1  }
0x13: {  	[smem:$0x3FB8] =	sst s0;
	s0 =	simm.s32 @!p1 $0x0  }
0x14: {  	s2 =	sld [smem:$0x3F9C];
	s0 =	simm.s32 @p1 $0x1  }
0x15: {  	[smem:$0x3FB9] =	sst s0;
	s0 =	simm.s32 @!p2 $0x0  }
0x16: {  	s3 =	sld [smem:$0x3FDB];
	s0 =	simm.s32 @p2 $0x1  }
0x17: {  	s4 =	simm.s32 $0x1BF5;
	[smem:$0x3FBB] =	sst s0  }
0x18: {  	s0 =	sld [smem:$0x3F9E];
	_ =	swait.ge [sflag:s4], $0x0  }
0x19: {  	s7 =	sld [smem:$0x3F9F]  }
0x1a: {  	s8 =	sadd.s32 $0xFFFFE003, lr  }
0x1b: {  	s9 =	sadd.s32 $0xFFFFFEF7, lr;
	s5 =	simm.s32 $0xFFFFFFFF;
	p2 =	slt.u32 s8, $0xFFFFF086  }
0x1c: {  	p1 =	slt.u32 s9, $0xF7A;
	s5 =	simm.s32 @!p2 $0x0  }
0x1d: {  	s5 =	simm.s32 @p1 $0x1;
	p0 =	seq.s32 s7, s2  }
0x1e: {  	s7 =	smul.u32 @!p0 $0xF7A, s2;
	p2 =	seq.s32 @!p0 s5, $0x0  }
0x1f: {  	s9 =	smul.u32 $0xF7A, s1;
	s8 =	simm.s32 @!p0 $0x1BF5;
	p2 =	por !p2, p0  }
0x20: {  	[sflag:s8] =	ssyncset.s32 @!p0 $0xFFFFF086;
	s6 =	sadd.s32 @!p0 s3, s7;
	s7 =	simm.s32 @!p0 $0x108  }
0x21: {  	s3 =	sadd.s32 s3, s9;
	s6 =	sadd.s32 @!p0 $0x88, s6;
	s7 =	simm.s32 @p2 $0x1082  }
0x22: {  	[simem:s7], [sflag:s8] =	dma.local @!p0 [hbm:s6], $0xF7A  }
0x23: {  	s9 =	sor.u32 $0xD0000000, s2;
	s6 =	simm.s32 $0x108;
	_ =	swait.ge @!p0 [sflag:s8], $0x0  }
0x24: {  	s3 =	sadd.s32 $0x88, s3;
	s6 =	simm.s32 @!p1 $0x1082;
	[sflag:s4] =	ssyncset.s32 $0xFFFFF086  }
0x25: {  	[simem:s6], [sflag:s4] =	dma.local [hbm:s3], $0xF7A  }
0x26: {  	[smem:$0x3F9F] =	sst s1;
	(tag) =	ssettag s2;
	_ =	strace s9  }
0x27: {  	s1 =	sld [smem:$0x3FAF]  }
0x28: {  	s2 =	sld [smem:$0x3FB0]  }
0x29: {  	s4 =	sld [smem:$0x3FB2]  }
0x2a: {  	p0 =	seq.s32 s5, $0x0;
	s5 =	sld [smem:$0x3FB3]  }
0x2b: {  	s6 =	sld [smem:$0x3FB4]  }
0x2c: {  	s7 =	sld [smem:$0x3FB5]  }
0x2d: {  	s3 =	simm.s32 $0x108;
	s8 =	sld [smem:$0x3FB6]  }
0x2e: {  	s3 =	simm.s32 @!p0 $0x1082;
	s9 =	sld [smem:$0x3FB7]  }
0x2f: {  	lr =	sadd.s32 s0, s3;
	s0 =	sld [smem:$0x3FAE]  }
0x30: {  	s3 =	sld [smem:$0x3FB1]  }
0x31: {  	[smem:$0x3FBA] =	sst s10  }
0x32: {  	s10 =	sld [smem:$0x3FB8];
	_ =	sdelay $0x3  }
0x33: {  	p0 =	seq.s32 s10, $0x1;
	s10 =	sld [smem:$0x3FBA];
	_ =	sdelay $0x3  }
0x34: {  	[smem:$0x3FBA] =	sst s10  }
0x35: {  	s10 =	sld [smem:$0x3FB9];
	_ =	sdelay $0x3  }
0x36: {  	p1 =	seq.s32 s10, $0x1;
	s10 =	sld [smem:$0x3FBA];
	_ =	sdelay $0x3  }
0x37: {  	[smem:$0x3FBA] =	sst s10  }
0x38: {  	s10 =	sld [smem:$0x3FBB]  }
0x39: {  	_ = 	snop;
	(pc) =	sbr.ind lr, $3  }
0x3a: {  	_ = 	snop  }
0x3b: {  	_ = 	snop  }
0x3c: {  	p2 =	seq.s32 s10, $0x1;
	s10 =	sld [smem:$0x3FBA]  }
0x3d: {  	_ =	shalt  }
0x3e: {  	_ =	shalt  }
0x3f: {  	_ =	shalt  }
0x40: {  	_ =	shalt  }
0x41: {  	_ =	shalt  }
0x42: {  	_ =	shalt  }
0x43: {  	_ =	shalt  }
0x44: {  	_ =	shalt  }
0x45: {  	_ =	shalt  }
0x46: {  	_ =	shalt  }
0x47: {  	_ =	shalt  }
0x48: {  	_ =	shalt  }
0x49: {  	_ =	shalt  }
0x4a: {  	_ =	shalt  }
0x4b: {  	_ =	shalt  }
0x4c: {  	_ =	shalt  }
0x4d: {  	_ =	shalt  }
0x4e: {  	_ =	shalt  }
0x4f: {  	_ =	shalt  }
0x50: {  	_ =	shalt  }
0x51: {  	_ =	shalt  }
0x52: {  	_ =	shalt  }
0x53: {  	_ =	shalt  }
0x54: {  	_ =	shalt  }
0x55: {  	_ =	shalt  }
0x56: {  	_ =	shalt  }
0x57: {  	_ =	shalt  }
0x58: {  	_ =	shalt  }
0x59: {  	_ =	shalt  }
0x5a: {  	_ =	shalt  }
0x5b: {  	_ =	shalt  }
0x5c: {  	_ =	shalt  }
0x5d: {  	_ =	shalt  }
0x5e: {  	_ =	shalt  }
0x5f: {  	_ =	shalt  }
0x60: {  	_ =	shalt  }
0x61: {  	_ =	shalt  }
0x62: {  	_ =	shalt  }
0x63: {  	_ =	shalt  }
0x64: {  	_ =	shalt  }
0x65: {  	_ =	shalt  }
0x66: {  	_ =	shalt  }
0x67: {  	_ =	shalt  }
0x68: {  	_ =	shalt  }
0x69: {  	_ =	shalt  }
0x6a: {  	_ =	shalt  }
0x6b: {  	_ =	shalt  }
0x6c: {  	_ =	shalt  }
0x6d: {  	_ =	shalt  }
0x6e: {  	_ =	shalt  }
0x6f: {  	_ =	shalt  }
0x70: {  	_ =	shalt  }
0x71: {  	_ =	shalt  }
0x72: {  	_ =	shalt  }
0x73: {  	_ =	shalt  }
0x74: {  	_ =	shalt  }
0x75: {  	_ =	shalt  }
0x76: {  	_ =	shalt  }
0x77: {  	_ =	shalt  }
0x78: {  	_ =	shalt  }
0x79: {  	_ =	shalt  }
0x7a: {  	_ =	shalt  }
0x7b: {  	_ =	shalt  }
0x7c: {  	_ =	shalt  }
0x7d: {  	_ =	shalt  }
0x7e: {  	_ =	shalt  }
0x7f: {  	_ =	shalt  }
0x80: {  	_ =	shalt  }
0x81: {  	_ =	shalt  }
0x82: {  	_ =	shalt  }
0x83: {  	_ =	shalt  }
0x84: {  	_ =	shalt  }
0x85: {  	_ =	shalt  }
0x86: {  	_ =	shalt  }
0x87: {  	_ =	shalt  }
.Lfunc_end0:
.L_simem_size_0:
called_computation_lowered:
.L_overlay_start_0:
0x88: {  	s2 =	sld [smem:$0x3FD9]  }
0x89: {  	s3 =	sld [smem:$0x3FFE];
	_ =	sdelay $0x1  }
0x8a: {  	s1 =	srdreg.scid  }
0x8b: {  	s0 =	sand.u32 $0x1, s1  }
0x8c: {  	s17 =	sshll.u32 s0, $0xA;
	s2 =	sadd.s32 s3, s2  }
0x8d: {  	s2 =	sadd.s32 s2, s17  }
0x8e: {  	[smem:$0x3FC6] =	sst s2  }
0x8f: {  	_ = 	snop  }
0x90: {  	s2 =	sld [smem:$0x3FD0];
	(tm) =	ssettm $0x1  }
0x91: {  	s18 =	sld [smem:$0x3FFB];
	_ =	sdelay $0x3  }
0x92: {  	_ =	strace s18  }
0x93: {  	s3 =	sld [smem:$0x3FFC];
	_ =	sdelay $0x3  }
0x94: {  	_ =	strace s3  }
0x95: {  	s3 =	sld [smem:$0x3FFD];
	_ =	sdelay $0x3  }
0x96: {  	_ =	strace s3  }
0x97: {  	_ =	strace $0x8FFFFFFF  }
0x98: {  	s19 =	sld [smem:$0x3FDB];
	_ =	sdelay $0x1  }
0x99: {  	s4 =	simm.s32 $_scs_section_size  }
0x9a: {  	s5 =	simm.s32 $_size__tile_overlayer_lowered;
	s6 =	simm.s32 $_tile_overlayer_lowered  }
0x9b: {  	s22 =	simm.s32 $0x1BFF;
	s21 =	sshll.u32 s6, $0x1;
	s3 =	sadd.s32 s4, s19  }
0x9c: {  	s7 =	simm.s32 $0x0;
	s20 =	sshll.u32 s5, $0x1;
	s5 =	sadd.s32 s21, s3  }
0x9d: {  	[timem:s7], [sflag:s22] =	dma.local [hbm:s5], s20  }
0x9e: {  	_ =	swait.ge [sflag:s22], s20  }
0x9f: {  	s4 =	ssub.s32 $0x0, s20;
	[sflag:s22] =	ssyncset.done $0x0  }
0xa0: {  	[sflag:s22] =	ssyncadd.s32 s4;
	_ =	sdelay $0x1  }
0xa1: {  	s23 =	simm.s32 $0x1B8B  }
0xa2: {  	_ =	swait.ge [sflag:s23], $0x1  }
0xa3: {  	[sflag:s23] =	ssyncset.done $0x0  }
0xa4: {  	s25 =	simm.s32 $0x1B8E;
	s24 =	sld [smem:$0x3FFE];
	[sflag:s23] =	ssyncadd.s32 $0xFFFFFFFF  }
0xa5: {  	s26 =	simm.s32 $execute0_lowered;
	[smem:$0x3FD2] =	sst s25  }
0xa6: {  	s5 =	sshll.u32 s26, $0x1;
	_ =	strace $0x80000046;
	[dreg:$0x1] =	wrdreg $0xFFFFFFFF  }
0xa7: {  	s28 =	simm.s32 $_size_execute0_lowered;
	s3 =	sadd.s32 s3, s5;
	[dreg:$0x0] =	wrdreg $0x0  }
0xa8: {  	s5 =	sshll.u32 s28, $0x1;
	[dreg:$0x2] =	wrdreg s3  }
0xa9: {  	[dreg:$0x3] =	wrdreg s5  }
0xaa: {  	[dreg:$0x4] =	wrdreg $0xC0  }
0xab: {  	_ =	task [dreg:s7], $0x5FFFF  }
0xac: {  	[dreg:$0x1] =	wrdreg $0xFFFFFFFF  }
0xad: {  	[dreg:$0x0] =	wrdreg $0x60  }
0xae: {  	[dreg:$0x2] =	wrdreg s24  }
0xaf: {  	[dreg:$0x3] =	wrdreg s2  }
0xb0: {  	[dreg:$0x4] =	wrdreg $0x9  }
0xb1: {  	_ =	task.clear_ibuf [dreg:s7], $0x5FFFF;
	_ =	strace $0x90000046  }
0xb2: {  	s29 =	simm.s32 $0x9;
	_ =	strace $0x80000048  }
0xb3: {  	_ =	swait.ge [sflag:s29], $0x1  }
0xb4: {  	[sflag:s29] =	ssyncadd.s32 $0xFFFFFFFF  }
0xb5: {  	_ =	strace $0x90000048  }
0xb6: {  	_ =	sfence  }
0xb7: {  	s30 =	sld [smem:$0x0];
	_ =	sdelay $0x2  }
0xb8: {  	s31 =	sshll.u32 s1, $0xD;
	s1 =	sshrl.u32 s1, $0x2  }
0xb9: {  	s3 =	sand.u32 $0x4000, s31;
	s1 =	sadd.s32 s1, s30  }
0xba: {  	s0 =	sor.u32 s3, s0;
	s1 =	sshll.u32 s1, $0x11  }
0xbb: {  	s0 =	sor.u32 s1, s0  }
0xbc: {  	s0 =	sadd.s32 $0x8F2B, s0  }
0xbd: {  	[sflag:s0] =	ssyncadd.remote.s32 $0x1  }
0xbe: {  	_ =	sfence.sel $0xFFFF  }
0xbf: {  	[dreg:$0x0] =	wrdreg $0xFFFFFFFF;
	(pc) =	sbr.abs _section_cstart, $3  }
0xc0: {  	[dreg:$0x1] =	wrdreg $0xFFFFFFFF  }
0xc1: {  	_ =	task.clear_ibuf [dreg:s7], $0x2FFFF;
	_ =	strace $0x9FFFFFFF  }
0xc2: {  	(tm) =	ssettm $0x7FFFFFFF  }
0xc3: {  	_ =	shalt  }
tec
execute0_lowered:
.L_overlay_start_1:
0x0: {  	(tag) =	ssettag $0x1  }
0x1: {  	v1 =	vlaneseq.u32  }
0x2: {  	v0 =	vmul.u32 $0x32, v1  }
0x3: {  	vm0 =	vcmask $0x300;
	v47 =	vmul.u32 $0x88, v1;
	v1 =	vimm.s32 $0x0  }
0x4: {  	v49 =	vsel vm0, $0x3, v1;
	v2 =	vadd.s32 $0x320, v0  }
0x5: {  	v5 =	vadd.s32 $0xFA0, v0;
	v6 =	vadd.s32 $0x12C0, v0;
	v7 =	vadd.s32 $0x15E0, v0  }
0x6: {  	v8 =	vor.u32 $0x1, v0;
	v9 =	vadd.s32 $0x321, v0;
	v10 =	vadd.s32 $0x641, v0  }
0x7: {  	v11 =	vadd.s32 $0x961, v0;
	v12 =	vadd.s32 $0xC81, v0;
	v13 =	vadd.s32 $0xFA1, v0  }
0x8: {  	v14 =	vadd.s32 $0x12C1, v0;
	v15 =	vadd.s32 $0x15E1, v0;
	v16 =	vadd.s32 $0x2, v0  }
0x9: {  	v17 =	vadd.s32 $0x322, v0;
	v18 =	vadd.s32 $0x642, v0;
	v19 =	vadd.s32 $0x962, v0  }
0xa: {  	v20 =	vadd.s32 $0xC82, v0;
	v21 =	vadd.s32 $0xFA2, v0;
	v22 =	vadd.s32 $0x12C2, v0  }
0xb: {  	v23 =	vadd.s32 $0x15E2, v0;
	v24 =	vadd.s32 $0x3, v0;
	v25 =	vadd.s32 $0x323, v0  }
0xc: {  	v26 =	vadd.s32 $0x643, v0;
	v27 =	vadd.s32 $0x963, v0;
	v28 =	vadd.s32 $0xC83, v0  }
0xd: {  	s0 =	rddreg [dreg:$0x0];
	v29 =	vadd.s32 $0xFA3, v0;
	v30 =	vadd.s32 $0x12C3, v0;
	v31 =	vadd.s32 $0x15E3, v0  }
0xe: {  	s1 =	srdreg.scid;
	s3 =	stileid.u32;
	v32 =	vadd.s32 $0x4, v0;
	v33 =	vadd.s32 $0x324, v0;
	v34 =	vadd.s32 $0x644, v0  }
0xf: {  	s2 =	rddreg [dreg:$0x1];
	s9 =	simm.s32 $0xD;
	s10 =	simm.s32 $0x80;
	v35 =	vadd.s32 $0x964, v0;
	v36 =	vadd.s32 $0xC84, v0;
	v37 =	vadd.s32 $0xFA4, v0  }
0x10: {  	s17 =	simm.s32 $0x6580;
	s18 =	simm.s32 $0x9800;
	s19 =	simm.s32 $0x6600;
	v38 =	vadd.s32 $0x12C4, v0;
	v39 =	vadd.s32 $0x15E4, v0;
	v40 =	vadd.s32 $0x5, v0  }
0x11: {  	s20 =	simm.s32 $0xA800;
	s21 =	simm.s32 $0x6680;
	s22 =	simm.s32 $0xB800;
	v41 =	vadd.s32 $0x325, v0;
	v42 =	vadd.s32 $0x645, v0;
	v43 =	vadd.s32 $0x965, v0  }
0x12: {  	s23 =	simm.s32 $0x9;
	s24 =	simm.s32 $0xA;
	s25 =	simm.s32 $0xB;
	v44 =	vadd.s32 $0xC85, v0;
	v45 =	vadd.s32 $0xFA5, v0;
	v46 =	vadd.s32 $0x12C5, v0  }
0x13: {  	s26 =	simm.s32 $0xC;
	s1 =	sand.u32 $0x1, s1;
	s4 =	sshll.u32 s3, $0x1;
	v48 =	vadd.s32 $0x15E5, v0;
	v50 =	vadd.s32 $0x880, v47;
	v51 =	vor.u32 $0x1, v47  }
0x14: {  	s28 =	simm.s32 $0x0;
	s3 =	simm.s32 $0x0;
	s6 =	sor.u32 s1, s4;
	v52 =	vadd.s32 $0x881, v47;
	v53 =	vor.u32 $0x2, v47;
	[tilespmem:$0x1FFC0] =	vst v2;
	v2 =	vadd.s32 $0x640, v0  }
0x15: {  	s7 =	sadd.s32 $0x8000, s2;
	s1 =	ssub.s32 $0x2, s1;
	s4 =	smul.u32 $0xC80, s6;
	v54 =	vadd.s32 $0x882, v47;
	v55 =	vor.u32 $0x3, v47;
	[tilespmem:$0x1FFD0] =	vst v2;
	v2 =	vadd.s32 $0x960, v0  }
0x16: {  	[smem:$0x7FF] =	sst s3;
	s31 =	sshrl.u32 s1, $0x1;
	s6 =	sshll.u32 s6, $0x2;
	v56 =	vadd.s32 $0x883, v47;
	v57 =	vor.u32 $0x4, v47;
	[tilespmem:$0x1FFE0] =	vst v2;
	v2 =	vadd.s32 $0xC80, v0  }
0x17: {  	v58 =	vadd.s32 $0x884, v47;
	v59 =	vor.u32 $0x5, v47;
	v60 =	vadd.s32 $0x885, v47;
	s5 =	sadd.s32 s4, s0;
	s4 =	sadd.s32 $0xF42A00, s0;
	s0 =	ssub.s32 s1, s31;
	[tilespmem:$0x1FFF0] =	vst v2  }
0x18: {  	v61 =	vor.u32 $0x6, v47;
	v62 =	vadd.s32 $0x886, v47;
	v63 =	vor.u32 $0x7, v47;
	s5 =	sadd.s32 $0x600, s5;
	s8 =	smax.u32 s0, $0x1;
	_ =	strace $0x80000047  }
.LBB2_1:
0x19: {  	[tilespmem:s3], [sflag:$0xD] =	stream.linear.gather [hbm4b:s5+s3], $0x6400, $0x38;
	[tilespmem:$0x12C00] =	vst v63  }
0x1a: {  	_ =	swait.ge [sflag:s9], $0x6400  }
0x1b: {  	[sflag:s9] =	ssyncset.done $0x0  }
0x1c: {  	[sflag:s9] =	ssyncadd.s32 $0xFFFF9C00  }
0x1d: {  	v1 =	vld.idx.msk [tilespmem:v0+s3+$0x0], $0xffff;
	_ =	sdelay $0x4  }
0x1e: {  	[tilespmem:$0x6400] =	vst v1;
	v1 =	vld [tilespmem:$0x1FFC0];
	_ =	sdelay $0x7  }
0x1f: {  	v1 =	vld.idx.msk [tilespmem:v1+s3+$0x0], $0xffff;
	_ =	sdelay $0x4  }
0x20: {  	[tilespmem:$0x6410] =	vst v1;
	v1 =	vld [tilespmem:$0x1FFD0];
	_ =	sdelay $0x7  }
0x21: {  	v1 =	vld.idx.msk [tilespmem:v1+s3+$0x0], $0xffff;
	_ =	sdelay $0x4  }
0x22: {  	[tilespmem:$0x6420] =	vst v1;
	v1 =	vld [tilespmem:$0x1FFE0];
	_ =	sdelay $0x7  }
0x23: {  	v1 =	vld.idx.msk [tilespmem:v1+s3+$0x0], $0xffff;
	_ =	sdelay $0x4  }
0x24: {  	[tilespmem:$0x6430] =	vst v1;
	v1 =	vld [tilespmem:$0x1FFF0];
	_ =	sdelay $0x7  }
0x25: {  	v1 =	vld.idx.msk [tilespmem:v1+s3+$0x0], $0xffff;
	_ =	sdelay $0x4  }
0x26: {  	[tilespmem:$0x6440] =	vst v1  }
0x27: {  	v1 =	vld.idx.msk [tilespmem:v5+s3+$0x0], $0xffff;
	_ =	sdelay $0x4  }
0x28: {  	[tilespmem:$0x6450] =	vst v1  }
0x29: {  	v1 =	vld.idx.msk [tilespmem:v6+s3+$0x0], $0xffff;
	_ =	sdelay $0x4  }
0x2a: {  	[tilespmem:$0x6460] =	vst v1  }
0x2b: {  	v1 =	vld.idx.msk [tilespmem:v7+s3+$0x0], $0xffff;
	_ =	sdelay $0x4  }
0x2c: {  	s0 =	simm.s32 $0x6400;
	s1 =	simm.s32 $0x6800;
	[tilespmem:$0x6470] =	vst v1  }
0x2d: {  	[tilespmem:s1], [sflag:$0x1] =	stream.indirect.gather [hbm4b:s4+s10], $0x20, s0, s10, $0xb8;
	[tilespmem:$0x12C00] =	vst v63  }
0x2e: {  	v1 =	vld.idx.msk [tilespmem:v8+s3+$0x0], $0xffff;
	_ =	sdelay $0x4  }
0x2f: {  	[tilespmem:$0x6480] =	vst v1  }
0x30: {  	v1 =	vld.idx.msk [tilespmem:v9+s3+$0x0], $0xffff;
	_ =	sdelay $0x4  }
0x31: {  	[tilespmem:$0x6490] =	vst v1  }
0x32: {  	v1 =	vld.idx.msk [tilespmem:v10+s3+$0x0], $0xffff;
	_ =	sdelay $0x4  }
0x33: {  	[tilespmem:$0x64A0] =	vst v1  }
0x34: {  	v1 =	vld.idx.msk [tilespmem:v11+s3+$0x0], $0xffff;
	_ =	sdelay $0x4  }
0x35: {  	[tilespmem:$0x64B0] =	vst v1  }
0x36: {  	v1 =	vld.idx.msk [tilespmem:v12+s3+$0x0], $0xffff;
	_ =	sdelay $0x4  }
0x37: {  	[tilespmem:$0x64C0] =	vst v1  }
0x38: {  	v1 =	vld.idx.msk [tilespmem:v13+s3+$0x0], $0xffff;
	_ =	sdelay $0x4  }
0x39: {  	[tilespmem:$0x64D0] =	vst v1  }
0x3a: {  	v1 =	vld.idx.msk [tilespmem:v14+s3+$0x0], $0xffff;
	_ =	sdelay $0x4  }
0x3b: {  	[tilespmem:$0x64E0] =	vst v1  }
0x3c: {  	v1 =	vld.idx.msk [tilespmem:v15+s3+$0x0], $0xffff;
	_ =	sdelay $0x4  }
0x3d: {  	s14 =	simm.s32 $0x6480;
	s15 =	simm.s32 $0x7800;
	[tilespmem:$0x64F0] =	vst v1  }
0x3e: {  	[tilespmem:s15], [sflag:$0x2] =	stream.indirect.gather [hbm4b:s4+s10], $0x20, s14, s10, $0xb8;
	[tilespmem:$0x12C00] =	vst v63  }
0x3f: {  	v1 =	vld.idx.msk [tilespmem:v16+s3+$0x0], $0xffff;
	_ =	sdelay $0x4  }
0x40: {  	[tilespmem:$0x6500] =	vst v1  }
0x41: {  	v1 =	vld.idx.msk [tilespmem:v17+s3+$0x0], $0xffff;
	_ =	sdelay $0x4  }
0x42: {  	[tilespmem:$0x6510] =	vst v1  }
0x43: {  	v1 =	vld.idx.msk [tilespmem:v18+s3+$0x0], $0xffff;
	_ =	sdelay $0x4  }
0x44: {  	[tilespmem:$0x6520] =	vst v1  }
0x45: {  	v1 =	vld.idx.msk [tilespmem:v19+s3+$0x0], $0xffff;
	_ =	sdelay $0x4  }
0x46: {  	[tilespmem:$0x6530] =	vst v1  }
0x47: {  	v1 =	vld.idx.msk [tilespmem:v20+s3+$0x0], $0xffff;
	_ =	sdelay $0x4  }
0x48: {  	[tilespmem:$0x6540] =	vst v1  }
0x49: {  	v1 =	vld.idx.msk [tilespmem:v21+s3+$0x0], $0xffff;
	_ =	sdelay $0x4  }
0x4a: {  	[tilespmem:$0x6550] =	vst v1  }
0x4b: {  	v1 =	vld.idx.msk [tilespmem:v22+s3+$0x0], $0xffff;
	_ =	sdelay $0x4  }
0x4c: {  	[tilespmem:$0x6560] =	vst v1  }
0x4d: {  	v1 =	vld.idx.msk [tilespmem:v23+s3+$0x0], $0xffff;
	_ =	sdelay $0x4  }
0x4e: {  	s16 =	simm.s32 $0x6500;
	s31 =	simm.s32 $0x8800;
	[tilespmem:$0x6570] =	vst v1  }
0x4f: {  	[tilespmem:s31], [sflag:$0x3] =	stream.indirect.gather [hbm4b:s4+s10], $0x20, s16, s10, $0xb8;
	[tilespmem:$0x12C00] =	vst v63  }
0x50: {  	v1 =	vld.idx.msk [tilespmem:v24+s3+$0x0], $0xffff;
	_ =	sdelay $0x4  }
0x51: {  	[tilespmem:$0x6580] =	vst v1  }
0x52: {  	v1 =	vld.idx.msk [tilespmem:v25+s3+$0x0], $0xffff;
	_ =	sdelay $0x4  }
0x53: {  	[tilespmem:$0x6590] =	vst v1  }
0x54: {  	v1 =	vld.idx.msk [tilespmem:v26+s3+$0x0], $0xffff;
	_ =	sdelay $0x4  }
0x55: {  	[tilespmem:$0x65A0] =	vst v1  }
0x56: {  	v1 =	vld.idx.msk [tilespmem:v27+s3+$0x0], $0xffff;
	_ =	sdelay $0x4  }
0x57: {  	[tilespmem:$0x65B0] =	vst v1  }
0x58: {  	v1 =	vld.idx.msk [tilespmem:v28+s3+$0x0], $0xffff;
	_ =	sdelay $0x4  }
0x59: {  	[tilespmem:$0x65C0] =	vst v1  }
0x5a: {  	v1 =	vld.idx.msk [tilespmem:v29+s3+$0x0], $0xffff;
	_ =	sdelay $0x4  }
0x5b: {  	[tilespmem:$0x65D0] =	vst v1  }
0x5c: {  	v1 =	vld.idx.msk [tilespmem:v30+s3+$0x0], $0xffff;
	_ =	sdelay $0x4  }
0x5d: {  	[tilespmem:$0x65E0] =	vst v1  }
0x5e: {  	v1 =	vld.idx.msk [tilespmem:v31+s3+$0x0], $0xffff;
	_ =	sdelay $0x4  }
0x5f: {  	[tilespmem:$0x65F0] =	vst v1  }
0x60: {  	[tilespmem:s18], [sflag:$0x4] =	stream.indirect.gather [hbm4b:s4+s10], $0x20, s17, s10, $0xb8;
	[tilespmem:$0x12C00] =	vst v63  }
0x61: {  	v1 =	vld.idx.msk [tilespmem:v32+s3+$0x0], $0xffff;
	_ =	sdelay $0x4  }
0x62: {  	[tilespmem:$0x6600] =	vst v1  }
0x63: {  	v1 =	vld.idx.msk [tilespmem:v33+s3+$0x0], $0xffff;
	_ =	sdelay $0x4  }
0x64: {  	[tilespmem:$0x6610] =	vst v1  }
0x65: {  	v1 =	vld.idx.msk [tilespmem:v34+s3+$0x0], $0xffff;
	_ =	sdelay $0x4  }
0x66: {  	[tilespmem:$0x6620] =	vst v1  }
0x67: {  	v1 =	vld.idx.msk [tilespmem:v35+s3+$0x0], $0xffff;
	_ =	sdelay $0x4  }
0x68: {  	[tilespmem:$0x6630] =	vst v1  }
0x69: {  	v1 =	vld.idx.msk [tilespmem:v36+s3+$0x0], $0xffff;
	_ =	sdelay $0x4  }
0x6a: {  	[tilespmem:$0x6640] =	vst v1  }
0x6b: {  	v1 =	vld.idx.msk [tilespmem:v37+s3+$0x0], $0xffff;
	_ =	sdelay $0x4  }
0x6c: {  	[tilespmem:$0x6650] =	vst v1  }
0x6d: {  	v1 =	vld.idx.msk [tilespmem:v38+s3+$0x0], $0xffff;
	_ =	sdelay $0x4  }
0x6e: {  	[tilespmem:$0x6660] =	vst v1  }
0x6f: {  	v1 =	vld.idx.msk [tilespmem:v39+s3+$0x0], $0xffff;
	_ =	sdelay $0x4  }
0x70: {  	[tilespmem:$0x6670] =	vst v1  }
0x71: {  	[tilespmem:s20], [sflag:$0x5] =	stream.indirect.gather [hbm4b:s4+s10], $0x20, s19, s10, $0xb8;
	[tilespmem:$0x12C00] =	vst v63  }
0x72: {  	v1 =	vld.idx.msk [tilespmem:v40+s3+$0x0], $0xffff;
	_ =	sdelay $0x4  }
0x73: {  	[tilespmem:$0x6680] =	vst v1  }
0x74: {  	v1 =	vld.idx.msk [tilespmem:v41+s3+$0x0], $0xffff;
	_ =	sdelay $0x4  }
0x75: {  	[tilespmem:$0x6690] =	vst v1  }
0x76: {  	v1 =	vld.idx.msk [tilespmem:v42+s3+$0x0], $0xffff;
	_ =	sdelay $0x4  }
0x77: {  	[tilespmem:$0x66A0] =	vst v1  }
0x78: {  	v1 =	vld.idx.msk [tilespmem:v43+s3+$0x0], $0xffff;
	_ =	sdelay $0x4  }
0x79: {  	[tilespmem:$0x66B0] =	vst v1  }
0x7a: {  	v1 =	vld.idx.msk [tilespmem:v44+s3+$0x0], $0xffff;
	_ =	sdelay $0x4  }
0x7b: {  	[tilespmem:$0x66C0] =	vst v1  }
0x7c: {  	v1 =	vld.idx.msk [tilespmem:v45+s3+$0x0], $0xffff;
	_ =	sdelay $0x4  }
0x7d: {  	[tilespmem:$0x66D0] =	vst v1  }
0x7e: {  	v1 =	vld.idx.msk [tilespmem:v46+s3+$0x0], $0xffff;
	_ =	sdelay $0x4  }
0x7f: {  	[tilespmem:$0x66E0] =	vst v1  }
0x80: {  	v1 =	vld.idx.msk [tilespmem:v48+s3+$0x0], $0xffff;
	_ =	sdelay $0x4  }
0x81: {  	s29 =	simm.s32 $0x0;
	s30 =	simm.s32 $0x0;
	[tilespmem:$0x66F0] =	vst v1  }
0x82: {  	[tilespmem:s22], [sflag:$0x6] =	stream.indirect.gather [hbm4b:s4+s10], $0x20, s21, s10, $0xb8;
	[tilespmem:$0x12C00] =	vst v63  }
.LBB2_2:
0x83: {  	p0 =	sgt.u32 s30, $0xC1  }
0x84: {  	s0 =	sadd.s32 @!p0 $0x6, s30  }
0x85: {  	s1 =	smul.u32 @!p0 $0x29, s0;
	_ =	sdelay $0x1  }
0x86: {  	s1 =	sshrl.u32 @!p0 s1, $0xB  }
0x87: {  	s1 =	sand.u32 @!p0 $0x1F, s1  }
0x88: {  	s11 =	smul.u32 @!p0 $0x32, s1;
	_ =	sdelay $0x1  }
0x89: {  	v1 =	vlaneseq.u32 @!p0;
	s1 =	smul.u32 @!p0 $0x1900, s1;
	s11 =	ssub.s32 @!p0 s0, s11  }
0x8a: {  	v1 =	vmul.u32 @!p0 $0x32, v1;
	s11 =	sand.u32 @!p0 $0xFF, s11  }
0x8b: {  	s1 =	sor.u32 @!p0 s11, s1  }
0x8c: {  	v2 =	vadd.s32 @!p0 s1, v1;
	_ =	sdelay $0x3  }
0x8d: {  	s11 =	simm.s32 @!p0 $0x0  }
0x8e: {  	s12 =	sadd.s32 @!p0 $0x320, s1;
	v2 =	vld.idx.msk @!p0 [tilespmem:v2+s11+$0x0], $0xffff  }
0x8f: {  	v3 =	vadd.s32 @!p0 s12, v1;
	_ =	sdelay $0x1  }
0x90: {  	s0 =	sand.u32 @!p0 $0x7, s0  }
0x91: {  	s12 =	sshll.u32 @!p0 s0, $0x7  }
0x92: {  	[tilespmem:s12+$0x6400] =	vst @!p0 v2  }
0x93: {  	s13 =	sadd.s32 @!p0 $0x640, s1;
	v2 =	vld.idx.msk @!p0 [tilespmem:v3+s11+$0x0], $0xffff  }
0x94: {  	v3 =	vadd.s32 @!p0 s13, v1;
	_ =	sdelay $0x3  }
0x95: {  	[tilespmem:s12+$0x6410] =	vst @!p0 v2  }
0x96: {  	s13 =	sadd.s32 @!p0 $0x960, s1;
	v2 =	vld.idx.msk @!p0 [tilespmem:v3+s11+$0x0], $0xffff  }
0x97: {  	v3 =	vadd.s32 @!p0 s13, v1;
	_ =	sdelay $0x3  }
0x98: {  	[tilespmem:s12+$0x6420] =	vst @!p0 v2  }
0x99: {  	s13 =	sadd.s32 @!p0 $0xC80, s1;
	v2 =	vld.idx.msk @!p0 [tilespmem:v3+s11+$0x0], $0xffff  }
0x9a: {  	v3 =	vadd.s32 @!p0 s13, v1;
	_ =	sdelay $0x3  }
0x9b: {  	[tilespmem:s12+$0x6430] =	vst @!p0 v2  }
0x9c: {  	s13 =	sadd.s32 @!p0 $0xFA0, s1;
	v2 =	vld.idx.msk @!p0 [tilespmem:v3+s11+$0x0], $0xffff  }
0x9d: {  	v3 =	vadd.s32 @!p0 s13, v1;
	_ =	sdelay $0x3  }
0x9e: {  	[tilespmem:s12+$0x6440] =	vst @!p0 v2  }
0x9f: {  	s13 =	sadd.s32 @!p0 $0x12C0, s1;
	v2 =	vld.idx.msk @!p0 [tilespmem:v3+s11+$0x0], $0xffff  }
0xa0: {  	v3 =	vadd.s32 @!p0 s13, v1;
	_ =	sdelay $0x3  }
0xa1: {  	[tilespmem:s12+$0x6450] =	vst @!p0 v2  }
0xa2: {  	s1 =	sadd.s32 @!p0 $0x15E0, s1;
	v2 =	vld.idx.msk @!p0 [tilespmem:v3+s11+$0x0], $0xffff  }
0xa3: {  	v1 =	vadd.s32 @!p0 s1, v1;
	_ =	sdelay $0x3  }
0xa4: {  	[tilespmem:s12+$0x6460] =	vst @!p0 v2  }
0xa5: {  	v1 =	vld.idx.msk @!p0 [tilespmem:v1+s11+$0x0], $0xffff;
	_ =	sdelay $0x2  }
0xa6: {  	s14 =	sand.u32 $0x7, s30  }
0xa7: {  	s15 =	sadd.s32 $0x1, s14;
	s13 =	sshll.u32 @!p0 s0, $0xC;
	s0 =	sadd.s32 @!p0 $0x1, s0  }
0xa8: {  	s11 =	sor.u32 @!p0 $0x6400, s12;
	[tilespmem:s12+$0x6470] =	vst @!p0 v1;
	s12 =	sadd.s32 @!p0 $0x6800, s13;
	s13 =	simm.s32 @!p0 $0x80  }
0xa9: {  	[tilespmem:s12], [sflag:s0] =	stream.indirect.gather @!p0 [hbm4b:s4+s13], $0x20, s11, s13, $0xb8;
	[tilespmem:$0x12C00] =	vst v63  }
0xaa: {  	_ =	swait.ge [sflag:s15], $0x1000  }
0xab: {  	s1 =	sand.u32 $0x3, s30;
	p0 =	slt.u32 s30, $0x4;
	[sflag:s15] =	ssyncset.done $0x0  }
0xac: {  	s0 =	sadd.s32 @!p0 $0x9, s1;
	[sflag:s15] =	ssyncadd.s32 $0xFFFFF000  }
0xad: {  	_ =	swait.ge @!p0 [sflag:s0], $0x400  }
0xae: {  	[sflag:s0] =	ssyncset.done @!p0 $0x0  }
0xaf: {  	[sflag:s0] =	ssyncadd.s32 @!p0 $0xFFFFFC00  }
0xb0: {  	_ =	swait.ge @!p0 [sflag:s0], $0x400  }
0xb1: {  	[sflag:s0] =	ssyncset.done @!p0 $0x0  }
0xb2: {  	[sflag:s0] =	ssyncadd.s32 @!p0 $0xFFFFFC00  }
0xb3: {  	_ =	swait.ge @!p0 [sflag:s0], $0x400  }
0xb4: {  	s16 =	simm.s32 $0x0;
	[sflag:s0] =	ssyncset.done @!p0 $0x0  }
0xb5: {  	v1 =	vmov s16;
	[sflag:s0] =	ssyncadd.s32 @!p0 $0xFFFFFC00  }
0xb6: {  	s12 =	sand.u32 $0x7, s29;
	v1 =	vshrl.u32 v1, $0x3;
	_ =	swait.ge @!p0 [sflag:s0], $0x400  }
0xb7: {  	s11 =	sshll.u32 s12, $0xC;
	v1 =	vshll.u32 v1, v49;
	[sflag:s0] =	ssyncset.done @!p0 $0x0  }
0xb8: {  	s11 =	sadd.s32 $0x6900, s11;
	v1 =	vbroadcast v1, $0x0;
	[sflag:s0] =	ssyncadd.s32 @!p0 $0xFFFFFC00  }
0xb9: {  	v2 =	vld [tilespmem:s11+$0xFFFFFF00]  }
0xba: {  	v3 =	vadd.s32 v47, v1  }
0xbb: {  	s13 =	smul.u32 $0x4400, s1;
	_ =	sdelay $0x1  }
0xbc: {  	s31 =	sshrl.u32 s13, $0x2  }
0xbd: {  	s0 =	sadd.s32 $0xE800, s31;
	v2 =	vmax.f32 v2, $0.0e+00  }
0xbe: {  	[tilespmem:v3+s0+$0x0] =	vst.idx.msk $0xffff, v2  }
0xbf: {  	v2 =	vld [tilespmem:s11+$0xFFFFFF10]  }
0xc0: {  	v1 =	vadd.s32 v50, v1  }
0xc1: {  	s14 =	simm.s32 $0x1  }
0xc2: {  	v3 =	vmov s14  }
0xc3: {  	v3 =	vshrl.u32 v3, $0x3  }
0xc4: {  	v3 =	vshll.u32 v3, v49;
	v2 =	vmax.f32 v2, $0.0e+00  }
0xc5: {  	[tilespmem:v1+s0+$0x0] =	vst.idx.msk $0xffff, v2;
	v1 =	vbroadcast v3, $0x0  }
0xc6: {  	v2 =	vld [tilespmem:s11+$0xFFFFFF20]  }
0xc7: {  	v3 =	vadd.s32 v51, v1;
	_ =	sdelay $0x3  }
0xc8: {  	v2 =	vmax.f32 v2, $0.0e+00  }
0xc9: {  	[tilespmem:v3+s0+$0x0] =	vst.idx.msk $0xffff, v2  }
0xca: {  	v2 =	vld [tilespmem:s11+$0xFFFFFF30]  }
0xcb: {  	v1 =	vadd.s32 v52, v1  }
0xcc: {  	s15 =	simm.s32 $0x2  }
0xcd: {  	v3 =	vmov s15  }
0xce: {  	v3 =	vshrl.u32 v3, $0x3  }
0xcf: {  	v3 =	vshll.u32 v3, v49;
	v2 =	vmax.f32 v2, $0.0e+00  }
0xd0: {  	[tilespmem:v1+s0+$0x0] =	vst.idx.msk $0xffff, v2;
	v1 =	vbroadcast v3, $0x0  }
0xd1: {  	v2 =	vld [tilespmem:s11+$0xFFFFFF40]  }
0xd2: {  	v3 =	vadd.s32 v53, v1;
	_ =	sdelay $0x3  }
0xd3: {  	v2 =	vmax.f32 v2, $0.0e+00  }
0xd4: {  	[tilespmem:v3+s0+$0x0] =	vst.idx.msk $0xffff, v2  }
0xd5: {  	v2 =	vld [tilespmem:s11+$0xFFFFFF50]  }
0xd6: {  	v1 =	vadd.s32 v54, v1  }
0xd7: {  	s16 =	simm.s32 $0x3  }
0xd8: {  	v3 =	vmov s16  }
0xd9: {  	v3 =	vshrl.u32 v3, $0x3  }
0xda: {  	v3 =	vshll.u32 v3, v49;
	v2 =	vmax.f32 v2, $0.0e+00  }
0xdb: {  	[tilespmem:v1+s0+$0x0] =	vst.idx.msk $0xffff, v2;
	v1 =	vbroadcast v3, $0x0  }
0xdc: {  	v2 =	vld [tilespmem:s11+$0xFFFFFF60]  }
0xdd: {  	v3 =	vadd.s32 v55, v1;
	_ =	sdelay $0x3  }
0xde: {  	v2 =	vmax.f32 v2, $0.0e+00  }
0xdf: {  	[tilespmem:v3+s0+$0x0] =	vst.idx.msk $0xffff, v2  }
0xe0: {  	v2 =	vld [tilespmem:s11+$0xFFFFFF70]  }
0xe1: {  	v1 =	vadd.s32 v56, v1  }
0xe2: {  	s13 =	simm.s32 $0x4  }
0xe3: {  	v3 =	vmov s13  }
0xe4: {  	v3 =	vshrl.u32 v3, $0x3  }
0xe5: {  	v3 =	vshll.u32 v3, v49;
	v2 =	vmax.f32 v2, $0.0e+00  }
0xe6: {  	[tilespmem:v1+s0+$0x0] =	vst.idx.msk $0xffff, v2;
	v1 =	vbroadcast v3, $0x0  }
0xe7: {  	v2 =	vld [tilespmem:s11+$0xFFFFFF80]  }
0xe8: {  	v3 =	vadd.s32 v57, v1;
	_ =	sdelay $0x3  }
0xe9: {  	v2 =	vmax.f32 v2, $0.0e+00  }
0xea: {  	[tilespmem:v3+s0+$0x0] =	vst.idx.msk $0xffff, v2  }
0xeb: {  	v2 =	vld [tilespmem:s11+$0xFFFFFF90]  }
0xec: {  	v1 =	vadd.s32 v58, v1  }
0xed: {  	s14 =	simm.s32 $0x5  }
0xee: {  	v3 =	vmov s14  }
0xef: {  	v3 =	vshrl.u32 v3, $0x3  }
0xf0: {  	v3 =	vshll.u32 v3, v49;
	v2 =	vmax.f32 v2, $0.0e+00  }
0xf1: {  	[tilespmem:v1+s0+$0x0] =	vst.idx.msk $0xffff, v2;
	v1 =	vbroadcast v3, $0x0  }
0xf2: {  	v2 =	vld [tilespmem:s11+$0xFFFFFFA0]  }
0xf3: {  	v3 =	vadd.s32 v59, v1;
	_ =	sdelay $0x3  }
0xf4: {  	v2 =	vmax.f32 v2, $0.0e+00  }
0xf5: {  	[tilespmem:v3+s0+$0x0] =	vst.idx.msk $0xffff, v2  }
0xf6: {  	v2 =	vld [tilespmem:s11+$0xFFFFFFB0]  }
0xf7: {  	v1 =	vadd.s32 v60, v1  }
0xf8: {  	s15 =	simm.s32 $0x6  }
0xf9: {  	v3 =	vmov s15  }
0xfa: {  	v3 =	vshrl.u32 v3, $0x3  }
0xfb: {  	v3 =	vshll.u32 v3, v49;
	v2 =	vmax.f32 v2, $0.0e+00  }
0xfc: {  	[tilespmem:v1+s0+$0x0] =	vst.idx.msk $0xffff, v2;
	v1 =	vbroadcast v3, $0x0  }
0xfd: {  	v2 =	vld [tilespmem:s11+$0xFFFFFFC0]  }
0xfe: {  	v3 =	vadd.s32 v61, v1;
	_ =	sdelay $0x3  }
0xff: {  	v2 =	vmax.f32 v2, $0.0e+00  }
0x100: {  	[tilespmem:v3+s0+$0x0] =	vst.idx.msk $0xffff, v2  }
0x101: {  	v2 =	vld [tilespmem:s11+$0xFFFFFFD0]  }
0x102: {  	v1 =	vadd.s32 v62, v1  }
0x103: {  	s16 =	simm.s32 $0x7  }
0x104: {  	v3 =	vmov s16  }
0x105: {  	v3 =	vshrl.u32 v3, $0x3  }
0x106: {  	v3 =	vshll.u32 v3, v49;
	v2 =	vmax.f32 v2, $0.0e+00  }
0x107: {  	[tilespmem:v1+s0+$0x0] =	vst.idx.msk $0xffff, v2;
	v2 =	vbroadcast v3, $0x0  }
0x108: {  	v1 =	vld [tilespmem:s11+$0xFFFFFFE0]  }
0x109: {  	v3 =	vadd.s32 v63, v2;
	_ =	sdelay $0x3  }
0x10a: {  	v1 =	vmax.f32 v1, $0.0e+00  }
0x10b: {  	[tilespmem:v3+s0+$0x0] =	vst.idx.msk $0xffff, v1  }
0x10c: {  	v1 =	vadd.s32 $0x887, v47;
	v3 =	vld [tilespmem:s11+$0xFFFFFFF0]  }
0x10d: {  	v2 =	vadd.s32 v1, v2  }
0x10e: {  	s13 =	simm.s32 $0x8  }
0x10f: {  	v4 =	vmov s13  }
0x110: {  	v4 =	vshrl.u32 v4, $0x3  }
0x111: {  	v4 =	vshll.u32 v4, v49;
	v3 =	vmax.f32 v3, $0.0e+00  }
0x112: {  	[tilespmem:v2+s0+$0x0] =	vst.idx.msk $0xffff, v3;
	v2 =	vbroadcast v4, $0x0  }
0x113: {  	v3 =	vld [tilespmem:s11+$0x0]  }
0x114: {  	v4 =	vadd.s32 v47, v2;
	_ =	sdelay $0x3  }
0x115: {  	v3 =	vmax.f32 v3, $0.0e+00  }
0x116: {  	[tilespmem:v4+s0+$0x0] =	vst.idx.msk $0xffff, v3  }
0x117: {  	v3 =	vld [tilespmem:s11+$0x10]  }
0x118: {  	v2 =	vadd.s32 v50, v2  }
0x119: {  	s14 =	simm.s32 $0x9  }
0x11a: {  	v4 =	vmov s14  }
0x11b: {  	v4 =	vshrl.u32 v4, $0x3  }
0x11c: {  	v4 =	vshll.u32 v4, v49;
	v3 =	vmax.f32 v3, $0.0e+00  }
0x11d: {  	[tilespmem:v2+s0+$0x0] =	vst.idx.msk $0xffff, v3;
	v2 =	vbroadcast v4, $0x0  }
0x11e: {  	v3 =	vld [tilespmem:s11+$0x20]  }
0x11f: {  	v4 =	vadd.s32 v51, v2;
	_ =	sdelay $0x3  }
0x120: {  	v3 =	vmax.f32 v3, $0.0e+00  }
0x121: {  	[tilespmem:v4+s0+$0x0] =	vst.idx.msk $0xffff, v3  }
0x122: {  	v3 =	vld [tilespmem:s11+$0x30]  }
0x123: {  	v2 =	vadd.s32 v52, v2  }
0x124: {  	s15 =	simm.s32 $0xA  }
0x125: {  	v4 =	vmov s15  }
0x126: {  	v4 =	vshrl.u32 v4, $0x3  }
0x127: {  	v4 =	vshll.u32 v4, v49;
	v3 =	vmax.f32 v3, $0.0e+00  }
0x128: {  	[tilespmem:v2+s0+$0x0] =	vst.idx.msk $0xffff, v3;
	v2 =	vbroadcast v4, $0x0  }
0x129: {  	v3 =	vld [tilespmem:s11+$0x40]  }
0x12a: {  	v4 =	vadd.s32 v53, v2;
	_ =	sdelay $0x3  }
0x12b: {  	v3 =	vmax.f32 v3, $0.0e+00  }
0x12c: {  	[tilespmem:v4+s0+$0x0] =	vst.idx.msk $0xffff, v3  }
0x12d: {  	v3 =	vld [tilespmem:s11+$0x50]  }
0x12e: {  	v2 =	vadd.s32 v54, v2  }
0x12f: {  	s16 =	simm.s32 $0xB  }
0x130: {  	v4 =	vmov s16  }
0x131: {  	v4 =	vshrl.u32 v4, $0x3  }
0x132: {  	v4 =	vshll.u32 v4, v49;
	v3 =	vmax.f32 v3, $0.0e+00  }
0x133: {  	[tilespmem:v2+s0+$0x0] =	vst.idx.msk $0xffff, v3;
	v2 =	vbroadcast v4, $0x0  }
0x134: {  	v3 =	vld [tilespmem:s11+$0x60]  }
0x135: {  	v4 =	vadd.s32 v55, v2;
	_ =	sdelay $0x3  }
0x136: {  	v3 =	vmax.f32 v3, $0.0e+00  }
0x137: {  	[tilespmem:v4+s0+$0x0] =	vst.idx.msk $0xffff, v3  }
0x138: {  	v3 =	vld [tilespmem:s11+$0x70]  }
0x139: {  	v2 =	vadd.s32 v56, v2  }
0x13a: {  	s13 =	simm.s32 $0xC  }
0x13b: {  	v4 =	vmov s13  }
0x13c: {  	v4 =	vshrl.u32 v4, $0x3  }
0x13d: {  	v4 =	vshll.u32 v4, v49;
	v3 =	vmax.f32 v3, $0.0e+00  }
0x13e: {  	[tilespmem:v2+s0+$0x0] =	vst.idx.msk $0xffff, v3;
	v2 =	vbroadcast v4, $0x0  }
0x13f: {  	v3 =	vld [tilespmem:s11+$0x80]  }
0x140: {  	v4 =	vadd.s32 v57, v2;
	_ =	sdelay $0x3  }
0x141: {  	v3 =	vmax.f32 v3, $0.0e+00  }
0x142: {  	[tilespmem:v4+s0+$0x0] =	vst.idx.msk $0xffff, v3  }
0x143: {  	v3 =	vld [tilespmem:s11+$0x90]  }
0x144: {  	v2 =	vadd.s32 v58, v2  }
0x145: {  	s14 =	simm.s32 $0xD  }
0x146: {  	v4 =	vmov s14  }
0x147: {  	v4 =	vshrl.u32 v4, $0x3  }
0x148: {  	v4 =	vshll.u32 v4, v49;
	v3 =	vmax.f32 v3, $0.0e+00  }
0x149: {  	[tilespmem:v2+s0+$0x0] =	vst.idx.msk $0xffff, v3;
	v2 =	vbroadcast v4, $0x0  }
0x14a: {  	v3 =	vld [tilespmem:s11+$0xA0]  }
0x14b: {  	v4 =	vadd.s32 v59, v2;
	_ =	sdelay $0x3  }
0x14c: {  	v3 =	vmax.f32 v3, $0.0e+00  }
0x14d: {  	[tilespmem:v4+s0+$0x0] =	vst.idx.msk $0xffff, v3  }
0x14e: {  	v3 =	vld [tilespmem:s11+$0xB0]  }
0x14f: {  	v2 =	vadd.s32 v60, v2  }
0x150: {  	s15 =	simm.s32 $0xE  }
0x151: {  	v4 =	vmov s15  }
0x152: {  	v4 =	vshrl.u32 v4, $0x3  }
0x153: {  	v4 =	vshll.u32 v4, v49;
	v3 =	vmax.f32 v3, $0.0e+00  }
0x154: {  	[tilespmem:v2+s0+$0x0] =	vst.idx.msk $0xffff, v3;
	v2 =	vbroadcast v4, $0x0  }
0x155: {  	v3 =	vld [tilespmem:s11+$0xC0]  }
0x156: {  	v4 =	vadd.s32 v61, v2;
	_ =	sdelay $0x3  }
0x157: {  	v3 =	vmax.f32 v3, $0.0e+00  }
0x158: {  	[tilespmem:v4+s0+$0x0] =	vst.idx.msk $0xffff, v3  }
0x159: {  	v3 =	vld [tilespmem:s11+$0xD0]  }
0x15a: {  	v2 =	vadd.s32 v62, v2  }
0x15b: {  	s16 =	simm.s32 $0xF  }
0x15c: {  	v4 =	vmov s16  }
0x15d: {  	v4 =	vshrl.u32 v4, $0x3  }
0x15e: {  	v4 =	vshll.u32 v4, v49;
	v3 =	vmax.f32 v3, $0.0e+00  }
0x15f: {  	[tilespmem:v2+s0+$0x0] =	vst.idx.msk $0xffff, v3;
	v2 =	vbroadcast v4, $0x0  }
0x160: {  	v3 =	vld [tilespmem:s11+$0xE0]  }
0x161: {  	v4 =	vadd.s32 v63, v2;
	_ =	sdelay $0x3  }
0x162: {  	v3 =	vmax.f32 v3, $0.0e+00  }
0x163: {  	[tilespmem:v4+s0+$0x0] =	vst.idx.msk $0xffff, v3  }
0x164: {  	v4 =	vld [tilespmem:s11+$0xF0];
	_ =	sdelay $0x1  }
0x165: {  	s12 =	simm.s32 $0x10;
	v2 =	vadd.s32 v1, v2  }
0x166: {  	v3 =	vmov s12  }
0x167: {  	v3 =	vshrl.u32 v3, $0x3  }
0x168: {  	s13 =	simm.s32 $0x20;
	v3 =	vshll.u32 v3, v49;
	v4 =	vmax.f32 v4, $0.0e+00  }
.LBB2_3:
0x169: {  	p0 =	slt.u32 s13, $0x70  }
0x16a: {  	v3 =	vbroadcast v3, $0x0;
	[tilespmem:v2+s0+$0x0] =	vst.idx.msk $0xffff, v4;
	s11 =	sadd.s32 $0x200, s11;
	s14 =	smov.u32 s13;
	s13 =	sadd.s32 $0x10, s13  }
0x16b: {  	v2 =	vld [tilespmem:s11+$0xFFFFFF00]  }
0x16c: {  	v4 =	vadd.s32 v47, v3;
	_ =	sdelay $0x3  }
0x16d: {  	v2 =	vmax.f32 v2, $0.0e+00  }
0x16e: {  	[tilespmem:v4+s0+$0x0] =	vst.idx.msk $0xffff, v2  }
0x16f: {  	v2 =	vld [tilespmem:s11+$0xFFFFFF10]  }
0x170: {  	v3 =	vadd.s32 v50, v3  }
0x171: {  	s15 =	sadd.s32 $0x1, s12  }
0x172: {  	v4 =	vmov s15  }
0x173: {  	v4 =	vshrl.u32 v4, $0x3  }
0x174: {  	v4 =	vshll.u32 v4, v49;
	v2 =	vmax.f32 v2, $0.0e+00  }
0x175: {  	[tilespmem:v3+s0+$0x0] =	vst.idx.msk $0xffff, v2;
	v2 =	vbroadcast v4, $0x0  }
0x176: {  	v3 =	vld [tilespmem:s11+$0xFFFFFF20]  }
0x177: {  	v4 =	vadd.s32 v51, v2;
	_ =	sdelay $0x3  }
0x178: {  	v3 =	vmax.f32 v3, $0.0e+00  }
0x179: {  	[tilespmem:v4+s0+$0x0] =	vst.idx.msk $0xffff, v3  }
0x17a: {  	v3 =	vld [tilespmem:s11+$0xFFFFFF30]  }
0x17b: {  	v2 =	vadd.s32 v52, v2  }
0x17c: {  	s15 =	sadd.s32 $0x2, s12  }
0x17d: {  	v4 =	vmov s15  }
0x17e: {  	v4 =	vshrl.u32 v4, $0x3  }
0x17f: {  	v4 =	vshll.u32 v4, v49;
	v3 =	vmax.f32 v3, $0.0e+00  }
0x180: {  	[tilespmem:v2+s0+$0x0] =	vst.idx.msk $0xffff, v3;
	v2 =	vbroadcast v4, $0x0  }
0x181: {  	v3 =	vld [tilespmem:s11+$0xFFFFFF40]  }
0x182: {  	v4 =	vadd.s32 v53, v2;
	_ =	sdelay $0x3  }
0x183: {  	v3 =	vmax.f32 v3, $0.0e+00  }
0x184: {  	[tilespmem:v4+s0+$0x0] =	vst.idx.msk $0xffff, v3  }
0x185: {  	v3 =	vld [tilespmem:s11+$0xFFFFFF50]  }
0x186: {  	v2 =	vadd.s32 v54, v2  }
0x187: {  	s15 =	sadd.s32 $0x3, s12  }
0x188: {  	v4 =	vmov s15  }
0x189: {  	v4 =	vshrl.u32 v4, $0x3  }
0x18a: {  	v4 =	vshll.u32 v4, v49;
	v3 =	vmax.f32 v3, $0.0e+00  }
0x18b: {  	[tilespmem:v2+s0+$0x0] =	vst.idx.msk $0xffff, v3;
	v2 =	vbroadcast v4, $0x0  }
0x18c: {  	v3 =	vld [tilespmem:s11+$0xFFFFFF60]  }
0x18d: {  	v4 =	vadd.s32 v55, v2;
	_ =	sdelay $0x3  }
0x18e: {  	v3 =	vmax.f32 v3, $0.0e+00  }
0x18f: {  	[tilespmem:v4+s0+$0x0] =	vst.idx.msk $0xffff, v3  }
0x190: {  	v3 =	vld [tilespmem:s11+$0xFFFFFF70]  }
0x191: {  	v2 =	vadd.s32 v56, v2  }
0x192: {  	s15 =	sadd.s32 $0x4, s12  }
0x193: {  	v4 =	vmov s15  }
0x194: {  	v4 =	vshrl.u32 v4, $0x3  }
0x195: {  	v4 =	vshll.u32 v4, v49;
	v3 =	vmax.f32 v3, $0.0e+00  }
0x196: {  	[tilespmem:v2+s0+$0x0] =	vst.idx.msk $0xffff, v3;
	v2 =	vbroadcast v4, $0x0  }
0x197: {  	v3 =	vld [tilespmem:s11+$0xFFFFFF80]  }
0x198: {  	v4 =	vadd.s32 v57, v2;
	_ =	sdelay $0x3  }
0x199: {  	v3 =	vmax.f32 v3, $0.0e+00  }
0x19a: {  	[tilespmem:v4+s0+$0x0] =	vst.idx.msk $0xffff, v3  }
0x19b: {  	v3 =	vld [tilespmem:s11+$0xFFFFFF90]  }
0x19c: {  	v2 =	vadd.s32 v58, v2  }
0x19d: {  	s15 =	sadd.s32 $0x5, s12  }
0x19e: {  	v4 =	vmov s15  }
0x19f: {  	v4 =	vshrl.u32 v4, $0x3  }
0x1a0: {  	v4 =	vshll.u32 v4, v49;
	v3 =	vmax.f32 v3, $0.0e+00  }
0x1a1: {  	[tilespmem:v2+s0+$0x0] =	vst.idx.msk $0xffff, v3;
	v2 =	vbroadcast v4, $0x0  }
0x1a2: {  	v3 =	vld [tilespmem:s11+$0xFFFFFFA0]  }
0x1a3: {  	v4 =	vadd.s32 v59, v2;
	_ =	sdelay $0x3  }
0x1a4: {  	v3 =	vmax.f32 v3, $0.0e+00  }
0x1a5: {  	[tilespmem:v4+s0+$0x0] =	vst.idx.msk $0xffff, v3  }
0x1a6: {  	v3 =	vld [tilespmem:s11+$0xFFFFFFB0]  }
0x1a7: {  	v2 =	vadd.s32 v60, v2  }
0x1a8: {  	s15 =	sadd.s32 $0x6, s12  }
0x1a9: {  	v4 =	vmov s15  }
0x1aa: {  	v4 =	vshrl.u32 v4, $0x3  }
0x1ab: {  	v4 =	vshll.u32 v4, v49;
	v3 =	vmax.f32 v3, $0.0e+00  }
0x1ac: {  	[tilespmem:v2+s0+$0x0] =	vst.idx.msk $0xffff, v3;
	v2 =	vbroadcast v4, $0x0  }
0x1ad: {  	v3 =	vld [tilespmem:s11+$0xFFFFFFC0]  }
0x1ae: {  	v4 =	vadd.s32 v61, v2;
	_ =	sdelay $0x3  }
0x1af: {  	v3 =	vmax.f32 v3, $0.0e+00  }
0x1b0: {  	[tilespmem:v4+s0+$0x0] =	vst.idx.msk $0xffff, v3  }
0x1b1: {  	v3 =	vld [tilespmem:s11+$0xFFFFFFD0]  }
0x1b2: {  	v2 =	vadd.s32 v62, v2  }
0x1b3: {  	s15 =	sadd.s32 $0x7, s12  }
0x1b4: {  	v4 =	vmov s15  }
0x1b5: {  	v4 =	vshrl.u32 v4, $0x3  }
0x1b6: {  	v4 =	vshll.u32 v4, v49;
	v3 =	vmax.f32 v3, $0.0e+00  }
0x1b7: {  	[tilespmem:v2+s0+$0x0] =	vst.idx.msk $0xffff, v3;
	v2 =	vbroadcast v4, $0x0  }
0x1b8: {  	v3 =	vld [tilespmem:s11+$0xFFFFFFE0]  }
0x1b9: {  	v4 =	vadd.s32 v63, v2;
	_ =	sdelay $0x3  }
0x1ba: {  	v3 =	vmax.f32 v3, $0.0e+00  }
0x1bb: {  	[tilespmem:v4+s0+$0x0] =	vst.idx.msk $0xffff, v3  }
0x1bc: {  	v3 =	vld [tilespmem:s11+$0xFFFFFFF0]  }
0x1bd: {  	v2 =	vadd.s32 v1, v2  }
0x1be: {  	s15 =	sadd.s32 $0x8, s12  }
0x1bf: {  	v4 =	vmov s15  }
0x1c0: {  	v4 =	vshrl.u32 v4, $0x3  }
0x1c1: {  	v4 =	vshll.u32 v4, v49;
	v3 =	vmax.f32 v3, $0.0e+00  }
0x1c2: {  	[tilespmem:v2+s0+$0x0] =	vst.idx.msk $0xffff, v3;
	v2 =	vbroadcast v4, $0x0  }
0x1c3: {  	v3 =	vld [tilespmem:s11+$0x0]  }
0x1c4: {  	v4 =	vadd.s32 v47, v2;
	_ =	sdelay $0x3  }
0x1c5: {  	v3 =	vmax.f32 v3, $0.0e+00  }
0x1c6: {  	[tilespmem:v4+s0+$0x0] =	vst.idx.msk $0xffff, v3  }
0x1c7: {  	v3 =	vld [tilespmem:s11+$0x10]  }
0x1c8: {  	v2 =	vadd.s32 v50, v2  }
0x1c9: {  	s15 =	sadd.s32 $0x9, s12  }
0x1ca: {  	v4 =	vmov s15  }
0x1cb: {  	v4 =	vshrl.u32 v4, $0x3  }
0x1cc: {  	v4 =	vshll.u32 v4, v49;
	v3 =	vmax.f32 v3, $0.0e+00  }
0x1cd: {  	[tilespmem:v2+s0+$0x0] =	vst.idx.msk $0xffff, v3;
	v2 =	vbroadcast v4, $0x0  }
0x1ce: {  	v3 =	vld [tilespmem:s11+$0x20]  }
0x1cf: {  	v4 =	vadd.s32 v51, v2;
	_ =	sdelay $0x3  }
0x1d0: {  	v3 =	vmax.f32 v3, $0.0e+00  }
0x1d1: {  	[tilespmem:v4+s0+$0x0] =	vst.idx.msk $0xffff, v3  }
0x1d2: {  	v3 =	vld [tilespmem:s11+$0x30]  }
0x1d3: {  	v2 =	vadd.s32 v52, v2  }
0x1d4: {  	s15 =	sadd.s32 $0xA, s12  }
0x1d5: {  	v4 =	vmov s15  }
0x1d6: {  	v4 =	vshrl.u32 v4, $0x3  }
0x1d7: {  	v4 =	vshll.u32 v4, v49;
	v3 =	vmax.f32 v3, $0.0e+00  }
0x1d8: {  	[tilespmem:v2+s0+$0x0] =	vst.idx.msk $0xffff, v3;
	v2 =	vbroadcast v4, $0x0  }
0x1d9: {  	v3 =	vld [tilespmem:s11+$0x40]  }
0x1da: {  	v4 =	vadd.s32 v53, v2;
	_ =	sdelay $0x3  }
0x1db: {  	v3 =	vmax.f32 v3, $0.0e+00  }
0x1dc: {  	[tilespmem:v4+s0+$0x0] =	vst.idx.msk $0xffff, v3  }
0x1dd: {  	v3 =	vld [tilespmem:s11+$0x50]  }
0x1de: {  	v2 =	vadd.s32 v54, v2  }
0x1df: {  	s15 =	sadd.s32 $0xB, s12  }
0x1e0: {  	v4 =	vmov s15  }
0x1e1: {  	v4 =	vshrl.u32 v4, $0x3  }
0x1e2: {  	v4 =	vshll.u32 v4, v49;
	v3 =	vmax.f32 v3, $0.0e+00  }
0x1e3: {  	[tilespmem:v2+s0+$0x0] =	vst.idx.msk $0xffff, v3;
	v2 =	vbroadcast v4, $0x0  }
0x1e4: {  	v3 =	vld [tilespmem:s11+$0x60]  }
0x1e5: {  	v4 =	vadd.s32 v55, v2;
	_ =	sdelay $0x3  }
0x1e6: {  	v3 =	vmax.f32 v3, $0.0e+00  }
0x1e7: {  	[tilespmem:v4+s0+$0x0] =	vst.idx.msk $0xffff, v3  }
0x1e8: {  	v3 =	vld [tilespmem:s11+$0x70]  }
0x1e9: {  	v2 =	vadd.s32 v56, v2  }
0x1ea: {  	s15 =	sadd.s32 $0xC, s12  }
0x1eb: {  	v4 =	vmov s15  }
0x1ec: {  	v4 =	vshrl.u32 v4, $0x3  }
0x1ed: {  	v4 =	vshll.u32 v4, v49;
	v3 =	vmax.f32 v3, $0.0e+00  }
0x1ee: {  	[tilespmem:v2+s0+$0x0] =	vst.idx.msk $0xffff, v3;
	v2 =	vbroadcast v4, $0x0  }
0x1ef: {  	v3 =	vld [tilespmem:s11+$0x80]  }
0x1f0: {  	v4 =	vadd.s32 v57, v2;
	_ =	sdelay $0x3  }
0x1f1: {  	v3 =	vmax.f32 v3, $0.0e+00  }
0x1f2: {  	[tilespmem:v4+s0+$0x0] =	vst.idx.msk $0xffff, v3  }
0x1f3: {  	v3 =	vld [tilespmem:s11+$0x90]  }
0x1f4: {  	v2 =	vadd.s32 v58, v2  }
0x1f5: {  	s15 =	sadd.s32 $0xD, s12  }
0x1f6: {  	v4 =	vmov s15  }
0x1f7: {  	v4 =	vshrl.u32 v4, $0x3  }
0x1f8: {  	v4 =	vshll.u32 v4, v49;
	v3 =	vmax.f32 v3, $0.0e+00  }
0x1f9: {  	[tilespmem:v2+s0+$0x0] =	vst.idx.msk $0xffff, v3;
	v2 =	vbroadcast v4, $0x0  }
0x1fa: {  	v3 =	vld [tilespmem:s11+$0xA0]  }
0x1fb: {  	v4 =	vadd.s32 v59, v2;
	_ =	sdelay $0x3  }
0x1fc: {  	v3 =	vmax.f32 v3, $0.0e+00  }
0x1fd: {  	[tilespmem:v4+s0+$0x0] =	vst.idx.msk $0xffff, v3  }
0x1fe: {  	v3 =	vld [tilespmem:s11+$0xB0]  }
0x1ff: {  	v2 =	vadd.s32 v60, v2  }
0x200: {  	s15 =	sadd.s32 $0xE, s12  }
0x201: {  	v4 =	vmov s15  }
0x202: {  	v4 =	vshrl.u32 v4, $0x3  }
0x203: {  	v4 =	vshll.u32 v4, v49;
	v3 =	vmax.f32 v3, $0.0e+00  }
0x204: {  	[tilespmem:v2+s0+$0x0] =	vst.idx.msk $0xffff, v3;
	v2 =	vbroadcast v4, $0x0  }
0x205: {  	v3 =	vld [tilespmem:s11+$0xC0]  }
0x206: {  	v4 =	vadd.s32 v61, v2;
	_ =	sdelay $0x3  }
0x207: {  	v3 =	vmax.f32 v3, $0.0e+00  }
0x208: {  	[tilespmem:v4+s0+$0x0] =	vst.idx.msk $0xffff, v3  }
0x209: {  	v3 =	vld [tilespmem:s11+$0xD0]  }
0x20a: {  	v2 =	vadd.s32 v62, v2  }
0x20b: {  	s15 =	sadd.s32 $0xF, s12;
	s12 =	smov.u32 s14  }
0x20c: {  	v4 =	vmov s15  }
0x20d: {  	v4 =	vshrl.u32 v4, $0x3  }
0x20e: {  	v4 =	vshll.u32 v4, v49;
	v3 =	vmax.f32 v3, $0.0e+00  }
0x20f: {  	[tilespmem:v2+s0+$0x0] =	vst.idx.msk $0xffff, v3;
	v2 =	vbroadcast v4, $0x0  }
0x210: {  	v3 =	vld [tilespmem:s11+$0xE0]  }
0x211: {  	v4 =	vadd.s32 v63, v2;
	_ =	sdelay $0x3  }
0x212: {  	v3 =	vmax.f32 v3, $0.0e+00  }
0x213: {  	[tilespmem:v4+s0+$0x0] =	vst.idx.msk $0xffff, v3  }
0x214: {  	v4 =	vld [tilespmem:s11+$0xF0]  }
.Ltmp0:
0x215: {  	v2 =	vadd.s32 v1, v2;
	(pc) =	sbr.rel @p0 .LBB2_3-.Ltmp0, $4  }
0x216: {  	_ = 	snop  }
0x217: {  	v3 =	vmov s12  }
0x218: {  	v3 =	vshrl.u32 v3, $0x3  }
0x219: {  	v3 =	vshll.u32 v3, v49;
	v4 =	vmax.f32 v4, $0.0e+00  }
0x21a: {  	_ =	sdelay $0x3  }
0x21b: {  	v3 =	vbroadcast v3, $0x0;
	[tilespmem:v2+s0+$0x0] =	vst.idx.msk $0xffff, v4;
	s11 =	sadd.s32 $0x200, s11  }
0x21c: {  	v2 =	vld [tilespmem:s11+$0xFFFFFF00]  }
0x21d: {  	v4 =	vadd.s32 v47, v3;
	_ =	sdelay $0x3  }
0x21e: {  	v2 =	vmax.f32 v2, $0.0e+00  }
0x21f: {  	[tilespmem:v4+s0+$0x0] =	vst.idx.msk $0xffff, v2  }
0x220: {  	v2 =	vld [tilespmem:s11+$0xFFFFFF10]  }
0x221: {  	v3 =	vadd.s32 v50, v3  }
0x222: {  	s13 =	sadd.s32 $0x1, s12  }
0x223: {  	v4 =	vmov s13  }
0x224: {  	v4 =	vshrl.u32 v4, $0x3  }
0x225: {  	v4 =	vshll.u32 v4, v49;
	v2 =	vmax.f32 v2, $0.0e+00  }
0x226: {  	[tilespmem:v3+s0+$0x0] =	vst.idx.msk $0xffff, v2;
	v2 =	vbroadcast v4, $0x0  }
0x227: {  	v3 =	vld [tilespmem:s11+$0xFFFFFF20]  }
0x228: {  	v4 =	vadd.s32 v51, v2;
	_ =	sdelay $0x3  }
0x229: {  	v3 =	vmax.f32 v3, $0.0e+00  }
0x22a: {  	[tilespmem:v4+s0+$0x0] =	vst.idx.msk $0xffff, v3  }
0x22b: {  	v3 =	vld [tilespmem:s11+$0xFFFFFF30]  }
0x22c: {  	v2 =	vadd.s32 v52, v2  }
0x22d: {  	s16 =	sadd.s32 $0x2, s12  }
0x22e: {  	v4 =	vmov s16  }
0x22f: {  	v4 =	vshrl.u32 v4, $0x3  }
0x230: {  	v4 =	vshll.u32 v4, v49;
	v3 =	vmax.f32 v3, $0.0e+00  }
0x231: {  	[tilespmem:v2+s0+$0x0] =	vst.idx.msk $0xffff, v3;
	v2 =	vbroadcast v4, $0x0  }
0x232: {  	v3 =	vld [tilespmem:s11+$0xFFFFFF40]  }
0x233: {  	v4 =	vadd.s32 v53, v2;
	_ =	sdelay $0x3  }
0x234: {  	v3 =	vmax.f32 v3, $0.0e+00  }
0x235: {  	[tilespmem:v4+s0+$0x0] =	vst.idx.msk $0xffff, v3  }
0x236: {  	v3 =	vld [tilespmem:s11+$0xFFFFFF50]  }
0x237: {  	v2 =	vadd.s32 v54, v2  }
0x238: {  	s14 =	sadd.s32 $0x3, s12  }
0x239: {  	v4 =	vmov s14  }
0x23a: {  	v4 =	vshrl.u32 v4, $0x3  }
0x23b: {  	v4 =	vshll.u32 v4, v49;
	v3 =	vmax.f32 v3, $0.0e+00  }
0x23c: {  	[tilespmem:v2+s0+$0x0] =	vst.idx.msk $0xffff, v3;
	v2 =	vbroadcast v4, $0x0  }
0x23d: {  	v3 =	vld [tilespmem:s11+$0xFFFFFF60]  }
0x23e: {  	v4 =	vadd.s32 v55, v2;
	_ =	sdelay $0x3  }
0x23f: {  	v3 =	vmax.f32 v3, $0.0e+00  }
0x240: {  	[tilespmem:v4+s0+$0x0] =	vst.idx.msk $0xffff, v3  }
0x241: {  	v3 =	vld [tilespmem:s11+$0xFFFFFF70]  }
0x242: {  	v2 =	vadd.s32 v56, v2  }
0x243: {  	s15 =	sadd.s32 $0x4, s12  }
0x244: {  	v4 =	vmov s15  }
0x245: {  	v4 =	vshrl.u32 v4, $0x3  }
0x246: {  	v4 =	vshll.u32 v4, v49;
	v3 =	vmax.f32 v3, $0.0e+00  }
0x247: {  	[tilespmem:v2+s0+$0x0] =	vst.idx.msk $0xffff, v3;
	v2 =	vbroadcast v4, $0x0  }
0x248: {  	v3 =	vld [tilespmem:s11+$0xFFFFFF80]  }
0x249: {  	v4 =	vadd.s32 v57, v2;
	_ =	sdelay $0x3  }
0x24a: {  	v3 =	vmax.f32 v3, $0.0e+00  }
0x24b: {  	[tilespmem:v4+s0+$0x0] =	vst.idx.msk $0xffff, v3  }
0x24c: {  	v3 =	vld [tilespmem:s11+$0xFFFFFF90]  }
0x24d: {  	v2 =	vadd.s32 v58, v2  }
0x24e: {  	s16 =	sadd.s32 $0x5, s12  }
0x24f: {  	v4 =	vmov s16  }
0x250: {  	v4 =	vshrl.u32 v4, $0x3  }
0x251: {  	v4 =	vshll.u32 v4, v49;
	v3 =	vmax.f32 v3, $0.0e+00  }
0x252: {  	[tilespmem:v2+s0+$0x0] =	vst.idx.msk $0xffff, v3;
	v2 =	vbroadcast v4, $0x0  }
0x253: {  	v3 =	vld [tilespmem:s11+$0xFFFFFFA0]  }
0x254: {  	v4 =	vadd.s32 v59, v2;
	_ =	sdelay $0x3  }
0x255: {  	v3 =	vmax.f32 v3, $0.0e+00  }
0x256: {  	[tilespmem:v4+s0+$0x0] =	vst.idx.msk $0xffff, v3  }
0x257: {  	v3 =	vld [tilespmem:s11+$0xFFFFFFB0]  }
0x258: {  	v2 =	vadd.s32 v60, v2  }
0x259: {  	s14 =	sadd.s32 $0x6, s12  }
0x25a: {  	v4 =	vmov s14  }
0x25b: {  	v4 =	vshrl.u32 v4, $0x3  }
0x25c: {  	v4 =	vshll.u32 v4, v49;
	v3 =	vmax.f32 v3, $0.0e+00  }
0x25d: {  	[tilespmem:v2+s0+$0x0] =	vst.idx.msk $0xffff, v3;
	v2 =	vbroadcast v4, $0x0  }
0x25e: {  	v3 =	vld [tilespmem:s11+$0xFFFFFFC0]  }
0x25f: {  	v4 =	vadd.s32 v61, v2;
	_ =	sdelay $0x3  }
0x260: {  	v3 =	vmax.f32 v3, $0.0e+00  }
0x261: {  	[tilespmem:v4+s0+$0x0] =	vst.idx.msk $0xffff, v3  }
0x262: {  	v3 =	vld [tilespmem:s11+$0xFFFFFFD0]  }
0x263: {  	v2 =	vadd.s32 v62, v2  }
0x264: {  	s15 =	sadd.s32 $0x7, s12  }
0x265: {  	v4 =	vmov s15  }
0x266: {  	v4 =	vshrl.u32 v4, $0x3  }
0x267: {  	v4 =	vshll.u32 v4, v49;
	v3 =	vmax.f32 v3, $0.0e+00  }
0x268: {  	[tilespmem:v2+s0+$0x0] =	vst.idx.msk $0xffff, v3;
	v2 =	vbroadcast v4, $0x0  }
0x269: {  	v3 =	vld [tilespmem:s11+$0xFFFFFFE0]  }
0x26a: {  	v4 =	vadd.s32 v63, v2;
	_ =	sdelay $0x3  }
0x26b: {  	v3 =	vmax.f32 v3, $0.0e+00  }
0x26c: {  	[tilespmem:v4+s0+$0x0] =	vst.idx.msk $0xffff, v3  }
0x26d: {  	v3 =	vld [tilespmem:s11+$0xFFFFFFF0]  }
0x26e: {  	v2 =	vadd.s32 v1, v2  }
0x26f: {  	s16 =	sadd.s32 $0x8, s12  }
0x270: {  	v4 =	vmov s16  }
0x271: {  	v4 =	vshrl.u32 v4, $0x3  }
0x272: {  	v4 =	vshll.u32 v4, v49;
	v3 =	vmax.f32 v3, $0.0e+00  }
0x273: {  	[tilespmem:v2+s0+$0x0] =	vst.idx.msk $0xffff, v3;
	v2 =	vbroadcast v4, $0x0  }
0x274: {  	v3 =	vld [tilespmem:s11+$0x0]  }
0x275: {  	v4 =	vadd.s32 v47, v2;
	_ =	sdelay $0x3  }
0x276: {  	v3 =	vmax.f32 v3, $0.0e+00  }
0x277: {  	[tilespmem:v4+s0+$0x0] =	vst.idx.msk $0xffff, v3  }
0x278: {  	v3 =	vld [tilespmem:s11+$0x10]  }
0x279: {  	v2 =	vadd.s32 v50, v2  }
0x27a: {  	s14 =	sadd.s32 $0x9, s12  }
0x27b: {  	v4 =	vmov s14  }
0x27c: {  	v4 =	vshrl.u32 v4, $0x3  }
0x27d: {  	v4 =	vshll.u32 v4, v49;
	v3 =	vmax.f32 v3, $0.0e+00  }
0x27e: {  	[tilespmem:v2+s0+$0x0] =	vst.idx.msk $0xffff, v3;
	v2 =	vbroadcast v4, $0x0  }
0x27f: {  	v3 =	vld [tilespmem:s11+$0x20]  }
0x280: {  	v4 =	vadd.s32 v51, v2;
	_ =	sdelay $0x3  }
0x281: {  	v3 =	vmax.f32 v3, $0.0e+00  }
0x282: {  	[tilespmem:v4+s0+$0x0] =	vst.idx.msk $0xffff, v3  }
0x283: {  	v3 =	vld [tilespmem:s11+$0x30]  }
0x284: {  	v2 =	vadd.s32 v52, v2  }
0x285: {  	s15 =	sadd.s32 $0xA, s12  }
0x286: {  	v4 =	vmov s15  }
0x287: {  	v4 =	vshrl.u32 v4, $0x3  }
0x288: {  	v4 =	vshll.u32 v4, v49;
	v3 =	vmax.f32 v3, $0.0e+00  }
0x289: {  	[tilespmem:v2+s0+$0x0] =	vst.idx.msk $0xffff, v3;
	v2 =	vbroadcast v4, $0x0  }
0x28a: {  	v3 =	vld [tilespmem:s11+$0x40]  }
0x28b: {  	v4 =	vadd.s32 v53, v2;
	_ =	sdelay $0x3  }
0x28c: {  	v3 =	vmax.f32 v3, $0.0e+00  }
0x28d: {  	[tilespmem:v4+s0+$0x0] =	vst.idx.msk $0xffff, v3  }
0x28e: {  	v3 =	vld [tilespmem:s11+$0x50]  }
0x28f: {  	v2 =	vadd.s32 v54, v2  }
0x290: {  	s16 =	sadd.s32 $0xB, s12  }
0x291: {  	v4 =	vmov s16  }
0x292: {  	v4 =	vshrl.u32 v4, $0x3  }
0x293: {  	v4 =	vshll.u32 v4, v49;
	v3 =	vmax.f32 v3, $0.0e+00  }
0x294: {  	[tilespmem:v2+s0+$0x0] =	vst.idx.msk $0xffff, v3;
	v2 =	vbroadcast v4, $0x0  }
0x295: {  	v3 =	vld [tilespmem:s11+$0x60]  }
0x296: {  	v4 =	vadd.s32 v55, v2;
	_ =	sdelay $0x3  }
0x297: {  	v3 =	vmax.f32 v3, $0.0e+00  }
0x298: {  	[tilespmem:v4+s0+$0x0] =	vst.idx.msk $0xffff, v3  }
0x299: {  	v3 =	vld [tilespmem:s11+$0x70]  }
0x29a: {  	v2 =	vadd.s32 v56, v2  }
0x29b: {  	s14 =	sadd.s32 $0xC, s12  }
0x29c: {  	v4 =	vmov s14  }
0x29d: {  	v4 =	vshrl.u32 v4, $0x3  }
0x29e: {  	v4 =	vshll.u32 v4, v49;
	v3 =	vmax.f32 v3, $0.0e+00  }
0x29f: {  	[tilespmem:v2+s0+$0x0] =	vst.idx.msk $0xffff, v3;
	v2 =	vbroadcast v4, $0x0  }
0x2a0: {  	v3 =	vld [tilespmem:s11+$0x80]  }
0x2a1: {  	v4 =	vadd.s32 v57, v2;
	_ =	sdelay $0x3  }
0x2a2: {  	v3 =	vmax.f32 v3, $0.0e+00  }
0x2a3: {  	[tilespmem:v4+s0+$0x0] =	vst.idx.msk $0xffff, v3  }
0x2a4: {  	v3 =	vld [tilespmem:s11+$0x90]  }
0x2a5: {  	v2 =	vadd.s32 v58, v2  }
0x2a6: {  	s15 =	sadd.s32 $0xD, s12  }
0x2a7: {  	v4 =	vmov s15  }
0x2a8: {  	v4 =	vshrl.u32 v4, $0x3  }
0x2a9: {  	v4 =	vshll.u32 v4, v49;
	v3 =	vmax.f32 v3, $0.0e+00  }
0x2aa: {  	[tilespmem:v2+s0+$0x0] =	vst.idx.msk $0xffff, v3;
	v2 =	vbroadcast v4, $0x0  }
0x2ab: {  	v3 =	vld [tilespmem:s11+$0xA0]  }
0x2ac: {  	v4 =	vadd.s32 v59, v2;
	_ =	sdelay $0x3  }
0x2ad: {  	v3 =	vmax.f32 v3, $0.0e+00  }
0x2ae: {  	[tilespmem:v4+s0+$0x0] =	vst.idx.msk $0xffff, v3  }
0x2af: {  	v3 =	vld [tilespmem:s11+$0xB0]  }
0x2b0: {  	v2 =	vadd.s32 v60, v2  }
0x2b1: {  	s16 =	sadd.s32 $0xE, s12  }
0x2b2: {  	v4 =	vmov s16  }
0x2b3: {  	v4 =	vshrl.u32 v4, $0x3  }
0x2b4: {  	v4 =	vshll.u32 v4, v49;
	v3 =	vmax.f32 v3, $0.0e+00  }
0x2b5: {  	[tilespmem:v2+s0+$0x0] =	vst.idx.msk $0xffff, v3;
	v2 =	vbroadcast v4, $0x0  }
0x2b6: {  	v3 =	vld [tilespmem:s11+$0xC0]  }
0x2b7: {  	v4 =	vadd.s32 v61, v2;
	_ =	sdelay $0x3  }
0x2b8: {  	v3 =	vmax.f32 v3, $0.0e+00  }
0x2b9: {  	[tilespmem:v4+s0+$0x0] =	vst.idx.msk $0xffff, v3  }
0x2ba: {  	v3 =	vld [tilespmem:s11+$0xD0]  }
0x2bb: {  	v2 =	vadd.s32 v62, v2  }
0x2bc: {  	s13 =	sadd.s32 $0xF, s12  }
0x2bd: {  	v4 =	vmov s13  }
0x2be: {  	v4 =	vshrl.u32 v4, $0x3  }
0x2bf: {  	v4 =	vshll.u32 v4, v49;
	v3 =	vmax.f32 v3, $0.0e+00  }
0x2c0: {  	[tilespmem:v2+s0+$0x0] =	vst.idx.msk $0xffff, v3;
	v2 =	vbroadcast v4, $0x0  }
0x2c1: {  	v3 =	vld [tilespmem:s11+$0xE0]  }
0x2c2: {  	v4 =	vadd.s32 v63, v2;
	_ =	sdelay $0x3  }
0x2c3: {  	s14 =	smulhi.u32 $0x51EB851F, s30;
	v3 =	vmax.f32 v3, $0.0e+00  }
0x2c4: {  	[tilespmem:v4+s0+$0x0] =	vst.idx.msk $0xffff, v3  }
0x2c5: {  	s15 =	sshrl.u32 s14, $0x4;
	v3 =	vld [tilespmem:s11+$0xF0]  }
0x2c6: {  	s12 =	smul.u32 $0x32, s15;
	v1 =	vadd.s32 v1, v2;
	_ =	sdelay $0x1  }
0x2c7: {  	s12 =	ssub.s32 s30, s12  }
0x2c8: {  	s13 =	sshll.u32 s12, $0x10;
	s11 =	sadd.s32 s6, s15  }
0x2c9: {  	s15 =	sadd.s32 s2, s13;
	s14 =	sshll.u32 s11, $0x7;
	v2 =	vmax.f32 v3, $0.0e+00  }
0x2ca: {  	s1 =	sadd.s32 $0x9, s1;
	s15 =	sadd.s32 s14, s15;
	[tilespmem:v1+s0+$0x0] =	vst.idx.msk $0xffff, v2  }
0x2cb: {  	[hbm4b:s15+s3] =	stream.linear.scatter [tilespmem:s0], [sflag:s1], $0x80, $0x38;
	[tilespmem:$0x12C00] =	vst v63  }
0x2cc: {  	s16 =	sadd.s32 $0x10, s15;
	s0 =	sadd.s32 $0xE888, s31  }
0x2cd: {  	[hbm4b:s16+s3] =	stream.linear.scatter [tilespmem:s0], [sflag:s1], $0x80, $0x38;
	[tilespmem:$0x12C00] =	vst v63  }
0x2ce: {  	s0 =	sadd.s32 $0xE910, s31;
	s16 =	sadd.s32 $0x20, s15  }
0x2cf: {  	[hbm4b:s16+s3] =	stream.linear.scatter [tilespmem:s0], [sflag:s1], $0x80, $0x38;
	[tilespmem:$0x12C00] =	vst v63  }
0x2d0: {  	s0 =	sadd.s32 $0xE998, s31;
	s16 =	sadd.s32 $0x30, s15  }
0x2d1: {  	[hbm4b:s16+s3] =	stream.linear.scatter [tilespmem:s0], [sflag:s1], $0x80, $0x38;
	[tilespmem:$0x12C00] =	vst v63  }
0x2d2: {  	s0 =	sadd.s32 $0xEA20, s31;
	s16 =	sadd.s32 $0x40, s15  }
0x2d3: {  	[hbm4b:s16+s3] =	stream.linear.scatter [tilespmem:s0], [sflag:s1], $0x80, $0x38;
	[tilespmem:$0x12C00] =	vst v63  }
0x2d4: {  	s0 =	sadd.s32 $0xEAA8, s31;
	s16 =	sadd.s32 $0x50, s15  }
0x2d5: {  	[hbm4b:s16+s3] =	stream.linear.scatter [tilespmem:s0], [sflag:s1], $0x80, $0x38;
	[tilespmem:$0x12C00] =	vst v63  }
0x2d6: {  	s12 =	sshll.u32 s12, $0x9;
	s0 =	sadd.s32 $0xEB30, s31;
	s16 =	sadd.s32 $0x60, s15  }
0x2d7: {  	[hbm4b:s16+s3] =	stream.linear.scatter [tilespmem:s0], [sflag:s1], $0x80, $0x38;
	[tilespmem:$0x12C00] =	vst v63  }
0x2d8: {  	s0 =	sadd.s32 s12, s11  }
0x2d9: {  	s15 =	sadd.s32 $0x70, s15;
	s16 =	sadd.s32 $0xEBB8, s31;
	s0 =	sshll.u32 s0, $0x7  }
0x2da: {  	[hbm4b:s15+s3] =	stream.linear.scatter [tilespmem:s16], [sflag:s1], $0x80, $0x38;
	[tilespmem:$0x12C00] =	vst v63  }
0x2db: {  	s15 =	sadd.s32 $0x4000, s0  }
0x2dc: {  	s11 =	sand.u32 $0x1FFFFF80, s15  }
0x2dd: {  	s16 =	sadd.s32 $0xEC40, s31;
	s11 =	sadd.s32 s2, s11  }
0x2de: {  	[hbm4b:s11+s3] =	stream.linear.scatter [tilespmem:s16], [sflag:s1], $0x80, $0x38;
	[tilespmem:$0x12C00] =	vst v63  }
0x2df: {  	s15 =	sadd.s32 $0xECC8, s31;
	s16 =	sadd.s32 $0x10, s11  }
0x2e0: {  	[hbm4b:s16+s3] =	stream.linear.scatter [tilespmem:s15], [sflag:s1], $0x80, $0x38;
	[tilespmem:$0x12C00] =	vst v63  }
0x2e1: {  	s15 =	sadd.s32 $0xED50, s31;
	s16 =	sadd.s32 $0x20, s11  }
0x2e2: {  	[hbm4b:s16+s3] =	stream.linear.scatter [tilespmem:s15], [sflag:s1], $0x80, $0x38;
	[tilespmem:$0x12C00] =	vst v63  }
0x2e3: {  	s15 =	sadd.s32 $0xEDD8, s31;
	s16 =	sadd.s32 $0x30, s11  }
0x2e4: {  	[hbm4b:s16+s3] =	stream.linear.scatter [tilespmem:s15], [sflag:s1], $0x80, $0x38;
	[tilespmem:$0x12C00] =	vst v63  }
0x2e5: {  	s15 =	sadd.s32 $0xEE60, s31;
	s16 =	sadd.s32 $0x40, s11  }
0x2e6: {  	[hbm4b:s16+s3] =	stream.linear.scatter [tilespmem:s15], [sflag:s1], $0x80, $0x38;
	[tilespmem:$0x12C00] =	vst v63  }
0x2e7: {  	s15 =	sadd.s32 $0xEEE8, s31;
	s16 =	sadd.s32 $0x50, s11  }
0x2e8: {  	[hbm4b:s16+s3] =	stream.linear.scatter [tilespmem:s15], [sflag:s1], $0x80, $0x38;
	[tilespmem:$0x12C00] =	vst v63  }
0x2e9: {  	s15 =	sadd.s32 $0xEF70, s31;
	s16 =	sadd.s32 $0x60, s11  }
0x2ea: {  	[hbm4b:s16+s3] =	stream.linear.scatter [tilespmem:s15], [sflag:s1], $0x80, $0x38;
	[tilespmem:$0x12C00] =	vst v63  }
0x2eb: {  	s12 =	sand.u32 $0x1FFF7F80, s14;
	s11 =	sadd.s32 $0x70, s11;
	s16 =	sadd.s32 $0xEFF8, s31  }
0x2ec: {  	[hbm4b:s11+s3] =	stream.linear.scatter [tilespmem:s16], [sflag:s1], $0x80, $0x38;
	[tilespmem:$0x12C00] =	vst v63  }
0x2ed: {  	s11 =	sor.u32 s12, s13  }
0x2ee: {  	s14 =	sadd.s32 $0xF080, s31;
	s11 =	sadd.s32 s11, s7  }
0x2ef: {  	[hbm4b:s11+s3] =	stream.linear.scatter [tilespmem:s14], [sflag:s1], $0x80, $0x38;
	[tilespmem:$0x12C00] =	vst v63  }
0x2f0: {  	s15 =	sadd.s32 $0xF108, s31;
	s16 =	sadd.s32 $0x10, s11  }
0x2f1: {  	[hbm4b:s16+s3] =	stream.linear.scatter [tilespmem:s15], [sflag:s1], $0x80, $0x38;
	[tilespmem:$0x12C00] =	vst v63  }
0x2f2: {  	s13 =	sadd.s32 $0xF190, s31;
	s14 =	sadd.s32 $0x20, s11  }
0x2f3: {  	[hbm4b:s14+s3] =	stream.linear.scatter [tilespmem:s13], [sflag:s1], $0x80, $0x38;
	[tilespmem:$0x12C00] =	vst v63  }
0x2f4: {  	s15 =	sadd.s32 $0xF218, s31;
	s16 =	sadd.s32 $0x30, s11  }
0x2f5: {  	[hbm4b:s16+s3] =	stream.linear.scatter [tilespmem:s15], [sflag:s1], $0x80, $0x38;
	[tilespmem:$0x12C00] =	vst v63  }
0x2f6: {  	s13 =	sadd.s32 $0xF2A0, s31;
	s14 =	sadd.s32 $0x40, s11  }
0x2f7: {  	[hbm4b:s14+s3] =	stream.linear.scatter [tilespmem:s13], [sflag:s1], $0x80, $0x38;
	[tilespmem:$0x12C00] =	vst v63  }
0x2f8: {  	s15 =	sadd.s32 $0xF328, s31;
	s16 =	sadd.s32 $0x50, s11  }
0x2f9: {  	[hbm4b:s16+s3] =	stream.linear.scatter [tilespmem:s15], [sflag:s1], $0x80, $0x38;
	[tilespmem:$0x12C00] =	vst v63  }
0x2fa: {  	s0 =	sadd.s32 $0xC000, s0;
	s14 =	sadd.s32 $0xF3B0, s31;
	s15 =	sadd.s32 $0x60, s11  }
0x2fb: {  	[hbm4b:s15+s3] =	stream.linear.scatter [tilespmem:s14], [sflag:s1], $0x80, $0x38;
	[tilespmem:$0x12C00] =	vst v63  }
0x2fc: {  	s0 =	sand.u32 $0x1FFFFF80, s0;
	s16 =	sadd.s32 $0xF438, s31;
	s11 =	sadd.s32 $0x70, s11  }
0x2fd: {  	[hbm4b:s11+s3] =	stream.linear.scatter [tilespmem:s16], [sflag:s1], $0x80, $0x38;
	[tilespmem:$0x12C00] =	vst v63  }
0x2fe: {  	s0 =	sadd.s32 s2, s0;
	s12 =	sadd.s32 $0xF4C0, s31  }
0x2ff: {  	[hbm4b:s0+s3] =	stream.linear.scatter [tilespmem:s12], [sflag:s1], $0x80, $0x38;
	[tilespmem:$0x12C00] =	vst v63  }
0x300: {  	s13 =	sadd.s32 $0xF548, s31;
	s14 =	sadd.s32 $0x10, s0  }
0x301: {  	[hbm4b:s14+s3] =	stream.linear.scatter [tilespmem:s13], [sflag:s1], $0x80, $0x38;
	[tilespmem:$0x12C00] =	vst v63  }
0x302: {  	s15 =	sadd.s32 $0xF5D0, s31;
	s16 =	sadd.s32 $0x20, s0  }
0x303: {  	[hbm4b:s16+s3] =	stream.linear.scatter [tilespmem:s15], [sflag:s1], $0x80, $0x38;
	[tilespmem:$0x12C00] =	vst v63  }
0x304: {  	s13 =	sadd.s32 $0xF658, s31;
	s14 =	sadd.s32 $0x30, s0  }
0x305: {  	[hbm4b:s14+s3] =	stream.linear.scatter [tilespmem:s13], [sflag:s1], $0x80, $0x38;
	[tilespmem:$0x12C00] =	vst v63  }
0x306: {  	s30 =	sadd.s32 $0x1, s30;
	s15 =	sadd.s32 $0xF6E0, s31;
	s16 =	sadd.s32 $0x40, s0  }
0x307: {  	[hbm4b:s16+s3] =	stream.linear.scatter [tilespmem:s15], [sflag:s1], $0x80, $0x38;
	[tilespmem:$0x12C00] =	vst v63  }
0x308: {  	p0 =	sne.s32 s30, $0xC8;
	s13 =	sadd.s32 $0xF768, s31;
	s14 =	sadd.s32 $0x50, s0  }
0x309: {  	[hbm4b:s14+s3] =	stream.linear.scatter [tilespmem:s13], [sflag:s1], $0x80, $0x38;
	[tilespmem:$0x12C00] =	vst v63  }
.Ltmp1:
0x30a: {  	_ = 	snop;
	(pc) =	sbr.rel @p0 .LBB2_2-.Ltmp1, $4  }
0x30b: {  	s15 =	sadd.s32 $0xF7F0, s31;
	s16 =	sadd.s32 $0x60, s0  }
0x30c: {  	[hbm4b:s16+s3] =	stream.linear.scatter [tilespmem:s15], [sflag:s1], $0x80, $0x38;
	[tilespmem:$0x12C00] =	vst v63  }
0x30d: {  	s29 =	sadd.s32 $0x1, s29;
	s31 =	sadd.s32 $0xF878, s31;
	s0 =	sadd.s32 $0x70, s0  }
0x30e: {  	[hbm4b:s0+s3] =	stream.linear.scatter [tilespmem:s31], [sflag:s1], $0x80, $0x38;
	[tilespmem:$0x12C00] =	vst v63  }
0x30f: {  	_ =	swait.ge [sflag:s23], $0x400  }
0x310: {  	[sflag:s23] =	ssyncset.done $0x0  }
0x311: {  	[sflag:s23] =	ssyncadd.s32 $0xFFFFFC00  }
0x312: {  	_ =	swait.ge [sflag:s23], $0x400  }
0x313: {  	[sflag:s23] =	ssyncset.done $0x0  }
0x314: {  	[sflag:s23] =	ssyncadd.s32 $0xFFFFFC00  }
0x315: {  	_ =	swait.ge [sflag:s23], $0x400  }
0x316: {  	[sflag:s23] =	ssyncset.done $0x0  }
0x317: {  	[sflag:s23] =	ssyncadd.s32 $0xFFFFFC00  }
0x318: {  	_ =	swait.ge [sflag:s23], $0x400  }
0x319: {  	[sflag:s23] =	ssyncset.done $0x0  }
0x31a: {  	[sflag:s23] =	ssyncadd.s32 $0xFFFFFC00  }
0x31b: {  	_ =	swait.ge [sflag:s24], $0x400  }
0x31c: {  	[sflag:s24] =	ssyncset.done $0x0  }
0x31d: {  	[sflag:s24] =	ssyncadd.s32 $0xFFFFFC00  }
0x31e: {  	_ =	swait.ge [sflag:s24], $0x400  }
0x31f: {  	[sflag:s24] =	ssyncset.done $0x0  }
0x320: {  	[sflag:s24] =	ssyncadd.s32 $0xFFFFFC00  }
0x321: {  	_ =	swait.ge [sflag:s24], $0x400  }
0x322: {  	[sflag:s24] =	ssyncset.done $0x0  }
0x323: {  	[sflag:s24] =	ssyncadd.s32 $0xFFFFFC00  }
0x324: {  	_ =	swait.ge [sflag:s24], $0x400  }
0x325: {  	[sflag:s24] =	ssyncset.done $0x0  }
0x326: {  	[sflag:s24] =	ssyncadd.s32 $0xFFFFFC00  }
0x327: {  	_ =	swait.ge [sflag:s25], $0x400  }
0x328: {  	[sflag:s25] =	ssyncset.done $0x0  }
0x329: {  	[sflag:s25] =	ssyncadd.s32 $0xFFFFFC00  }
0x32a: {  	_ =	swait.ge [sflag:s25], $0x400  }
0x32b: {  	[sflag:s25] =	ssyncset.done $0x0  }
0x32c: {  	[sflag:s25] =	ssyncadd.s32 $0xFFFFFC00  }
0x32d: {  	_ =	swait.ge [sflag:s25], $0x400  }
0x32e: {  	[sflag:s25] =	ssyncset.done $0x0  }
0x32f: {  	[sflag:s25] =	ssyncadd.s32 $0xFFFFFC00  }
0x330: {  	_ =	swait.ge [sflag:s25], $0x400  }
0x331: {  	[sflag:s25] =	ssyncset.done $0x0  }
0x332: {  	[sflag:s25] =	ssyncadd.s32 $0xFFFFFC00  }
0x333: {  	_ =	swait.ge [sflag:s26], $0x400  }
0x334: {  	[sflag:s26] =	ssyncset.done $0x0  }
0x335: {  	[sflag:s26] =	ssyncadd.s32 $0xFFFFFC00  }
0x336: {  	_ =	swait.ge [sflag:s26], $0x400  }
0x337: {  	[sflag:s26] =	ssyncset.done $0x0  }
0x338: {  	s28 =	sadd.s32 $0x1, s28;
	[sflag:s26] =	ssyncadd.s32 $0xFFFFFC00  }
0x339: {  	p0 =	sne.s32 s28, s8;
	_ =	swait.ge [sflag:s26], $0x400  }
.Ltmp2:
0x33a: {  	[sflag:s26] =	ssyncset.done $0x0;
	(pc) =	sbr.rel @p0 .LBB2_1-.Ltmp2, $4  }
0x33b: {  	[sflag:s26] =	ssyncadd.s32 $0xFFFFFC00  }
0x33c: {  	_ =	swait.ge [sflag:s26], $0x400  }
0x33d: {  	[sflag:s26] =	ssyncset.done $0x0  }
0x33e: {  	[sflag:s26] =	ssyncadd.s32 $0xFFFFFC00  }
0x33f: {  	_ =	sfence.sel $0x180000  }
0x340: {  	[bflag:$0x0] =	sbarrier.arrive $0xFFFF  }
0x341: {  	_ =	strace $0x90000047  }
0x342: {  	s0 =	stileid.u32;
	[bflag:$0x2] =	sbarrier.arrive $0xFFFF  }
0x343: {  	p0 =	sne.s32 s0, $0x0;
	s0 =	rddreg [dreg:$0x2]  }
0x344: {  	s0 =	sadd.s32 @!p0 $0x100000, s0  }
0x345: {  	[sflag:s0] =	ssyncadd.tile.s32 @!p0 $0x1;
	_ =	shalt  }
.Lfunc_end2:
_tile_overlayer_lowered:
.L_overlay_start_2:
0x346: {  	(tag) =	ssettag $0x2  }
0x347: {  	s0 =	rddreg [dreg:$0x0];
	s2 =	stileid.u32  }
0x348: {  	s1 =	rddreg [dreg:$0x1];
	p0 =	sne.s32 s2, $0x0  }
0x349: {  	s3 =	rddreg [dreg:$0x2];
	[bflag:$0x3] =	sbarrier.arrive $0xFFFF;
	s2 =	simm.s32 @!p0 $0x1C0D  }
0x34a: {  	[timem:s3], [sflag:s2] =	dma.local @!p0 [hbm:s0], s1  }
0x34b: {  	s0 =	simm.s32 @!p0 $0xD  }
0x34c: {  	_ =	swait.ge @!p0 [sflag:s0], s1  }
0x34d: {  	s1 =	ssub.s32 @!p0 $0x0, s1;
	[sflag:s0] =	ssyncset.done @!p0 $0x0  }
0x34e: {  	[sflag:s0] =	ssyncadd.s32 @!p0 s1  }
0x34f: {  	[bflag:$0x3] =	sbarrier.arrive $0xFFFF  }
0x350: {  	_ =	shalt  }

</sc_bundles>
